<compile_context>
chip_gen: v7x
topology: tpu7x:2x2x1
jax: 0.10.2.dev20260603
libtpu: 0.0.44.dev20260713+nightly
codegen_flags: <defaults>
</compile_context>

<pallas_src>
import numpy as np
import jax
import jax.numpy as jnp
from jax.experimental import pallas as pl
from jax.experimental.pallas import tpu as pltpu
from jax.experimental.pallas import tpu_sc as plsc

B, S, D, H, L, T, INTER, NCLS = 8, 512, 128, 8, 4, 64, 512, 2
VOCAB = 100000
DH = D // H
SCALE = float(1.0 / np.sqrt(DH))
NEG = -1e9


def _sinusoidal_pos(S, D):
    pos = np.arange(S)[:, None].astype(np.float64)
    i = np.arange(D)[None, :]
    angle = pos / np.power(10000.0, (2 * (i // 2)) / D)
    pe = np.where(i % 2 == 0, np.sin(angle), np.cos(angle))
    return pe.astype(np.float32)


_PE = _sinusoidal_pos(S, D)



_GATHER_WINDOW = 128


def _sc_gather(emb_table, flat_ids):
    n = flat_ids.shape[1]
    mesh = plsc.VectorSubcoreMesh(core_axis_name="c", subcore_axis_name="s")

    @pl.kernel(
        out_type=jax.ShapeDtypeStruct((n, emb_table.shape[1]), emb_table.dtype),
        mesh=mesh,
    )
    def emb_gather(tbl_hbm, ids_hbm, out_hbm):
        def body(ids_vmem, out_vmem):
            pltpu.sync_copy(tbl_hbm.at[ids_vmem.at[0]], out_vmem)

        pltpu.emit_pipeline(
            body,
            grid=(n // _GATHER_WINDOW,),
            in_specs=[
                pl.BlockSpec((1, _GATHER_WINDOW), index_map=lambda i: (0, i))
            ],
            out_specs=[
                pl.BlockSpec(
                    (_GATHER_WINDOW, emb_table.shape[1]),
                    index_map=lambda i: (i, 0),
                )
            ],
            core_axis_name=("c", "s"),
            dimension_semantics=(pltpu.PARALLEL,),
        )(ids_hbm, out_hbm)

    return emb_gather(emb_table, flat_ids)




def _dot(a, b):
    return jnp.dot(a, b, preferred_element_type=jnp.float32)


def _gat_kernel(
    h0_ref, pe_ref, adj_ref, et_ref, etab_ref,
    wq_ref, wk_ref, wv_ref, wo_ref, w1_ref, w2_ref,
    b1_ref, b2_ref, wcls_ref, bcls_ref,
    out_ref,
    w_s,
):
    b = pl.program_id(0)

    @pl.when(b == 0)
    def _():
        etab = etab_ref[...]
        for li in range(L):
            wq = wq_ref[li]
            wk = wk_ref[li]
            wv = wv_ref[li]
            wo = wo_ref[li]
            for h in range(H):
                sl = slice(h * DH, (h + 1) * DH)
                wq_h = wq[:, sl] * SCALE
                a_h = jax.lax.dot_general(
                    wq_h, wk[:, sl], (((1,), (1,)), ((), ())),
                    preferred_element_type=jnp.float32)
                b_h = jax.lax.dot_general(
                    wq_h, etab[:, sl], (((1,), (1,)), ((), ())),
                    preferred_element_type=jnp.float32)
                c_h = _dot(wv[:, sl], wo[sl, :])
                w_s[li, h] = jnp.concatenate(
                    [a_h, c_h, b_h, jnp.zeros((D, D - T), jnp.float32)],
                    axis=1).astype(jnp.bfloat16)

    row = jax.lax.broadcasted_iota(jnp.int32, (S, S), 0)
    col = jax.lax.broadcasted_iota(jnp.int32, (S, S), 1)
    mask = (adj_ref[0].astype(jnp.int32) > 0) | (row == col)
    gidx = jnp.where(mask, et_ref[0].astype(jnp.int32), T)
    negpad = jnp.concatenate(
        [jnp.zeros((S, T), jnp.float32), jnp.full((S, D - T), NEG, jnp.float32)],
        axis=1)

    hb = h0_ref[0] + pe_ref[...]
    for l in range(L):
        hb16 = hb.astype(jnp.bfloat16)
        acc = jnp.zeros((S, D), jnp.float32)
        for h in range(H):
            pcv = _dot(hb16, w_s[l, h])
            p = pcv[:, :D].astype(jnp.bfloat16)
            qk = jax.lax.dot_general(
                p, hb16, (((1,), (1,)), ((), ())),
                preferred_element_type=jnp.float32)
            tab = pcv[:, 2 * D:] + negpad
            t = qk + jnp.take_along_axis(tab, gidx, axis=1)
            e = jnp.exp(t.astype(jnp.bfloat16))
            v = pcv[:, D:2 * D].astype(jnp.bfloat16)
            v2 = jnp.concatenate([v, jnp.ones((S, D), jnp.bfloat16)], axis=1)
            uv = _dot(e, v2)
            acc = acc + uv[:, :D] / uv[:, D:]

        h1 = hb + acc
        f = jnp.maximum(
            _dot(h1.astype(jnp.bfloat16), w1_ref[l].astype(jnp.bfloat16))
            + b1_ref[l], 0.0)
        hb = h1 + _dot(f, w2_ref[l]) + b2_ref[l]

    cls = hb[0:1, :]
    out_ref[pl.ds(b, 1), :] = _dot(cls, wcls_ref[...]) + bcls_ref[...]


def _tc_forward(h0, adj8, et8, edge_table, Wq, Wk, Wv, Wo, W1, W2,
                b1r, b2r, W_cls, bclsr):
    bl = h0.shape[0]
    grid = (bl,)
    return pl.pallas_call(
        _gat_kernel,
        grid=grid,
        in_specs=[
            pl.BlockSpec((1, S, D), lambda b: (b, 0, 0)),
            pl.BlockSpec((S, D), lambda b: (0, 0)),
            pl.BlockSpec((1, S, S), lambda b: (b, 0, 0)),
            pl.BlockSpec((1, S, S), lambda b: (b, 0, 0)),
            pl.BlockSpec((T, D), lambda b: (0, 0)),
            pl.BlockSpec((L, D, D), lambda b: (0, 0, 0)),
            pl.BlockSpec((L, D, D), lambda b: (0, 0, 0)),
            pl.BlockSpec((L, D, D), lambda b: (0, 0, 0)),
            pl.BlockSpec((L, D, D), lambda b: (0, 0, 0)),
            pl.BlockSpec((L, D, INTER), lambda b: (0, 0, 0)),
            pl.BlockSpec((L, INTER, D), lambda b: (0, 0, 0)),
            pl.BlockSpec((L, 1, INTER), lambda b: (0, 0, 0)),
            pl.BlockSpec((L, 1, D), lambda b: (0, 0, 0)),
            pl.BlockSpec((D, NCLS), lambda b: (0, 0)),
            pl.BlockSpec((1, NCLS), lambda b: (0, 0)),
        ],
        out_specs=pl.BlockSpec((bl, NCLS), lambda b: (0, 0)),
        out_shape=jax.ShapeDtypeStruct((bl, NCLS), jnp.float32),
        scratch_shapes=[
            pltpu.VMEM((L, H, D, 3 * D), jnp.bfloat16),
        ],
        compiler_params=pltpu.CompilerParams(
            dimension_semantics=("arbitrary",),
        ),
    )(h0, jnp.asarray(_PE), adj8, et8, edge_table, Wq, Wk, Wv, Wo, W1, W2,
      b1r, b2r, W_cls, bclsr)


def kernel(word_ids, adj, edge_types, emb_table, edge_table,
           Wq, Wk, Wv, Wo, W1, W2, b1, b2, W_cls, b_cls):
    flat_ids = word_ids.astype(jnp.int32).reshape(1, B * S)
    adj8 = adj.astype(jnp.int8)
    et8 = edge_types.astype(jnp.int8)
    b1r = b1.reshape(L, 1, INTER)
    b2r = b2.reshape(L, 1, D)
    bclsr = b_cls.reshape(1, NCLS)

    h0 = _sc_gather(emb_table, flat_ids).reshape(B, S, D)
    return _tc_forward(h0, adj8, et8, edge_table, Wq, Wk, Wv, Wo,
                       W1, W2, b1r, b2r, W_cls, bclsr)

# --- scband reference (transcript-rebuilt; emitter-appended) ---
"""Pipeline reference for scband-gatfor-sequence-classification-32770600469097 (READ-ONLY COPY).

The authoritative reference and input builder live on the scoring server;
editing this copy changes nothing except your own understanding.
"""

import jax, jax.numpy as jnp
import numpy as np

B, S, D, H, L, T, INTER, NCLS, VOCAB, CLS_ID = 8, 512, 128, 8, 4, 64, 512, 2, 100000, 1


def sinusoidal_pos(S, D):
    pos = np.arange(S)[:, None].astype(np.float64)
    i = np.arange(D)[None, :]
    angle = pos / np.power(10000.0, (2 * (i // 2)) / D)
    pe = np.where(i % 2 == 0, np.sin(angle), np.cos(angle))
    return jnp.asarray(pe, dtype=jnp.float32)


def setup_inputs(seed: int = 0) -> dict:
    key = jax.random.key(seed)
    ks = jax.random.split(key, 16)
    word_ids = jax.random.randint(ks[0], (B, S), 0, VOCAB, dtype=jnp.int64 if jax.config.jax_enable_x64 else jnp.int32)
    word_ids = word_ids.at[:, 0].set(CLS_ID)  # enforce CLS token at position 0
    adj = jax.random.randint(ks[1], (B, S, S), 0, 2)
    edge_types = jax.random.randint(ks[2], (B, S, S), 0, T)
    emb_table = jax.random.normal(ks[3], (VOCAB, D), dtype=jnp.float32) * 0.02
    edge_table = jax.random.normal(ks[4], (T, D), dtype=jnp.float32) * 0.02
    Wq = jax.random.normal(ks[5], (L, D, D), dtype=jnp.float32) * 0.02
    Wk = jax.random.normal(ks[6], (L, D, D), dtype=jnp.float32) * 0.02
    Wv = jax.random.normal(ks[7], (L, D, D), dtype=jnp.float32) * 0.02
    Wo = jax.random.normal(ks[8], (L, D, D), dtype=jnp.float32) * 0.02
    W1 = jax.random.normal(ks[9], (L, D, INTER), dtype=jnp.float32) * 0.02
    W2 = jax.random.normal(ks[10], (L, INTER, D), dtype=jnp.float32) * 0.02
    b1 = jnp.zeros((L, INTER), dtype=jnp.float32)
    b2 = jnp.zeros((L, D), dtype=jnp.float32)
    W_cls = jax.random.normal(ks[11], (D, NCLS), dtype=jnp.float32) * 0.02
    b_cls = jnp.zeros((NCLS,), dtype=jnp.float32)
    return {"word_ids": word_ids, "adj": adj, "edge_types": edge_types, "emb_table": emb_table, "edge_table": edge_table, "Wq": Wq, "Wk": Wk, "Wv": Wv, "Wo": Wo, "W1": W1, "W2": W2, "b1": b1, "b2": b2, "W_cls": W_cls, "b_cls": b_cls}


def reference(word_ids, adj, edge_types, emb_table, edge_table, Wq, Wk, Wv, Wo, W1, W2, b1, b2, W_cls, b_cls):
    Bc, Sc = word_ids.shape
    Dc = emb_table.shape[1]
    dh = Dc // H
    # node features: word embedding (gather) + positional embedding
    h = jnp.take(emb_table, word_ids, axis=0) + sinusoidal_pos(Sc, Dc)[None]
    # adjacency mask with forced self-loops
    eye = jnp.eye(Sc, dtype=adj.dtype)[None]
    mask = (adj + eye) > 0
    et = edge_table.reshape(T, H, dh)
    scale = 1.0 / jnp.sqrt(jnp.float32(dh))
    idx = jnp.broadcast_to(edge_types[:, None, :, :], (Bc, H, Sc, Sc))
    for l in range(L):
        q = (h @ Wq[l]).reshape(Bc, Sc, H, dh).transpose(0, 2, 1, 3)
        k = (h @ Wk[l]).reshape(Bc, Sc, H, dh).transpose(0, 2, 1, 3)
        v = (h @ Wv[l]).reshape(Bc, Sc, H, dh).transpose(0, 2, 1, 3)
        scores = jnp.einsum('bhid,bhjd->bhij', q, k)
        # key edge-feature contribution: q_i . e_{type(i,j)} gathered per edge
        qe = jnp.einsum('bhid,thd->bhit', q, et)
        ebias = jnp.take_along_axis(qe, idx, axis=3)
        scores = (scores + ebias) * scale
        scores = jnp.where(mask[:, None, :, :], scores, jnp.float32(-1e9))
        attn = jax.nn.softmax(scores, axis=-1)
        ctx = jnp.einsum('bhij,bhjd->bhid', attn, v)
        ctx = ctx.transpose(0, 2, 1, 3).reshape(Bc, Sc, Dc)
        h = h + ctx @ Wo[l]
        ffn = jax.nn.relu(h @ W1[l] + b1[l]) @ W2[l] + b2[l]
        h = h + ffn
    cls_h = h[:, 0]
    logits = cls_h @ W_cls + b_cls
    return logits

if __name__ == "__main__":
    import jax
    _d = setup_inputs()
    print(jax.jit(kernel)(*tuple(_d.values())))

</pallas_src>

<mosaic_0001>
#map = affine_map<(d0, d1) -> (0, 0)>
module attributes {stable_mosaic.version = 14 : i64} {
  func.func @emb_gather(%arg0: i32, %arg1: i32, %arg2: memref<100000x128xf32, #tpu.memory_space<hbm>>, %arg3: memref<1x4096xi32, #tpu.memory_space<hbm>>, %arg4: memref<4096x128xf32, #tpu.memory_space<hbm>>) attributes {dimension_semantics = [#tpu.dimension_semantics<core_parallel>, #tpu.dimension_semantics<subcore_parallel>], iteration_bounds = array<i64: 2, 16>, scalar_prefetch = 0 : i64, scratch_operands = 0 : i64, tpu.core_type = #tpu.core_type<sc_vector_subcore>, window_params = [{transform_indices = #map}, {transform_indices = #map}, {transform_indices = #map}]} {
    %mul3A = arith.constant 1 : i32
    %mul3A_0 = arith.muli %arg1, %mul3A : i32
    %add3A = arith.constant 0 : i32
    %add3A_1 = arith.addi %add3A, %mul3A_0 : i32
    %mul3A_2 = arith.constant 16 : i32
    %mul3A_3 = arith.muli %arg0, %mul3A_2 : i32
    %add3A_4 = arith.addi %add3A_1, %mul3A_3 : i32
    %mul3A_5 = arith.constant 1 : i32
    %mul3A_6 = arith.muli %add3A_4, %mul3A_5 : i32
    "tpu.region"() ({
      %run_scoped3A = memref.alloca() : memref<2x1x128xi32, #tpu.memory_space<vmem>>
      %run_scoped3A_7 = tpu.sem_alloc : memref<2x!tpu.dma_semaphore, #tpu.memory_space<semaphore_mem>>
      %run_scoped3A_8 = memref.alloca() : memref<2x128x128xf32, #tpu.memory_space<vmem>>
      %run_scoped3A_9 = tpu.sem_alloc : memref<2x!tpu.dma_semaphore, #tpu.memory_space<semaphore_mem>>
      %add3A_10 = arith.constant 0 : i32
      %add3A_11 = arith.addi %add3A_10, %mul3A_6 : i32
      %select_n3A = arith.constant true
      %select_n3A_12 = arith.constant 0 : i32
      %select_n3A_13 = arith.constant -1 : i32
      %select_n3A_14 = arith.select %select_n3A, %select_n3A_13, %select_n3A_12 : i32
      %eq3A = arith.constant -1 : i32
      %eq3A_15 = arith.cmpi eq, %select_n3A_14, %eq3A : i32
      %select_n3A_16 = arith.constant 0 : i32
      %select_n3A_17 = arith.select %eq3A_15, %select_n3A_16, %select_n3A_14 : i32
      %add3A_18 = arith.constant 0 : i32
      %add3A_19 = arith.addi %add3A_18, %mul3A_6 : i32
      %select_n3A_20 = arith.constant true
      %select_n3A_21 = arith.constant 0 : i32
      %select_n3A_22 = arith.constant 1 : i32
      %select_n3A_23 = arith.select %select_n3A_20, %select_n3A_22, %select_n3A_21 : i32
      %eq3A_24 = arith.constant 1 : i32
      %eq3A_25 = arith.cmpi eq, %select_n3A_23, %eq3A_24 : i32
      %select_n3A_26 = arith.constant 0 : i32
      %select_n3A_27 = arith.select %eq3A_25, %select_n3A_26, %select_n3A_23 : i32
      %add3A_28 = arith.constant 0 : i32
      %add3A_29 = arith.addi %add3A_28, %mul3A_6 : i32
      %select_n3A_30 = arith.constant true
      %select_n3A_31 = arith.constant 0 : i32
      %select_n3A_32 = arith.constant 1 : i32
      %select_n3A_33 = arith.select %select_n3A_30, %select_n3A_32, %select_n3A_31 : i32
      %eq3A_34 = arith.constant 1 : i32
      %eq3A_35 = arith.cmpi eq, %select_n3A_33, %eq3A_34 : i32
      %select_n3A_36 = arith.constant 0 : i32
      %select_n3A_37 = arith.select %eq3A_35, %select_n3A_36, %select_n3A_33 : i32
      %add3A_38 = arith.constant 0 : i32
      %add3A_39 = arith.addi %add3A_38, %mul3A_6 : i32
      "tpu.trace_start"() <{level = 10 : i32, message = "ep_initialize_0"}> : () -> ()
      %rem3A = arith.constant 0 : i32
      %rem3A_40 = arith.constant 2 : i32
      %rem3A_41 = arith.remui %rem3A, %rem3A_40 : i32
      %mul3A_42 = arith.constant 128 : i32
      %mul3A_43 = arith.muli %mul3A_42, %add3A_11 : i32
      %dma_start3A = arith.constant 0 : i32
      %dma_start3A_44 = arith.constant 0 : i32
      %dma_start3A_45 = tpu.memref_slice %run_scoped3A[%rem3A_41, %dma_start3A, %dma_start3A_44] : memref<2x1x128xi32, #tpu.memory_space<vmem>> -> memref<1x1x128xi32, #tpu.memory_space<vmem>>
      %dma_start3A_46 = tpu.memref_squeeze %dma_start3A_45 : memref<1x1x128xi32, #tpu.memory_space<vmem>> -> memref<1x128xi32, #tpu.memory_space<vmem>>
      %dma_start3A_47 = arith.constant 0 : i32
      %dma_start3A_48 = tpu.memref_slice %arg3[%dma_start3A_47, %mul3A_43] : memref<1x4096xi32, #tpu.memory_space<hbm>> -> memref<1x128xi32, #tpu.memory_space<hbm>>
      %dma_start3A_49 = tpu.memref_slice %run_scoped3A_7[%rem3A_41] : memref<2x!tpu.dma_semaphore, #tpu.memory_space<semaphore_mem>> -> memref<1x!tpu.dma_semaphore, #tpu.memory_space<semaphore_mem>>
      %dma_start3A_50 = tpu.memref_squeeze %dma_start3A_49 : memref<1x!tpu.dma_semaphore, #tpu.memory_space<semaphore_mem>> -> memref<!tpu.dma_semaphore, #tpu.memory_space<semaphore_mem>>
      %dma_start3A_51 = arith.constant 0 : i32
      %dma_start3A_52 = arith.constant 0 : i32
      %dma_start3A_53 = tpu.memref_slice %run_scoped3A[%rem3A_41, %dma_start3A_51, %dma_start3A_52] : memref<2x1x128xi32, #tpu.memory_space<vmem>> -> memref<1x1x128xi32, #tpu.memory_space<vmem>>
      %dma_start3A_54 = tpu.memref_squeeze %dma_start3A_53 : memref<1x1x128xi32, #tpu.memory_space<vmem>> -> memref<1x128xi32, #tpu.memory_space<vmem>>
      %dma_start3A_55 = arith.constant 0 : i32
      %dma_start3A_56 = tpu.memref_slice %arg3[%dma_start3A_55, %mul3A_43] : memref<1x4096xi32, #tpu.memory_space<hbm>> -> memref<1x128xi32, #tpu.memory_space<hbm>>
      tpu.enqueue_dma source(%dma_start3A_56 : memref<1x128xi32, #tpu.memory_space<hbm>>) target(%dma_start3A_54 : memref<1x128xi32, #tpu.memory_space<vmem>>) target_semaphore(%dma_start3A_50 : memref<!tpu.dma_semaphore, #tpu.memory_space<semaphore_mem>>)
      %add3A_57 = arith.constant 0 : i32
      %add3A_58 = arith.constant 1 : i32
      %add3A_59 = arith.addi %add3A_57, %add3A_58 : i32
      %select_n3A_60 = arith.constant true
      %select_n3A_61 = arith.constant 0 : i32
      %select_n3A_62 = arith.select %select_n3A_60, %add3A_59, %select_n3A_61 : i32
      "tpu.trace_stop"() : () -> ()
      %scan3A = arith.constant 0 : i32
      %scan3A_63 = arith.constant 0 : i32
      %scan3A_64 = arith.constant 0 : i32
      %scan3A_65 = arith.constant 0 : i32
      %scan3A_66 = arith.constant 0 : i32
      %eq3A_67 = arith.constant 0 : i32
      %eq3A_68 = arith.cmpi eq, %scan3A_66, %eq3A_67 : i32
      %eq3A_69 = arith.constant 0 : i32
      %eq3A_70 = arith.cmpi eq, %scan3A_66, %eq3A_69 : i32
      %add3A_71 = arith.constant 0 : i32
      %add3A_72 = arith.addi %add3A_71, %mul3A_6 : i32
      %select_n3A_73 = arith.constant true
      %select_n3A_74 = arith.constant 0 : i32
      %select_n3A_75 = arith.constant -1 : i32
      %select_n3A_76 = arith.select %select_n3A_73, %select_n3A_75, %select_n3A_74 : i32
      %eq3A_77 = arith.constant -1 : i32
      %eq3A_78 = arith.cmpi eq, %select_n3A_76, %eq3A_77 : i32
      %select_n3A_79 = arith.constant 0 : i32
      %select_n3A_80 = arith.select %eq3A_78, %select_n3A_79, %select_n3A_76 : i32
      %add3A_81 = arith.constant 0 : i32
      %add3A_82 = arith.addi %add3A_81, %mul3A_6 : i32
      %select_n3A_83 = arith.constant true
      %select_n3A_84 = arith.constant 0 : i32
      %select_n3A_85 = arith.constant 1 : i32
      %select_n3A_86 = arith.select %select_n3A_83, %select_n3A_85, %select_n3A_84 : i32
      %eq3A_87 = arith.constant 1 : i32
      %eq3A_88 = arith.cmpi eq, %select_n3A_86, %eq3A_87 : i32
      %select_n3A_89 = arith.constant 0 : i32
      %select_n3A_90 = arith.select %eq3A_88, %select_n3A_89, %select_n3A_86 : i32
      %add3A_91 = arith.constant 0 : i32
      %add3A_92 = arith.addi %add3A_91, %mul3A_6 : i32
      %select_n3A_93 = arith.constant true
      %select_n3A_94 = arith.constant 0 : i32
      %select_n3A_95 = arith.constant 1 : i32
      %select_n3A_96 = arith.select %select_n3A_93, %select_n3A_95, %select_n3A_94 : i32
      %eq3A_97 = arith.constant 1 : i32
      %eq3A_98 = arith.cmpi eq, %select_n3A_96, %eq3A_97 : i32
      %select_n3A_99 = arith.constant 0 : i32
      %select_n3A_100 = arith.select %eq3A_98, %select_n3A_99, %select_n3A_96 : i32
      %add3A_101 = arith.constant 0 : i32
      %add3A_102 = arith.addi %add3A_101, %mul3A_6 : i32
      %ne3A = arith.cmpi ne, %add3A_72, %add3A_92 : i32
      %or3A = arith.constant false
      %or3A_103 = arith.ori %or3A, %ne3A : i1
      %ge3A = arith.constant 0 : i32
      %ge3A_104 = arith.cmpi sge, %scan3A_66, %ge3A : i32
      %not3A = arith.constant true
      %not3A_105 = arith.xori %ge3A_104, %not3A : i1
      %and3A = arith.andi %or3A_103, %not3A_105 : i1
      %convert_element_type3A = arith.extui %and3A : i1 to i32
      %cond3A = arith.constant 0 : i32
      %cond3A_106 = arith.cmpi ne, %convert_element_type3A, %cond3A : i32
      scf.if %cond3A_106 {
        "tpu.trace_start"() <{level = 10 : i32, message = "ep_copy_in"}> : () -> ()
        %rem3A_266 = arith.constant 2 : i32
        %rem3A_267 = arith.remui %select_n3A_62, %rem3A_266 : i32
        %mul3A_268 = arith.constant 128 : i32
        %mul3A_269 = arith.muli %mul3A_268, %add3A_92 : i32
        %dma_start3A_270 = arith.constant 0 : i32
        %dma_start3A_271 = arith.constant 0 : i32
        %dma_start3A_272 = tpu.memref_slice %run_scoped3A[%rem3A_267, %dma_start3A_270, %dma_start3A_271] : memref<2x1x128xi32, #tpu.memory_space<vmem>> -> memref<1x1x128xi32, #tpu.memory_space<vmem>>
        %dma_start3A_273 = tpu.memref_squeeze %dma_start3A_272 : memref<1x1x128xi32, #tpu.memory_space<vmem>> -> memref<1x128xi32, #tpu.memory_space<vmem>>
        %dma_start3A_274 = arith.constant 0 : i32
        %dma_start3A_275 = tpu.memref_slice %arg3[%dma_start3A_274, %mul3A_269] : memref<1x4096xi32, #tpu.memory_space<hbm>> -> memref<1x128xi32, #tpu.memory_space<hbm>>
        %dma_start3A_276 = tpu.memref_slice %run_scoped3A_7[%rem3A_267] : memref<2x!tpu.dma_semaphore, #tpu.memory_space<semaphore_mem>> -> memref<1x!tpu.dma_semaphore, #tpu.memory_space<semaphore_mem>>
        %dma_start3A_277 = tpu.memref_squeeze %dma_start3A_276 : memref<1x!tpu.dma_semaphore, #tpu.memory_space<semaphore_mem>> -> memref<!tpu.dma_semaphore, #tpu.memory_space<semaphore_mem>>
        %dma_start3A_278 = arith.constant 0 : i32
        %dma_start3A_279 = arith.constant 0 : i32
        %dma_start3A_280 = tpu.memref_slice %run_scoped3A[%rem3A_267, %dma_start3A_278, %dma_start3A_279] : memref<2x1x128xi32, #tpu.memory_space<vmem>> -> memref<1x1x128xi32, #tpu.memory_space<vmem>>
        %dma_start3A_281 = tpu.memref_squeeze %dma_start3A_280 : memref<1x1x128xi32, #tpu.memory_space<vmem>> -> memref<1x128xi32, #tpu.memory_space<vmem>>
        %dma_start3A_282 = arith.constant 0 : i32
        %dma_start3A_283 = tpu.memref_slice %arg3[%dma_start3A_282, %mul3A_269] : memref<1x4096xi32, #tpu.memory_space<hbm>> -> memref<1x128xi32, #tpu.memory_space<hbm>>
        tpu.enqueue_dma source(%dma_start3A_283 : memref<1x128xi32, #tpu.memory_space<hbm>>) target(%dma_start3A_281 : memref<1x128xi32, #tpu.memory_space<vmem>>) target_semaphore(%dma_start3A_277 : memref<!tpu.dma_semaphore, #tpu.memory_space<semaphore_mem>>)
        "tpu.trace_stop"() : () -> ()
      } else {
      }
      %and3A_107 = arith.constant true
      %and3A_108 = arith.andi %and3A, %and3A_107 : i1
      %add3A_109 = arith.constant 1 : i32
      %add3A_110 = arith.addi %select_n3A_62, %add3A_109 : i32
      %select_n3A_111 = arith.select %and3A_108, %add3A_110, %select_n3A_62 : i32
      %ne3A_112 = arith.cmpi ne, %add3A_72, %add3A_92 : i32
      %or3A_113 = arith.constant false
      %or3A_114 = arith.ori %or3A_113, %ne3A_112 : i1
      %or3A_115 = arith.constant false
      %or3A_116 = arith.ori %or3A_114, %or3A_115 : i1
      %ge3A_117 = arith.constant 0 : i32
      %ge3A_118 = arith.cmpi sge, %scan3A_66, %ge3A_117 : i32
      %not3A_119 = arith.constant true
      %not3A_120 = arith.xori %ge3A_118, %not3A_119 : i1
      %and3A_121 = arith.andi %or3A_116, %not3A_120 : i1
      %ne3A_122 = arith.cmpi ne, %add3A_72, %add3A_82 : i32
      %or3A_123 = arith.constant false
      %or3A_124 = arith.ori %or3A_123, %ne3A_122 : i1
      %or3A_125 = arith.ori %or3A_124, %eq3A_68 : i1
      %convert_element_type3A_126 = arith.extui %or3A_125 : i1 to i32
      %cond3A_127 = arith.constant 0 : i32
      %cond3A_128 = arith.cmpi ne, %convert_element_type3A_126, %cond3A_127 : i32
      scf.if %cond3A_128 {
        "tpu.trace_start"() <{level = 10 : i32, message = "ep_wait_in"}> : () -> ()
        %mul3A_266 = arith.constant 128 : i32
        %mul3A_267 = arith.muli %mul3A_266, %add3A_72 : i32
        %rem3A_268 = arith.constant 2 : i32
        %rem3A_269 = arith.remui %scan3A, %rem3A_268 : i32
        %dma_wait3A_270 = arith.constant 0 : i32
        %dma_wait3A_271 = arith.constant 0 : i32
        %dma_wait3A_272 = tpu.memref_slice %run_scoped3A[%rem3A_269, %dma_wait3A_270, %dma_wait3A_271] : memref<2x1x128xi32, #tpu.memory_space<vmem>> -> memref<1x1x128xi32, #tpu.memory_space<vmem>>
        %dma_wait3A_273 = tpu.memref_squeeze %dma_wait3A_272 : memref<1x1x128xi32, #tpu.memory_space<vmem>> -> memref<1x128xi32, #tpu.memory_space<vmem>>
        %dma_wait3A_274 = arith.constant 0 : i32
        %dma_wait3A_275 = tpu.memref_slice %arg3[%dma_wait3A_274, %mul3A_267] : memref<1x4096xi32, #tpu.memory_space<hbm>> -> memref<1x128xi32, #tpu.memory_space<hbm>>
        %dma_wait3A_276 = tpu.memref_slice %run_scoped3A_7[%rem3A_269] : memref<2x!tpu.dma_semaphore, #tpu.memory_space<semaphore_mem>> -> memref<1x!tpu.dma_semaphore, #tpu.memory_space<semaphore_mem>>
        %dma_wait3A_277 = tpu.memref_squeeze %dma_wait3A_276 : memref<1x!tpu.dma_semaphore, #tpu.memory_space<semaphore_mem>> -> memref<!tpu.dma_semaphore, #tpu.memory_space<semaphore_mem>>
        %dma_wait3A_278 = arith.constant 0 : i32
        %dma_wait3A_279 = arith.constant 0 : i32
        %dma_wait3A_280 = tpu.memref_slice %run_scoped3A[%rem3A_269, %dma_wait3A_278, %dma_wait3A_279] : memref<2x1x128xi32, #tpu.memory_space<vmem>> -> memref<1x1x128xi32, #tpu.memory_space<vmem>>
        %dma_wait3A_281 = tpu.memref_squeeze %dma_wait3A_280 : memref<1x1x128xi32, #tpu.memory_space<vmem>> -> memref<1x128xi32, #tpu.memory_space<vmem>>
        %dma_wait3A_282 = arith.constant 0 : i32
        %dma_wait3A_283 = tpu.memref_slice %arg3[%dma_wait3A_282, %mul3A_267] : memref<1x4096xi32, #tpu.memory_space<hbm>> -> memref<1x128xi32, #tpu.memory_space<hbm>>
        tpu.wait_dma2 semaphore(%dma_wait3A_277 : memref<!tpu.dma_semaphore, #tpu.memory_space<semaphore_mem>>) src(%dma_wait3A_283 : memref<1x128xi32, #tpu.memory_space<hbm>>) dst(%dma_wait3A_281 : memref<1x128xi32, #tpu.memory_space<vmem>>)
        "tpu.trace_stop"() : () -> ()
      } else {
      }
      %ne3A_129 = arith.cmpi ne, %add3A_72, %add3A_82 : i32
      %or3A_130 = arith.constant false
      %or3A_131 = arith.ori %or3A_130, %ne3A_129 : i1
      %or3A_132 = arith.constant false
      %or3A_133 = arith.ori %or3A_131, %or3A_132 : i1
      %or3A_134 = arith.ori %or3A_133, %eq3A_68 : i1
      %convert_element_type3A_135 = arith.extui %or3A_134 : i1 to i32
      %cond3A_136 = arith.constant 0 : i32
      %cond3A_137 = arith.cmpi ne, %convert_element_type3A_135, %cond3A_136 : i32
      scf.if %cond3A_137 {
      } else {
      }
      %rem3A_138 = arith.constant 2 : i32
      %rem3A_139 = arith.remui %scan3A, %rem3A_138 : i32
      %rem3A_140 = arith.constant 2 : i32
      %rem3A_141 = arith.remui %scan3A_63, %rem3A_140 : i32
      %run_scoped3A_142 = arith.constant 0 : i32
      "tpu.trace_start"() <{level = 10 : i32, message = "ep_run_kernel"}> : () -> ()
      "tpu.region"() ({
        %run_scoped3A_266 = tpu.sem_alloc : memref<!tpu.dma_semaphore, #tpu.memory_space<semaphore_mem>>
        %dma_start3A_267 = arith.constant 0 : i32
        %dma_start3A_268 = arith.constant 0 : i32
        %dma_start3A_269 = tpu.memref_slice %run_scoped3A_8[%rem3A_141, %dma_start3A_267, %dma_start3A_268] : memref<2x128x128xf32, #tpu.memory_space<vmem>> -> memref<1x128x128xf32, #tpu.memory_space<vmem>>
        %dma_start3A_270 = tpu.memref_squeeze %dma_start3A_269 : memref<1x128x128xf32, #tpu.memory_space<vmem>> -> memref<128x128xf32, #tpu.memory_space<vmem>>
        %dma_start3A_271 = arith.constant 0 : i32
        %dma_start3A_272 = arith.constant 0 : i32
        %dma_start3A_273 = tpu.memref_slice %run_scoped3A[%rem3A_139, %dma_start3A_271, %dma_start3A_272] : memref<2x1x128xi32, #tpu.memory_space<vmem>> -> memref<1x1x128xi32, #tpu.memory_space<vmem>>
        %dma_start3A_274 = tpu.memref_squeeze %dma_start3A_273 : memref<1x1x128xi32, #tpu.memory_space<vmem>> -> memref<1x128xi32, #tpu.memory_space<vmem>>
        %dma_start3A_275 = arith.constant 0 : i32
        %dma_start3A_276 = tpu.memref_slice %dma_start3A_274[%run_scoped3A_142, %dma_start3A_275] : memref<1x128xi32, #tpu.memory_space<vmem>> -> memref<1x128xi32, #tpu.memory_space<vmem>>
        %dma_start3A_277 = tpu.memref_squeeze %dma_start3A_276 : memref<1x128xi32, #tpu.memory_space<vmem>> -> memref<128xi32, #tpu.memory_space<vmem>>
        %dma_start3A_278 = arith.constant 0 : i32
        %dma_start3A_279 = arith.constant 0 : i32
        %dma_start3A_280 = tpu.memref_slice %arg2[%dma_start3A_278, %dma_start3A_279] : memref<100000x128xf32, #tpu.memory_space<hbm>> -> memref<100000x128xf32, #tpu.memory_space<hbm>>
        tpu.enqueue_indirect_dma source(%dma_start3A_280 : memref<100000x128xf32, #tpu.memory_space<hbm>>) target(%dma_start3A_270 : memref<128x128xf32, #tpu.memory_space<vmem>>) offsets(%dma_start3A_277 : memref<128xi32, #tpu.memory_space<vmem>>) semaphore(%run_scoped3A_266 : memref<!tpu.dma_semaphore, #tpu.memory_space<semaphore_mem>>)
        %dma_wait3A_281 = arith.constant 0 : i32
        %dma_wait3A_282 = arith.constant 0 : i32
        %dma_wait3A_283 = tpu.memref_slice %run_scoped3A_8[%rem3A_141, %dma_wait3A_281, %dma_wait3A_282] : memref<2x128x128xf32, #tpu.memory_space<vmem>> -> memref<1x128x128xf32, #tpu.memory_space<vmem>>
        %dma_wait3A_284 = tpu.memref_squeeze %dma_wait3A_283 : memref<1x128x128xf32, #tpu.memory_space<vmem>> -> memref<128x128xf32, #tpu.memory_space<vmem>>
        %dma_wait3A_285 = arith.constant 0 : i32
        %dma_wait3A_286 = arith.constant 0 : i32
        %dma_wait3A_287 = tpu.memref_slice %run_scoped3A[%rem3A_139, %dma_wait3A_285, %dma_wait3A_286] : memref<2x1x128xi32, #tpu.memory_space<vmem>> -> memref<1x1x128xi32, #tpu.memory_space<vmem>>
        %dma_wait3A_288 = tpu.memref_squeeze %dma_wait3A_287 : memref<1x1x128xi32, #tpu.memory_space<vmem>> -> memref<1x128xi32, #tpu.memory_space<vmem>>
        %dma_wait3A_289 = arith.constant 0 : i32
        %dma_wait3A_290 = tpu.memref_slice %dma_wait3A_288[%run_scoped3A_142, %dma_wait3A_289] : memref<1x128xi32, #tpu.memory_space<vmem>> -> memref<1x128xi32, #tpu.memory_space<vmem>>
        %dma_wait3A_291 = tpu.memref_squeeze %dma_wait3A_290 : memref<1x128xi32, #tpu.memory_space<vmem>> -> memref<128xi32, #tpu.memory_space<vmem>>
        %dma_wait3A_292 = arith.constant 0 : i32
        %dma_wait3A_293 = arith.constant 0 : i32
        %dma_wait3A_294 = tpu.memref_slice %arg2[%dma_wait3A_292, %dma_wait3A_293] : memref<100000x128xf32, #tpu.memory_space<hbm>> -> memref<100000x128xf32, #tpu.memory_space<hbm>>
        tpu.wait_indirect_dma semaphore(%run_scoped3A_266 : memref<!tpu.dma_semaphore, #tpu.memory_space<semaphore_mem>>) src(%dma_wait3A_294 : memref<100000x128xf32, #tpu.memory_space<hbm>>) dst(%dma_wait3A_284 : memref<128x128xf32, #tpu.memory_space<vmem>>)
        tpu.yield
      }) : () -> ()
      "tpu.trace_stop"() : () -> ()
      %ne3A_143 = arith.cmpi ne, %add3A_72, %add3A_92 : i32
      %or3A_144 = arith.constant false
      %or3A_145 = arith.ori %or3A_144, %ne3A_143 : i1
      %or3A_146 = arith.ori %or3A_145, %eq3A_70 : i1
      %convert_element_type3A_147 = arith.extui %or3A_146 : i1 to i32
      %cond3A_148 = arith.constant 0 : i32
      %cond3A_149 = arith.cmpi ne, %convert_element_type3A_147, %cond3A_148 : i32
      scf.if %cond3A_149 {
      } else {
      }
      %and3A_150 = arith.constant false
      %and3A_151 = arith.andi %or3A_146, %and3A_150 : i1
      %ne3A_152 = arith.cmpi ne, %add3A_72, %add3A_92 : i32
      %or3A_153 = arith.constant false
      %or3A_154 = arith.ori %or3A_153, %ne3A_152 : i1
      %or3A_155 = arith.constant false
      %or3A_156 = arith.ori %or3A_154, %or3A_155 : i1
      %or3A_157 = arith.ori %or3A_156, %eq3A_70 : i1
      %convert_element_type3A_158 = arith.extui %or3A_157 : i1 to i32
      %cond3A_159 = arith.constant 0 : i32
      %cond3A_160 = arith.cmpi ne, %convert_element_type3A_158, %cond3A_159 : i32
      scf.if %cond3A_160 {
        "tpu.trace_start"() <{level = 10 : i32, message = "ep_copy_out"}> : () -> ()
        %rem3A_266 = arith.constant 2 : i32
        %rem3A_267 = arith.remui %scan3A_63, %rem3A_266 : i32
        %mul3A_268 = arith.constant 128 : i32
        %mul3A_269 = arith.muli %mul3A_268, %add3A_72 : i32
        %dma_start3A_270 = arith.constant 0 : i32
        %dma_start3A_271 = arith.constant 0 : i32
        %dma_start3A_272 = tpu.memref_slice %run_scoped3A_8[%rem3A_267, %dma_start3A_270, %dma_start3A_271] : memref<2x128x128xf32, #tpu.memory_space<vmem>> -> memref<1x128x128xf32, #tpu.memory_space<vmem>>
        %dma_start3A_273 = tpu.memref_squeeze %dma_start3A_272 : memref<1x128x128xf32, #tpu.memory_space<vmem>> -> memref<128x128xf32, #tpu.memory_space<vmem>>
        %dma_start3A_274 = arith.constant 0 : i32
        %dma_start3A_275 = tpu.memref_slice %arg4[%mul3A_269, %dma_start3A_274] : memref<4096x128xf32, #tpu.memory_space<hbm>> -> memref<128x128xf32, #tpu.memory_space<hbm>>
        %dma_start3A_276 = tpu.memref_slice %run_scoped3A_9[%rem3A_267] : memref<2x!tpu.dma_semaphore, #tpu.memory_space<semaphore_mem>> -> memref<1x!tpu.dma_semaphore, #tpu.memory_space<semaphore_mem>>
        %dma_start3A_277 = tpu.memref_squeeze %dma_start3A_276 : memref<1x!tpu.dma_semaphore, #tpu.memory_space<semaphore_mem>> -> memref<!tpu.dma_semaphore, #tpu.memory_space<semaphore_mem>>
        %dma_start3A_278 = arith.constant 0 : i32
        %dma_start3A_279 = tpu.memref_slice %arg4[%mul3A_269, %dma_start3A_278] : memref<4096x128xf32, #tpu.memory_space<hbm>> -> memref<128x128xf32, #tpu.memory_space<hbm>>
        %dma_start3A_280 = arith.constant 0 : i32
        %dma_start3A_281 = arith.constant 0 : i32
        %dma_start3A_282 = tpu.memref_slice %run_scoped3A_8[%rem3A_267, %dma_start3A_280, %dma_start3A_281] : memref<2x128x128xf32, #tpu.memory_space<vmem>> -> memref<1x128x128xf32, #tpu.memory_space<vmem>>
        %dma_start3A_283 = tpu.memref_squeeze %dma_start3A_282 : memref<1x128x128xf32, #tpu.memory_space<vmem>> -> memref<128x128xf32, #tpu.memory_space<vmem>>
        tpu.enqueue_dma source(%dma_start3A_283 : memref<128x128xf32, #tpu.memory_space<vmem>>) target(%dma_start3A_279 : memref<128x128xf32, #tpu.memory_space<hbm>>) target_semaphore(%dma_start3A_277 : memref<!tpu.dma_semaphore, #tpu.memory_space<semaphore_mem>>)
        "tpu.trace_stop"() : () -> ()
      } else {
      }
      %and3A_161 = arith.constant true
      %and3A_162 = arith.andi %or3A_157, %and3A_161 : i1
      %add3A_163 = arith.constant 1 : i32
      %add3A_164 = arith.addi %scan3A_63, %add3A_163 : i32
      %select_n3A_165 = arith.select %and3A_162, %add3A_164, %scan3A_63 : i32
      %ne3A_166 = arith.cmpi ne, %add3A_72, %add3A_82 : i32
      %or3A_167 = arith.constant false
      %or3A_168 = arith.ori %or3A_167, %ne3A_166 : i1
      %not3A_169 = arith.constant true
      %not3A_170 = arith.xori %eq3A_68, %not3A_169 : i1
      %and3A_171 = arith.andi %or3A_168, %not3A_170 : i1
      %convert_element_type3A_172 = arith.extui %and3A_171 : i1 to i32
      %cond3A_173 = arith.constant 0 : i32
      %cond3A_174 = arith.cmpi ne, %convert_element_type3A_172, %cond3A_173 : i32
      scf.if %cond3A_174 {
      } else {
      }
      %and3A_175 = arith.constant false
      %and3A_176 = arith.andi %and3A_171, %and3A_175 : i1
      %ne3A_177 = arith.cmpi ne, %add3A_72, %add3A_82 : i32
      %or3A_178 = arith.constant false
      %or3A_179 = arith.ori %or3A_178, %ne3A_177 : i1
      %or3A_180 = arith.constant false
      %or3A_181 = arith.ori %or3A_179, %or3A_180 : i1
      %not3A_182 = arith.constant true
      %not3A_183 = arith.xori %eq3A_68, %not3A_182 : i1
      %and3A_184 = arith.andi %or3A_181, %not3A_183 : i1
      %convert_element_type3A_185 = arith.extui %and3A_184 : i1 to i32
      %cond3A_186 = arith.constant 0 : i32
      %cond3A_187 = arith.cmpi ne, %convert_element_type3A_185, %cond3A_186 : i32
      scf.if %cond3A_187 {
        "tpu.trace_start"() <{level = 10 : i32, message = "ep_wait_out"}> : () -> ()
        %rem3A_266 = arith.constant 2 : i32
        %rem3A_267 = arith.remui %scan3A_64, %rem3A_266 : i32
        %mul3A_268 = arith.constant 128 : i32
        %mul3A_269 = arith.muli %mul3A_268, %add3A_82 : i32
        %dma_wait3A_270 = arith.constant 0 : i32
        %dma_wait3A_271 = arith.constant 0 : i32
        %dma_wait3A_272 = tpu.memref_slice %run_scoped3A_8[%rem3A_267, %dma_wait3A_270, %dma_wait3A_271] : memref<2x128x128xf32, #tpu.memory_space<vmem>> -> memref<1x128x128xf32, #tpu.memory_space<vmem>>
        %dma_wait3A_273 = tpu.memref_squeeze %dma_wait3A_272 : memref<1x128x128xf32, #tpu.memory_space<vmem>> -> memref<128x128xf32, #tpu.memory_space<vmem>>
        %dma_wait3A_274 = arith.constant 0 : i32
        %dma_wait3A_275 = tpu.memref_slice %arg4[%mul3A_269, %dma_wait3A_274] : memref<4096x128xf32, #tpu.memory_space<hbm>> -> memref<128x128xf32, #tpu.memory_space<hbm>>
        %dma_wait3A_276 = tpu.memref_slice %run_scoped3A_9[%rem3A_267] : memref<2x!tpu.dma_semaphore, #tpu.memory_space<semaphore_mem>> -> memref<1x!tpu.dma_semaphore, #tpu.memory_space<semaphore_mem>>
        %dma_wait3A_277 = tpu.memref_squeeze %dma_wait3A_276 : memref<1x!tpu.dma_semaphore, #tpu.memory_space<semaphore_mem>> -> memref<!tpu.dma_semaphore, #tpu.memory_space<semaphore_mem>>
        %dma_wait3A_278 = arith.constant 0 : i32
        %dma_wait3A_279 = tpu.memref_slice %arg4[%mul3A_269, %dma_wait3A_278] : memref<4096x128xf32, #tpu.memory_space<hbm>> -> memref<128x128xf32, #tpu.memory_space<hbm>>
        %dma_wait3A_280 = arith.constant 0 : i32
        %dma_wait3A_281 = arith.constant 0 : i32
        %dma_wait3A_282 = tpu.memref_slice %run_scoped3A_8[%rem3A_267, %dma_wait3A_280, %dma_wait3A_281] : memref<2x128x128xf32, #tpu.memory_space<vmem>> -> memref<1x128x128xf32, #tpu.memory_space<vmem>>
        %dma_wait3A_283 = tpu.memref_squeeze %dma_wait3A_282 : memref<1x128x128xf32, #tpu.memory_space<vmem>> -> memref<128x128xf32, #tpu.memory_space<vmem>>
        tpu.wait_dma2 semaphore(%dma_wait3A_277 : memref<!tpu.dma_semaphore, #tpu.memory_space<semaphore_mem>>) src(%dma_wait3A_283 : memref<128x128xf32, #tpu.memory_space<vmem>>) dst(%dma_wait3A_279 : memref<128x128xf32, #tpu.memory_space<hbm>>)
        "tpu.trace_stop"() : () -> ()
      } else {
      }
      %and3A_188 = arith.constant true
      %and3A_189 = arith.andi %and3A_184, %and3A_188 : i1
      %add3A_190 = arith.constant 1 : i32
      %add3A_191 = arith.addi %scan3A_64, %add3A_190 : i32
      %select_n3A_192 = arith.select %and3A_189, %add3A_191, %scan3A_64 : i32
      %ne3A_193 = arith.cmpi ne, %add3A_72, %add3A_92 : i32
      %or3A_194 = arith.constant false
      %or3A_195 = arith.ori %or3A_194, %ne3A_193 : i1
      %or3A_196 = arith.ori %or3A_195, %eq3A_70 : i1
      %add3A_197 = arith.constant 1 : i32
      %add3A_198 = arith.addi %scan3A, %add3A_197 : i32
      %select_n3A_199 = arith.select %or3A_196, %add3A_198, %scan3A : i32
      %select_n3A_200 = arith.constant true
      %select_n3A_201 = arith.constant 0 : i32
      %select_n3A_202 = arith.constant 1 : i32
      %select_n3A_203 = arith.select %select_n3A_200, %select_n3A_202, %select_n3A_201 : i32
      %eq3A_204 = arith.constant 1 : i32
      %eq3A_205 = arith.cmpi eq, %select_n3A_203, %eq3A_204 : i32
      %select_n3A_206 = arith.constant 0 : i32
      %select_n3A_207 = arith.select %eq3A_205, %select_n3A_206, %select_n3A_203 : i32
      %scan3A_208 = arith.constant 0 : i32
      %scan3A_209 = arith.constant 1 : i32
      %sub3A = arith.constant 1 : i32
      %sub3A_210 = arith.subi %scan3A_208, %sub3A : i32
      %select_n3A_211 = arith.constant true
      %select_n3A_212 = arith.select %select_n3A_211, %sub3A_210, %scan3A_208 : i32
      %eq3A_213 = arith.constant -1 : i32
      %eq3A_214 = arith.cmpi eq, %select_n3A_212, %eq3A_213 : i32
      %select_n3A_215 = arith.constant 0 : i32
      %select_n3A_216 = arith.select %eq3A_214, %select_n3A_215, %select_n3A_212 : i32
      %add3A_217 = arith.constant 0 : i32
      %add3A_218 = arith.addi %add3A_217, %mul3A_6 : i32
      %select_n3A_219 = arith.constant true
      %select_n3A_220 = arith.constant 0 : i32
      %select_n3A_221 = arith.constant -1 : i32
      %select_n3A_222 = arith.select %select_n3A_219, %select_n3A_221, %select_n3A_220 : i32
      %eq3A_223 = arith.constant -1 : i32
      %eq3A_224 = arith.cmpi eq, %select_n3A_222, %eq3A_223 : i32
      %select_n3A_225 = arith.constant 0 : i32
      %select_n3A_226 = arith.select %eq3A_224, %select_n3A_225, %select_n3A_222 : i32
      %add3A_227 = arith.constant 0 : i32
      %add3A_228 = arith.addi %add3A_227, %mul3A_6 : i32
      %select_n3A_229 = arith.constant true
      %select_n3A_230 = arith.constant 0 : i32
      %select_n3A_231 = arith.constant 1 : i32
      %select_n3A_232 = arith.select %select_n3A_229, %select_n3A_231, %select_n3A_230 : i32
      %eq3A_233 = arith.constant 1 : i32
      %eq3A_234 = arith.cmpi eq, %select_n3A_232, %eq3A_233 : i32
      %select_n3A_235 = arith.constant 0 : i32
      %select_n3A_236 = arith.select %eq3A_234, %select_n3A_235, %select_n3A_232 : i32
      %add3A_237 = arith.constant 0 : i32
      %add3A_238 = arith.addi %add3A_237, %mul3A_6 : i32
      %select_n3A_239 = arith.constant true
      %select_n3A_240 = arith.constant 0 : i32
      %select_n3A_241 = arith.constant 1 : i32
      %select_n3A_242 = arith.select %select_n3A_239, %select_n3A_241, %select_n3A_240 : i32
      %eq3A_243 = arith.constant 1 : i32
      %eq3A_244 = arith.cmpi eq, %select_n3A_242, %eq3A_243 : i32
      %select_n3A_245 = arith.constant 0 : i32
      %select_n3A_246 = arith.select %eq3A_244, %select_n3A_245, %select_n3A_242 : i32
      %add3A_247 = arith.constant 0 : i32
      %add3A_248 = arith.addi %add3A_247, %mul3A_6 : i32
      "tpu.trace_start"() <{level = 10 : i32, message = "ep_finalize"}> : () -> ()
      %rem3A_249 = arith.constant 2 : i32
      %rem3A_250 = arith.remui %select_n3A_192, %rem3A_249 : i32
      %mul3A_251 = arith.constant 128 : i32
      %mul3A_252 = arith.muli %mul3A_251, %add3A_218 : i32
      %dma_wait3A = arith.constant 0 : i32
      %dma_wait3A_253 = arith.constant 0 : i32
      %dma_wait3A_254 = tpu.memref_slice %run_scoped3A_8[%rem3A_250, %dma_wait3A, %dma_wait3A_253] : memref<2x128x128xf32, #tpu.memory_space<vmem>> -> memref<1x128x128xf32, #tpu.memory_space<vmem>>
      %dma_wait3A_255 = tpu.memref_squeeze %dma_wait3A_254 : memref<1x128x128xf32, #tpu.memory_space<vmem>> -> memref<128x128xf32, #tpu.memory_space<vmem>>
      %dma_wait3A_256 = arith.constant 0 : i32
      %dma_wait3A_257 = tpu.memref_slice %arg4[%mul3A_252, %dma_wait3A_256] : memref<4096x128xf32, #tpu.memory_space<hbm>> -> memref<128x128xf32, #tpu.memory_space<hbm>>
      %dma_wait3A_258 = tpu.memref_slice %run_scoped3A_9[%rem3A_250] : memref<2x!tpu.dma_semaphore, #tpu.memory_space<semaphore_mem>> -> memref<1x!tpu.dma_semaphore, #tpu.memory_space<semaphore_mem>>
      %dma_wait3A_259 = tpu.memref_squeeze %dma_wait3A_258 : memref<1x!tpu.dma_semaphore, #tpu.memory_space<semaphore_mem>> -> memref<!tpu.dma_semaphore, #tpu.memory_space<semaphore_mem>>
      %dma_wait3A_260 = arith.constant 0 : i32
      %dma_wait3A_261 = tpu.memref_slice %arg4[%mul3A_252, %dma_wait3A_260] : memref<4096x128xf32, #tpu.memory_space<hbm>> -> memref<128x128xf32, #tpu.memory_space<hbm>>
      %dma_wait3A_262 = arith.constant 0 : i32
      %dma_wait3A_263 = arith.constant 0 : i32
      %dma_wait3A_264 = tpu.memref_slice %run_scoped3A_8[%rem3A_250, %dma_wait3A_262, %dma_wait3A_263] : memref<2x128x128xf32, #tpu.memory_space<vmem>> -> memref<1x128x128xf32, #tpu.memory_space<vmem>>
      %dma_wait3A_265 = tpu.memref_squeeze %dma_wait3A_264 : memref<1x128x128xf32, #tpu.memory_space<vmem>> -> memref<128x128xf32, #tpu.memory_space<vmem>>
      tpu.wait_dma2 semaphore(%dma_wait3A_259 : memref<!tpu.dma_semaphore, #tpu.memory_space<semaphore_mem>>) src(%dma_wait3A_265 : memref<128x128xf32, #tpu.memory_space<vmem>>) dst(%dma_wait3A_261 : memref<128x128xf32, #tpu.memory_space<hbm>>)
      "tpu.trace_stop"() : () -> ()
      tpu.yield
    }) : () -> ()
    return
  }
}

module attributes {stable_mosaic.version = 14 : i64} {
  func.func @_gat_kernel(%arg0: i32, %arg1: memref<1x512x128xf32, #tpu.memory_space<vmem>>, %arg2: memref<512x128xf32, #tpu.memory_space<vmem>>, %arg3: memref<1x512x512xi8, #tpu.memory_space<vmem>>, %arg4: memref<1x512x512xi8, #tpu.memory_space<vmem>>, %arg5: memref<64x128xf32, #tpu.memory_space<vmem>>, %arg6: memref<4x128x128xf32, #tpu.memory_space<vmem>>, %arg7: memref<4x128x128xf32, #tpu.memory_space<vmem>>, %arg8: memref<4x128x128xf32, #tpu.memory_space<vmem>>, %arg9: memref<4x128x128xf32, #tpu.memory_space<vmem>>, %arg10: memref<4x128x512xf32, #tpu.memory_space<vmem>>, %arg11: memref<4x512x128xf32, #tpu.memory_space<vmem>>, %arg12: memref<4x1x512xf32, #tpu.memory_space<vmem>>, %arg13: memref<4x1x128xf32, #tpu.memory_space<vmem>>, %arg14: memref<128x2xf32, #tpu.memory_space<vmem>>, %arg15: memref<1x2xf32, #tpu.memory_space<vmem>>, %arg16: memref<8x2xf32, #tpu.memory_space<vmem>>, %arg17: memref<4x8x128x384xbf16, #tpu.memory_space<vmem>>) attributes {dimension_semantics = [#tpu.dimension_semantics<arbitrary>], iteration_bounds = array<i64: 8>, scalar_prefetch = 0 : i64, scratch_operands = 1 : i64, tpu.core_type = #tpu.core_type<tc>, window_params = [{transform_indices = @transform_0, window_bounds = array<i64: 1, 512, 128>}, {pipeline_mode = #tpu.pipeline_mode<synchronous>, transform_indices = @transform_1, window_bounds = array<i64: 512, 128>}, {transform_indices = @transform_2, window_bounds = array<i64: 1, 512, 512>}, {transform_indices = @transform_3, window_bounds = array<i64: 1, 512, 512>}, {pipeline_mode = #tpu.pipeline_mode<synchronous>, transform_indices = @transform_4, window_bounds = array<i64: 64, 128>}, {pipeline_mode = #tpu.pipeline_mode<synchronous>, transform_indices = @transform_5, window_bounds = array<i64: 4, 128, 128>}, {pipeline_mode = #tpu.pipeline_mode<synchronous>, transform_indices = @transform_6, window_bounds = array<i64: 4, 128, 128>}, {pipeline_mode = #tpu.pipeline_mode<synchronous>, transform_indices = @transform_7, window_bounds = array<i64: 4, 128, 128>}, {pipeline_mode = #tpu.pipeline_mode<synchronous>, transform_indices = @transform_8, window_bounds = array<i64: 4, 128, 128>}, {pipeline_mode = #tpu.pipeline_mode<synchronous>, transform_indices = @transform_9, window_bounds = array<i64: 4, 128, 512>}, {pipeline_mode = #tpu.pipeline_mode<synchronous>, transform_indices = @transform_10, window_bounds = array<i64: 4, 512, 128>}, {pipeline_mode = #tpu.pipeline_mode<synchronous>, transform_indices = @transform_11, window_bounds = array<i64: 4, 1, 512>}, {pipeline_mode = #tpu.pipeline_mode<synchronous>, transform_indices = @transform_12, window_bounds = array<i64: 4, 1, 128>}, {pipeline_mode = #tpu.pipeline_mode<synchronous>, transform_indices = @transform_13, window_bounds = array<i64: 128, 2>}, {pipeline_mode = #tpu.pipeline_mode<synchronous>, transform_indices = @transform_14, window_bounds = array<i64: 1, 2>}, {pipeline_mode = #tpu.pipeline_mode<synchronous>, transform_indices = @transform_15, window_bounds = array<i64: 8, 2>}]} {
    %eq3A = arith.constant 0 : i32
    %eq3A_0 = arith.cmpi eq, %arg0, %eq3A : i32
    %convert_element_type3A = arith.extui %eq3A_0 : i1 to i32
    %cond3A = arith.constant 0 : i32
    %cond3A_1 = arith.cmpi ne, %convert_element_type3A, %cond3A : i32
    scf.if %cond3A_1 {
      %get3A_1401 = arith.constant 0 : index
      %get3A_1402 = arith.constant 0 : index
      %get3A_1403 = vector.load %arg5[%get3A_1401, %get3A_1402] : memref<64x128xf32, #tpu.memory_space<vmem>>, vector<64x128xf32>
      %get3A_1404 = arith.constant 0 : index
      %get3A_1405 = arith.constant 0 : index
      %get3A_1406 = arith.constant 0 : index
      %get3A_1407 = vector.load %arg6[%get3A_1404, %get3A_1405, %get3A_1406] : memref<4x128x128xf32, #tpu.memory_space<vmem>>, vector<1x128x128xf32>
      %get3A_1408 = vector.shape_cast %get3A_1407 : vector<1x128x128xf32> to vector<128x128xf32>
      %get3A_1409 = arith.constant 0 : index
      %get3A_1410 = arith.constant 0 : index
      %get3A_1411 = arith.constant 0 : index
      %get3A_1412 = vector.load %arg7[%get3A_1409, %get3A_1410, %get3A_1411] : memref<4x128x128xf32, #tpu.memory_space<vmem>>, vector<1x128x128xf32>
      %get3A_1413 = vector.shape_cast %get3A_1412 : vector<1x128x128xf32> to vector<128x128xf32>
      %get3A_1414 = arith.constant 0 : index
      %get3A_1415 = arith.constant 0 : index
      %get3A_1416 = arith.constant 0 : index
      %get3A_1417 = vector.load %arg8[%get3A_1414, %get3A_1415, %get3A_1416] : memref<4x128x128xf32, #tpu.memory_space<vmem>>, vector<1x128x128xf32>
      %get3A_1418 = vector.shape_cast %get3A_1417 : vector<1x128x128xf32> to vector<128x128xf32>
      %get3A_1419 = arith.constant 0 : index
      %get3A_1420 = arith.constant 0 : index
      %get3A_1421 = arith.constant 0 : index
      %get3A_1422 = vector.load %arg9[%get3A_1419, %get3A_1420, %get3A_1421] : memref<4x128x128xf32, #tpu.memory_space<vmem>>, vector<1x128x128xf32>
      %get3A_1423 = vector.shape_cast %get3A_1422 : vector<1x128x128xf32> to vector<128x128xf32>
      %slice3A_1424 = vector.extract_strided_slice %get3A_1408 {offsets = [0, 0], sizes = [128, 16], strides = [1, 1]} : vector<128x128xf32> to vector<128x16xf32>
      %mul3A = arith.constant 2.500000e-01 : f32
      %mul3A_1425 = vector.broadcast %mul3A : f32 to vector<128x16xf32>
      %mul3A_1426 = arith.mulf %slice3A_1424, %mul3A_1425 : vector<128x16xf32>
      %slice3A_1427 = vector.extract_strided_slice %get3A_1413 {offsets = [0, 0], sizes = [128, 16], strides = [1, 1]} : vector<128x128xf32> to vector<128x16xf32>
      %dot_general3A_1428 = arith.constant dense<0.000000e+00> : vector<128x128xf32>
      %dot_general3A_1429 = tpu.matmul %mul3A_1426, %slice3A_1427, %dot_general3A_1428 {dimension_numbers = #tpu.dot_dimension_numbers<[1], [1], [0], [0], [0, 0, 1, 0], [], []>, transpose_lhs_hint = false} : vector<128x16xf32>, vector<128x16xf32>, vector<128x128xf32> -> vector<128x128xf32>
      %slice3A_1430 = vector.extract_strided_slice %get3A_1403 {offsets = [0, 0], sizes = [64, 16], strides = [1, 1]} : vector<64x128xf32> to vector<64x16xf32>
      %dot_general3A_1431 = arith.constant dense<0.000000e+00> : vector<128x64xf32>
      %dot_general3A_1432 = tpu.matmul %mul3A_1426, %slice3A_1430, %dot_general3A_1431 {dimension_numbers = #tpu.dot_dimension_numbers<[1], [1], [0], [0], [0, 0, 1, 0], [], []>, transpose_lhs_hint = false} : vector<128x16xf32>, vector<64x16xf32>, vector<128x64xf32> -> vector<128x64xf32>
      %slice3A_1433 = vector.extract_strided_slice %get3A_1418 {offsets = [0, 0], sizes = [128, 16], strides = [1, 1]} : vector<128x128xf32> to vector<128x16xf32>
      %slice3A_1434 = vector.extract_strided_slice %get3A_1423 {offsets = [0, 0], sizes = [16, 128], strides = [1, 1]} : vector<128x128xf32> to vector<16x128xf32>
      %dot_general3A_1435 = arith.constant dense<0.000000e+00> : vector<128x128xf32>
      %dot_general3A_1436 = tpu.matmul %slice3A_1433, %slice3A_1434, %dot_general3A_1435 {dimension_numbers = #tpu.dot_dimension_numbers<[1], [0], [0], [1], [0, 0, 1, 1], [], []>, transpose_lhs_hint = false} : vector<128x16xf32>, vector<16x128xf32>, vector<128x128xf32> -> vector<128x128xf32>
      %broadcast_in_dim3A_1437 = arith.constant 0.000000e+00 : f32
      %broadcast_in_dim3A_1438 = vector.broadcast %broadcast_in_dim3A_1437 : f32 to vector<128x64xf32>
      %concatenate3A_1439 = tpu.concatenate %dot_general3A_1429, %dot_general3A_1436, %dot_general3A_1432, %broadcast_in_dim3A_1438 in 1 : vector<128x128xf32>, vector<128x128xf32>, vector<128x64xf32>, vector<128x64xf32> -> vector<128x384xf32>
      %convert_element_type3A_1440 = arith.truncf %concatenate3A_1439 : vector<128x384xf32> to vector<128x384xbf16>
      %swap3A_1441 = arith.constant 0 : index
      %swap3A_1442 = arith.constant 0 : index
      %swap3A_1443 = arith.constant 0 : index
      %swap3A_1444 = arith.constant 0 : index
      %swap3A_1445 = vector.load %arg17[%swap3A_1441, %swap3A_1442, %swap3A_1443, %swap3A_1444] : memref<4x8x128x384xbf16, #tpu.memory_space<vmem>>, vector<1x1x128x384xbf16>
      %swap3A_1446 = vector.shape_cast %swap3A_1445 : vector<1x1x128x384xbf16> to vector<128x384xbf16>
      %swap3A_1447 = vector.shape_cast %convert_element_type3A_1440 : vector<128x384xbf16> to vector<1x1x128x384xbf16>
      tpu.vector_store %arg17[%swap3A_1441, %swap3A_1442, %swap3A_1443, %swap3A_1444], %swap3A_1447 {strides = array<i32>} : memref<4x8x128x384xbf16, #tpu.memory_space<vmem>>, vector<1x1x128x384xbf16>,
      %slice3A_1448 = vector.extract_strided_slice %get3A_1408 {offsets = [0, 16], sizes = [128, 16], strides = [1, 1]} : vector<128x128xf32> to vector<128x16xf32>
      %mul3A_1449 = arith.constant 2.500000e-01 : f32
      %mul3A_1450 = vector.broadcast %mul3A_1449 : f32 to vector<128x16xf32>
      %mul3A_1451 = arith.mulf %slice3A_1448, %mul3A_1450 : vector<128x16xf32>
      %slice3A_1452 = vector.extract_strided_slice %get3A_1413 {offsets = [0, 16], sizes = [128, 16], strides = [1, 1]} : vector<128x128xf32> to vector<128x16xf32>
      %dot_general3A_1453 = arith.constant dense<0.000000e+00> : vector<128x128xf32>
      %dot_general3A_1454 = tpu.matmul %mul3A_1451, %slice3A_1452, %dot_general3A_1453 {dimension_numbers = #tpu.dot_dimension_numbers<[1], [1], [0], [0], [0, 0, 1, 0], [], []>, transpose_lhs_hint = false} : vector<128x16xf32>, vector<128x16xf32>, vector<128x128xf32> -> vector<128x128xf32>
      %slice3A_1455 = vector.extract_strided_slice %get3A_1403 {offsets = [0, 16], sizes = [64, 16], strides = [1, 1]} : vector<64x128xf32> to vector<64x16xf32>
      %dot_general3A_1456 = arith.constant dense<0.000000e+00> : vector<128x64xf32>
      %dot_general3A_1457 = tpu.matmul %mul3A_1451, %slice3A_1455, %dot_general3A_1456 {dimension_numbers = #tpu.dot_dimension_numbers<[1], [1], [0], [0], [0, 0, 1, 0], [], []>, transpose_lhs_hint = false} : vector<128x16xf32>, vector<64x16xf32>, vector<128x64xf32> -> vector<128x64xf32>
      %slice3A_1458 = vector.extract_strided_slice %get3A_1418 {offsets = [0, 16], sizes = [128, 16], strides = [1, 1]} : vector<128x128xf32> to vector<128x16xf32>
      %slice3A_1459 = vector.extract_strided_slice %get3A_1423 {offsets = [16, 0], sizes = [16, 128], strides = [1, 1]} : vector<128x128xf32> to vector<16x128xf32>
      %dot_general3A_1460 = arith.constant dense<0.000000e+00> : vector<128x128xf32>
      %dot_general3A_1461 = tpu.matmul %slice3A_1458, %slice3A_1459, %dot_general3A_1460 {dimension_numbers = #tpu.dot_dimension_numbers<[1], [0], [0], [1], [0, 0, 1, 1], [], []>, transpose_lhs_hint = false} : vector<128x16xf32>, vector<16x128xf32>, vector<128x128xf32> -> vector<128x128xf32>
      %broadcast_in_dim3A_1462 = arith.constant 0.000000e+00 : f32
      %broadcast_in_dim3A_1463 = vector.broadcast %broadcast_in_dim3A_1462 : f32 to vector<128x64xf32>
      %concatenate3A_1464 = tpu.concatenate %dot_general3A_1454, %dot_general3A_1461, %dot_general3A_1457, %broadcast_in_dim3A_1463 in 1 : vector<128x128xf32>, vector<128x128xf32>, vector<128x64xf32>, vector<128x64xf32> -> vector<128x384xf32>
      %convert_element_type3A_1465 = arith.truncf %concatenate3A_1464 : vector<128x384xf32> to vector<128x384xbf16>
      %swap3A_1466 = arith.constant 0 : index
      %swap3A_1467 = arith.constant 1 : index
      %swap3A_1468 = arith.constant 0 : index
      %swap3A_1469 = arith.constant 0 : index
      %swap3A_1470 = vector.load %arg17[%swap3A_1466, %swap3A_1467, %swap3A_1468, %swap3A_1469] : memref<4x8x128x384xbf16, #tpu.memory_space<vmem>>, vector<1x1x128x384xbf16>
      %swap3A_1471 = vector.shape_cast %swap3A_1470 : vector<1x1x128x384xbf16> to vector<128x384xbf16>
      %swap3A_1472 = vector.shape_cast %convert_element_type3A_1465 : vector<128x384xbf16> to vector<1x1x128x384xbf16>
      tpu.vector_store %arg17[%swap3A_1466, %swap3A_1467, %swap3A_1468, %swap3A_1469], %swap3A_1472 {strides = array<i32>} : memref<4x8x128x384xbf16, #tpu.memory_space<vmem>>, vector<1x1x128x384xbf16>,
      %slice3A_1473 = vector.extract_strided_slice %get3A_1408 {offsets = [0, 32], sizes = [128, 16], strides = [1, 1]} : vector<128x128xf32> to vector<128x16xf32>
      %mul3A_1474 = arith.constant 2.500000e-01 : f32
      %mul3A_1475 = vector.broadcast %mul3A_1474 : f32 to vector<128x16xf32>
      %mul3A_1476 = arith.mulf %slice3A_1473, %mul3A_1475 : vector<128x16xf32>
      %slice3A_1477 = vector.extract_strided_slice %get3A_1413 {offsets = [0, 32], sizes = [128, 16], strides = [1, 1]} : vector<128x128xf32> to vector<128x16xf32>
      %dot_general3A_1478 = arith.constant dense<0.000000e+00> : vector<128x128xf32>
      %dot_general3A_1479 = tpu.matmul %mul3A_1476, %slice3A_1477, %dot_general3A_1478 {dimension_numbers = #tpu.dot_dimension_numbers<[1], [1], [0], [0], [0, 0, 1, 0], [], []>, transpose_lhs_hint = false} : vector<128x16xf32>, vector<128x16xf32>, vector<128x128xf32> -> vector<128x128xf32>
      %slice3A_1480 = vector.extract_strided_slice %get3A_1403 {offsets = [0, 32], sizes = [64, 16], strides = [1, 1]} : vector<64x128xf32> to vector<64x16xf32>
      %dot_general3A_1481 = arith.constant dense<0.000000e+00> : vector<128x64xf32>
      %dot_general3A_1482 = tpu.matmul %mul3A_1476, %slice3A_1480, %dot_general3A_1481 {dimension_numbers = #tpu.dot_dimension_numbers<[1], [1], [0], [0], [0, 0, 1, 0], [], []>, transpose_lhs_hint = false} : vector<128x16xf32>, vector<64x16xf32>, vector<128x64xf32> -> vector<128x64xf32>
      %slice3A_1483 = vector.extract_strided_slice %get3A_1418 {offsets = [0, 32], sizes = [128, 16], strides = [1, 1]} : vector<128x128xf32> to vector<128x16xf32>
      %slice3A_1484 = vector.extract_strided_slice %get3A_1423 {offsets = [32, 0], sizes = [16, 128], strides = [1, 1]} : vector<128x128xf32> to vector<16x128xf32>
      %dot_general3A_1485 = arith.constant dense<0.000000e+00> : vector<128x128xf32>
      %dot_general3A_1486 = tpu.matmul %slice3A_1483, %slice3A_1484, %dot_general3A_1485 {dimension_numbers = #tpu.dot_dimension_numbers<[1], [0], [0], [1], [0, 0, 1, 1], [], []>, transpose_lhs_hint = false} : vector<128x16xf32>, vector<16x128xf32>, vector<128x128xf32> -> vector<128x128xf32>
      %broadcast_in_dim3A_1487 = arith.constant 0.000000e+00 : f32
      %broadcast_in_dim3A_1488 = vector.broadcast %broadcast_in_dim3A_1487 : f32 to vector<128x64xf32>
      %concatenate3A_1489 = tpu.concatenate %dot_general3A_1479, %dot_general3A_1486, %dot_general3A_1482, %broadcast_in_dim3A_1488 in 1 : vector<128x128xf32>, vector<128x128xf32>, vector<128x64xf32>, vector<128x64xf32> -> vector<128x384xf32>
      %convert_element_type3A_1490 = arith.truncf %concatenate3A_1489 : vector<128x384xf32> to vector<128x384xbf16>
      %swap3A_1491 = arith.constant 0 : index
      %swap3A_1492 = arith.constant 2 : index
      %swap3A_1493 = arith.constant 0 : index
      %swap3A_1494 = arith.constant 0 : index
      %swap3A_1495 = vector.load %arg17[%swap3A_1491, %swap3A_1492, %swap3A_1493, %swap3A_1494] : memref<4x8x128x384xbf16, #tpu.memory_space<vmem>>, vector<1x1x128x384xbf16>
      %swap3A_1496 = vector.shape_cast %swap3A_1495 : vector<1x1x128x384xbf16> to vector<128x384xbf16>
      %swap3A_1497 = vector.shape_cast %convert_element_type3A_1490 : vector<128x384xbf16> to vector<1x1x128x384xbf16>
      tpu.vector_store %arg17[%swap3A_1491, %swap3A_1492, %swap3A_1493, %swap3A_1494], %swap3A_1497 {strides = array<i32>} : memref<4x8x128x384xbf16, #tpu.memory_space<vmem>>, vector<1x1x128x384xbf16>,
      %slice3A_1498 = vector.extract_strided_slice %get3A_1408 {offsets = [0, 48], sizes = [128, 16], strides = [1, 1]} : vector<128x128xf32> to vector<128x16xf32>
      %mul3A_1499 = arith.constant 2.500000e-01 : f32
      %mul3A_1500 = vector.broadcast %mul3A_1499 : f32 to vector<128x16xf32>
      %mul3A_1501 = arith.mulf %slice3A_1498, %mul3A_1500 : vector<128x16xf32>
      %slice3A_1502 = vector.extract_strided_slice %get3A_1413 {offsets = [0, 48], sizes = [128, 16], strides = [1, 1]} : vector<128x128xf32> to vector<128x16xf32>
      %dot_general3A_1503 = arith.constant dense<0.000000e+00> : vector<128x128xf32>
      %dot_general3A_1504 = tpu.matmul %mul3A_1501, %slice3A_1502, %dot_general3A_1503 {dimension_numbers = #tpu.dot_dimension_numbers<[1], [1], [0], [0], [0, 0, 1, 0], [], []>, transpose_lhs_hint = false} : vector<128x16xf32>, vector<128x16xf32>, vector<128x128xf32> -> vector<128x128xf32>
      %slice3A_1505 = vector.extract_strided_slice %get3A_1403 {offsets = [0, 48], sizes = [64, 16], strides = [1, 1]} : vector<64x128xf32> to vector<64x16xf32>
      %dot_general3A_1506 = arith.constant dense<0.000000e+00> : vector<128x64xf32>
      %dot_general3A_1507 = tpu.matmul %mul3A_1501, %slice3A_1505, %dot_general3A_1506 {dimension_numbers = #tpu.dot_dimension_numbers<[1], [1], [0], [0], [0, 0, 1, 0], [], []>, transpose_lhs_hint = false} : vector<128x16xf32>, vector<64x16xf32>, vector<128x64xf32> -> vector<128x64xf32>
      %slice3A_1508 = vector.extract_strided_slice %get3A_1418 {offsets = [0, 48], sizes = [128, 16], strides = [1, 1]} : vector<128x128xf32> to vector<128x16xf32>
      %slice3A_1509 = vector.extract_strided_slice %get3A_1423 {offsets = [48, 0], sizes = [16, 128], strides = [1, 1]} : vector<128x128xf32> to vector<16x128xf32>
      %dot_general3A_1510 = arith.constant dense<0.000000e+00> : vector<128x128xf32>
      %dot_general3A_1511 = tpu.matmul %slice3A_1508, %slice3A_1509, %dot_general3A_1510 {dimension_numbers = #tpu.dot_dimension_numbers<[1], [0], [0], [1], [0, 0, 1, 1], [], []>, transpose_lhs_hint = false} : vector<128x16xf32>, vector<16x128xf32>, vector<128x128xf32> -> vector<128x128xf32>
      %broadcast_in_dim3A_1512 = arith.constant 0.000000e+00 : f32
      %broadcast_in_dim3A_1513 = vector.broadcast %broadcast_in_dim3A_1512 : f32 to vector<128x64xf32>
      %concatenate3A_1514 = tpu.concatenate %dot_general3A_1504, %dot_general3A_1511, %dot_general3A_1507, %broadcast_in_dim3A_1513 in 1 : vector<128x128xf32>, vector<128x128xf32>, vector<128x64xf32>, vector<128x64xf32> -> vector<128x384xf32>
      %convert_element_type3A_1515 = arith.truncf %concatenate3A_1514 : vector<128x384xf32> to vector<128x384xbf16>
      %swap3A_1516 = arith.constant 0 : index
      %swap3A_1517 = arith.constant 3 : index
      %swap3A_1518 = arith.constant 0 : index
      %swap3A_1519 = arith.constant 0 : index
      %swap3A_1520 = vector.load %arg17[%swap3A_1516, %swap3A_1517, %swap3A_1518, %swap3A_1519] : memref<4x8x128x384xbf16, #tpu.memory_space<vmem>>, vector<1x1x128x384xbf16>
      %swap3A_1521 = vector.shape_cast %swap3A_1520 : vector<1x1x128x384xbf16> to vector<128x384xbf16>
      %swap3A_1522 = vector.shape_cast %convert_element_type3A_1515 : vector<128x384xbf16> to vector<1x1x128x384xbf16>
      tpu.vector_store %arg17[%swap3A_1516, %swap3A_1517, %swap3A_1518, %swap3A_1519], %swap3A_1522 {strides = array<i32>} : memref<4x8x128x384xbf16, #tpu.memory_space<vmem>>, vector<1x1x128x384xbf16>,
      %slice3A_1523 = vector.extract_strided_slice %get3A_1408 {offsets = [0, 64], sizes = [128, 16], strides = [1, 1]} : vector<128x128xf32> to vector<128x16xf32>
      %mul3A_1524 = arith.constant 2.500000e-01 : f32
      %mul3A_1525 = vector.broadcast %mul3A_1524 : f32 to vector<128x16xf32>
      %mul3A_1526 = arith.mulf %slice3A_1523, %mul3A_1525 : vector<128x16xf32>
      %slice3A_1527 = vector.extract_strided_slice %get3A_1413 {offsets = [0, 64], sizes = [128, 16], strides = [1, 1]} : vector<128x128xf32> to vector<128x16xf32>
      %dot_general3A_1528 = arith.constant dense<0.000000e+00> : vector<128x128xf32>
      %dot_general3A_1529 = tpu.matmul %mul3A_1526, %slice3A_1527, %dot_general3A_1528 {dimension_numbers = #tpu.dot_dimension_numbers<[1], [1], [0], [0], [0, 0, 1, 0], [], []>, transpose_lhs_hint = false} : vector<128x16xf32>, vector<128x16xf32>, vector<128x128xf32> -> vector<128x128xf32>
      %slice3A_1530 = vector.extract_strided_slice %get3A_1403 {offsets = [0, 64], sizes = [64, 16], strides = [1, 1]} : vector<64x128xf32> to vector<64x16xf32>
      %dot_general3A_1531 = arith.constant dense<0.000000e+00> : vector<128x64xf32>
      %dot_general3A_1532 = tpu.matmul %mul3A_1526, %slice3A_1530, %dot_general3A_1531 {dimension_numbers = #tpu.dot_dimension_numbers<[1], [1], [0], [0], [0, 0, 1, 0], [], []>, transpose_lhs_hint = false} : vector<128x16xf32>, vector<64x16xf32>, vector<128x64xf32> -> vector<128x64xf32>
      %slice3A_1533 = vector.extract_strided_slice %get3A_1418 {offsets = [0, 64], sizes = [128, 16], strides = [1, 1]} : vector<128x128xf32> to vector<128x16xf32>
      %slice3A_1534 = vector.extract_strided_slice %get3A_1423 {offsets = [64, 0], sizes = [16, 128], strides = [1, 1]} : vector<128x128xf32> to vector<16x128xf32>
      %dot_general3A_1535 = arith.constant dense<0.000000e+00> : vector<128x128xf32>
      %dot_general3A_1536 = tpu.matmul %slice3A_1533, %slice3A_1534, %dot_general3A_1535 {dimension_numbers = #tpu.dot_dimension_numbers<[1], [0], [0], [1], [0, 0, 1, 1], [], []>, transpose_lhs_hint = false} : vector<128x16xf32>, vector<16x128xf32>, vector<128x128xf32> -> vector<128x128xf32>
      %broadcast_in_dim3A_1537 = arith.constant 0.000000e+00 : f32
      %broadcast_in_dim3A_1538 = vector.broadcast %broadcast_in_dim3A_1537 : f32 to vector<128x64xf32>
      %concatenate3A_1539 = tpu.concatenate %dot_general3A_1529, %dot_general3A_1536, %dot_general3A_1532, %broadcast_in_dim3A_1538 in 1 : vector<128x128xf32>, vector<128x128xf32>, vector<128x64xf32>, vector<128x64xf32> -> vector<128x384xf32>
      %convert_element_type3A_1540 = arith.truncf %concatenate3A_1539 : vector<128x384xf32> to vector<128x384xbf16>
      %swap3A_1541 = arith.constant 0 : index
      %swap3A_1542 = arith.constant 4 : index
      %swap3A_1543 = arith.constant 0 : index
      %swap3A_1544 = arith.constant 0 : index
      %swap3A_1545 = vector.load %arg17[%swap3A_1541, %swap3A_1542, %swap3A_1543, %swap3A_1544] : memref<4x8x128x384xbf16, #tpu.memory_space<vmem>>, vector<1x1x128x384xbf16>
      %swap3A_1546 = vector.shape_cast %swap3A_1545 : vector<1x1x128x384xbf16> to vector<128x384xbf16>
      %swap3A_1547 = vector.shape_cast %convert_element_type3A_1540 : vector<128x384xbf16> to vector<1x1x128x384xbf16>
      tpu.vector_store %arg17[%swap3A_1541, %swap3A_1542, %swap3A_1543, %swap3A_1544], %swap3A_1547 {strides = array<i32>} : memref<4x8x128x384xbf16, #tpu.memory_space<vmem>>, vector<1x1x128x384xbf16>,
      %slice3A_1548 = vector.extract_strided_slice %get3A_1408 {offsets = [0, 80], sizes = [128, 16], strides = [1, 1]} : vector<128x128xf32> to vector<128x16xf32>
      %mul3A_1549 = arith.constant 2.500000e-01 : f32
      %mul3A_1550 = vector.broadcast %mul3A_1549 : f32 to vector<128x16xf32>
      %mul3A_1551 = arith.mulf %slice3A_1548, %mul3A_1550 : vector<128x16xf32>
      %slice3A_1552 = vector.extract_strided_slice %get3A_1413 {offsets = [0, 80], sizes = [128, 16], strides = [1, 1]} : vector<128x128xf32> to vector<128x16xf32>
      %dot_general3A_1553 = arith.constant dense<0.000000e+00> : vector<128x128xf32>
      %dot_general3A_1554 = tpu.matmul %mul3A_1551, %slice3A_1552, %dot_general3A_1553 {dimension_numbers = #tpu.dot_dimension_numbers<[1], [1], [0], [0], [0, 0, 1, 0], [], []>, transpose_lhs_hint = false} : vector<128x16xf32>, vector<128x16xf32>, vector<128x128xf32> -> vector<128x128xf32>
      %slice3A_1555 = vector.extract_strided_slice %get3A_1403 {offsets = [0, 80], sizes = [64, 16], strides = [1, 1]} : vector<64x128xf32> to vector<64x16xf32>
      %dot_general3A_1556 = arith.constant dense<0.000000e+00> : vector<128x64xf32>
      %dot_general3A_1557 = tpu.matmul %mul3A_1551, %slice3A_1555, %dot_general3A_1556 {dimension_numbers = #tpu.dot_dimension_numbers<[1], [1], [0], [0], [0, 0, 1, 0], [], []>, transpose_lhs_hint = false} : vector<128x16xf32>, vector<64x16xf32>, vector<128x64xf32> -> vector<128x64xf32>
      %slice3A_1558 = vector.extract_strided_slice %get3A_1418 {offsets = [0, 80], sizes = [128, 16], strides = [1, 1]} : vector<128x128xf32> to vector<128x16xf32>
      %slice3A_1559 = vector.extract_strided_slice %get3A_1423 {offsets = [80, 0], sizes = [16, 128], strides = [1, 1]} : vector<128x128xf32> to vector<16x128xf32>
      %dot_general3A_1560 = arith.constant dense<0.000000e+00> : vector<128x128xf32>
      %dot_general3A_1561 = tpu.matmul %slice3A_1558, %slice3A_1559, %dot_general3A_1560 {dimension_numbers = #tpu.dot_dimension_numbers<[1], [0], [0], [1], [0, 0, 1, 1], [], []>, transpose_lhs_hint = false} : vector<128x16xf32>, vector<16x128xf32>, vector<128x128xf32> -> vector<128x128xf32>
      %broadcast_in_dim3A_1562 = arith.constant 0.000000e+00 : f32
      %broadcast_in_dim3A_1563 = vector.broadcast %broadcast_in_dim3A_1562 : f32 to vector<128x64xf32>
      %concatenate3A_1564 = tpu.concatenate %dot_general3A_1554, %dot_general3A_1561, %dot_general3A_1557, %broadcast_in_dim3A_1563 in 1 : vector<128x128xf32>, vector<128x128xf32>, vector<128x64xf32>, vector<128x64xf32> -> vector<128x384xf32>
      %convert_element_type3A_1565 = arith.truncf %concatenate3A_1564 : vector<128x384xf32> to vector<128x384xbf16>
      %swap3A_1566 = arith.constant 0 : index
      %swap3A_1567 = arith.constant 5 : index
      %swap3A_1568 = arith.constant 0 : index
      %swap3A_1569 = arith.constant 0 : index
      %swap3A_1570 = vector.load %arg17[%swap3A_1566, %swap3A_1567, %swap3A_1568, %swap3A_1569] : memref<4x8x128x384xbf16, #tpu.memory_space<vmem>>, vector<1x1x128x384xbf16>
      %swap3A_1571 = vector.shape_cast %swap3A_1570 : vector<1x1x128x384xbf16> to vector<128x384xbf16>
      %swap3A_1572 = vector.shape_cast %convert_element_type3A_1565 : vector<128x384xbf16> to vector<1x1x128x384xbf16>
      tpu.vector_store %arg17[%swap3A_1566, %swap3A_1567, %swap3A_1568, %swap3A_1569], %swap3A_1572 {strides = array<i32>} : memref<4x8x128x384xbf16, #tpu.memory_space<vmem>>, vector<1x1x128x384xbf16>,
      %slice3A_1573 = vector.extract_strided_slice %get3A_1408 {offsets = [0, 96], sizes = [128, 16], strides = [1, 1]} : vector<128x128xf32> to vector<128x16xf32>
      %mul3A_1574 = arith.constant 2.500000e-01 : f32
      %mul3A_1575 = vector.broadcast %mul3A_1574 : f32 to vector<128x16xf32>
      %mul3A_1576 = arith.mulf %slice3A_1573, %mul3A_1575 : vector<128x16xf32>
      %slice3A_1577 = vector.extract_strided_slice %get3A_1413 {offsets = [0, 96], sizes = [128, 16], strides = [1, 1]} : vector<128x128xf32> to vector<128x16xf32>
      %dot_general3A_1578 = arith.constant dense<0.000000e+00> : vector<128x128xf32>
      %dot_general3A_1579 = tpu.matmul %mul3A_1576, %slice3A_1577, %dot_general3A_1578 {dimension_numbers = #tpu.dot_dimension_numbers<[1], [1], [0], [0], [0, 0, 1, 0], [], []>, transpose_lhs_hint = false} : vector<128x16xf32>, vector<128x16xf32>, vector<128x128xf32> -> vector<128x128xf32>
      %slice3A_1580 = vector.extract_strided_slice %get3A_1403 {offsets = [0, 96], sizes = [64, 16], strides = [1, 1]} : vector<64x128xf32> to vector<64x16xf32>
      %dot_general3A_1581 = arith.constant dense<0.000000e+00> : vector<128x64xf32>
      %dot_general3A_1582 = tpu.matmul %mul3A_1576, %slice3A_1580, %dot_general3A_1581 {dimension_numbers = #tpu.dot_dimension_numbers<[1], [1], [0], [0], [0, 0, 1, 0], [], []>, transpose_lhs_hint = false} : vector<128x16xf32>, vector<64x16xf32>, vector<128x64xf32> -> vector<128x64xf32>
      %slice3A_1583 = vector.extract_strided_slice %get3A_1418 {offsets = [0, 96], sizes = [128, 16], strides = [1, 1]} : vector<128x128xf32> to vector<128x16xf32>
      %slice3A_1584 = vector.extract_strided_slice %get3A_1423 {offsets = [96, 0], sizes = [16, 128], strides = [1, 1]} : vector<128x128xf32> to vector<16x128xf32>
      %dot_general3A_1585 = arith.constant dense<0.000000e+00> : vector<128x128xf32>
      %dot_general3A_1586 = tpu.matmul %slice3A_1583, %slice3A_1584, %dot_general3A_1585 {dimension_numbers = #tpu.dot_dimension_numbers<[1], [0], [0], [1], [0, 0, 1, 1], [], []>, transpose_lhs_hint = false} : vector<128x16xf32>, vector<16x128xf32>, vector<128x128xf32> -> vector<128x128xf32>
      %broadcast_in_dim3A_1587 = arith.constant 0.000000e+00 : f32
      %broadcast_in_dim3A_1588 = vector.broadcast %broadcast_in_dim3A_1587 : f32 to vector<128x64xf32>
      %concatenate3A_1589 = tpu.concatenate %dot_general3A_1579, %dot_general3A_1586, %dot_general3A_1582, %broadcast_in_dim3A_1588 in 1 : vector<128x128xf32>, vector<128x128xf32>, vector<128x64xf32>, vector<128x64xf32> -> vector<128x384xf32>
      %convert_element_type3A_1590 = arith.truncf %concatenate3A_1589 : vector<128x384xf32> to vector<128x384xbf16>
      %swap3A_1591 = arith.constant 0 : index
      %swap3A_1592 = arith.constant 6 : index
      %swap3A_1593 = arith.constant 0 : index
      %swap3A_1594 = arith.constant 0 : index
      %swap3A_1595 = vector.load %arg17[%swap3A_1591, %swap3A_1592, %swap3A_1593, %swap3A_1594] : memref<4x8x128x384xbf16, #tpu.memory_space<vmem>>, vector<1x1x128x384xbf16>
      %swap3A_1596 = vector.shape_cast %swap3A_1595 : vector<1x1x128x384xbf16> to vector<128x384xbf16>
      %swap3A_1597 = vector.shape_cast %convert_element_type3A_1590 : vector<128x384xbf16> to vector<1x1x128x384xbf16>
      tpu.vector_store %arg17[%swap3A_1591, %swap3A_1592, %swap3A_1593, %swap3A_1594], %swap3A_1597 {strides = array<i32>} : memref<4x8x128x384xbf16, #tpu.memory_space<vmem>>, vector<1x1x128x384xbf16>,
      %slice3A_1598 = vector.extract_strided_slice %get3A_1408 {offsets = [0, 112], sizes = [128, 16], strides = [1, 1]} : vector<128x128xf32> to vector<128x16xf32>
      %mul3A_1599 = arith.constant 2.500000e-01 : f32
      %mul3A_1600 = vector.broadcast %mul3A_1599 : f32 to vector<128x16xf32>
      %mul3A_1601 = arith.mulf %slice3A_1598, %mul3A_1600 : vector<128x16xf32>
      %slice3A_1602 = vector.extract_strided_slice %get3A_1413 {offsets = [0, 112], sizes = [128, 16], strides = [1, 1]} : vector<128x128xf32> to vector<128x16xf32>
      %dot_general3A_1603 = arith.constant dense<0.000000e+00> : vector<128x128xf32>
      %dot_general3A_1604 = tpu.matmul %mul3A_1601, %slice3A_1602, %dot_general3A_1603 {dimension_numbers = #tpu.dot_dimension_numbers<[1], [1], [0], [0], [0, 0, 1, 0], [], []>, transpose_lhs_hint = false} : vector<128x16xf32>, vector<128x16xf32>, vector<128x128xf32> -> vector<128x128xf32>
      %slice3A_1605 = vector.extract_strided_slice %get3A_1403 {offsets = [0, 112], sizes = [64, 16], strides = [1, 1]} : vector<64x128xf32> to vector<64x16xf32>
      %dot_general3A_1606 = arith.constant dense<0.000000e+00> : vector<128x64xf32>
      %dot_general3A_1607 = tpu.matmul %mul3A_1601, %slice3A_1605, %dot_general3A_1606 {dimension_numbers = #tpu.dot_dimension_numbers<[1], [1], [0], [0], [0, 0, 1, 0], [], []>, transpose_lhs_hint = false} : vector<128x16xf32>, vector<64x16xf32>, vector<128x64xf32> -> vector<128x64xf32>
      %slice3A_1608 = vector.extract_strided_slice %get3A_1418 {offsets = [0, 112], sizes = [128, 16], strides = [1, 1]} : vector<128x128xf32> to vector<128x16xf32>
      %slice3A_1609 = vector.extract_strided_slice %get3A_1423 {offsets = [112, 0], sizes = [16, 128], strides = [1, 1]} : vector<128x128xf32> to vector<16x128xf32>
      %dot_general3A_1610 = arith.constant dense<0.000000e+00> : vector<128x128xf32>
      %dot_general3A_1611 = tpu.matmul %slice3A_1608, %slice3A_1609, %dot_general3A_1610 {dimension_numbers = #tpu.dot_dimension_numbers<[1], [0], [0], [1], [0, 0, 1, 1], [], []>, transpose_lhs_hint = false} : vector<128x16xf32>, vector<16x128xf32>, vector<128x128xf32> -> vector<128x128xf32>
      %broadcast_in_dim3A_1612 = arith.constant 0.000000e+00 : f32
      %broadcast_in_dim3A_1613 = vector.broadcast %broadcast_in_dim3A_1612 : f32 to vector<128x64xf32>
      %concatenate3A_1614 = tpu.concatenate %dot_general3A_1604, %dot_general3A_1611, %dot_general3A_1607, %broadcast_in_dim3A_1613 in 1 : vector<128x128xf32>, vector<128x128xf32>, vector<128x64xf32>, vector<128x64xf32> -> vector<128x384xf32>
      %convert_element_type3A_1615 = arith.truncf %concatenate3A_1614 : vector<128x384xf32> to vector<128x384xbf16>
      %swap3A_1616 = arith.constant 0 : index
      %swap3A_1617 = arith.constant 7 : index
      %swap3A_1618 = arith.constant 0 : index
      %swap3A_1619 = arith.constant 0 : index
      %swap3A_1620 = vector.load %arg17[%swap3A_1616, %swap3A_1617, %swap3A_1618, %swap3A_1619] : memref<4x8x128x384xbf16, #tpu.memory_space<vmem>>, vector<1x1x128x384xbf16>
      %swap3A_1621 = vector.shape_cast %swap3A_1620 : vector<1x1x128x384xbf16> to vector<128x384xbf16>
      %swap3A_1622 = vector.shape_cast %convert_element_type3A_1615 : vector<128x384xbf16> to vector<1x1x128x384xbf16>
      tpu.vector_store %arg17[%swap3A_1616, %swap3A_1617, %swap3A_1618, %swap3A_1619], %swap3A_1622 {strides = array<i32>} : memref<4x8x128x384xbf16, #tpu.memory_space<vmem>>, vector<1x1x128x384xbf16>,
      %get3A_1623 = arith.constant 1 : index
      %get3A_1624 = arith.constant 0 : index
      %get3A_1625 = arith.constant 0 : index
      %get3A_1626 = vector.load %arg6[%get3A_1623, %get3A_1624, %get3A_1625] : memref<4x128x128xf32, #tpu.memory_space<vmem>>, vector<1x128x128xf32>
      %get3A_1627 = vector.shape_cast %get3A_1626 : vector<1x128x128xf32> to vector<128x128xf32>
      %get3A_1628 = arith.constant 1 : index
      %get3A_1629 = arith.constant 0 : index
      %get3A_1630 = arith.constant 0 : index
      %get3A_1631 = vector.load %arg7[%get3A_1628, %get3A_1629, %get3A_1630] : memref<4x128x128xf32, #tpu.memory_space<vmem>>, vector<1x128x128xf32>
      %get3A_1632 = vector.shape_cast %get3A_1631 : vector<1x128x128xf32> to vector<128x128xf32>
      %get3A_1633 = arith.constant 1 : index
      %get3A_1634 = arith.constant 0 : index
      %get3A_1635 = arith.constant 0 : index
      %get3A_1636 = vector.load %arg8[%get3A_1633, %get3A_1634, %get3A_1635] : memref<4x128x128xf32, #tpu.memory_space<vmem>>, vector<1x128x128xf32>
      %get3A_1637 = vector.shape_cast %get3A_1636 : vector<1x128x128xf32> to vector<128x128xf32>
      %get3A_1638 = arith.constant 1 : index
      %get3A_1639 = arith.constant 0 : index
      %get3A_1640 = arith.constant 0 : index
      %get3A_1641 = vector.load %arg9[%get3A_1638, %get3A_1639, %get3A_1640] : memref<4x128x128xf32, #tpu.memory_space<vmem>>, vector<1x128x128xf32>
      %get3A_1642 = vector.shape_cast %get3A_1641 : vector<1x128x128xf32> to vector<128x128xf32>
      %slice3A_1643 = vector.extract_strided_slice %get3A_1627 {offsets = [0, 0], sizes = [128, 16], strides = [1, 1]} : vector<128x128xf32> to vector<128x16xf32>
      %mul3A_1644 = arith.constant 2.500000e-01 : f32
      %mul3A_1645 = vector.broadcast %mul3A_1644 : f32 to vector<128x16xf32>
      %mul3A_1646 = arith.mulf %slice3A_1643, %mul3A_1645 : vector<128x16xf32>
      %slice3A_1647 = vector.extract_strided_slice %get3A_1632 {offsets = [0, 0], sizes = [128, 16], strides = [1, 1]} : vector<128x128xf32> to vector<128x16xf32>
      %dot_general3A_1648 = arith.constant dense<0.000000e+00> : vector<128x128xf32>
      %dot_general3A_1649 = tpu.matmul %mul3A_1646, %slice3A_1647, %dot_general3A_1648 {dimension_numbers = #tpu.dot_dimension_numbers<[1], [1], [0], [0], [0, 0, 1, 0], [], []>, transpose_lhs_hint = false} : vector<128x16xf32>, vector<128x16xf32>, vector<128x128xf32> -> vector<128x128xf32>
      %slice3A_1650 = vector.extract_strided_slice %get3A_1403 {offsets = [0, 0], sizes = [64, 16], strides = [1, 1]} : vector<64x128xf32> to vector<64x16xf32>
      %dot_general3A_1651 = arith.constant dense<0.000000e+00> : vector<128x64xf32>
      %dot_general3A_1652 = tpu.matmul %mul3A_1646, %slice3A_1650, %dot_general3A_1651 {dimension_numbers = #tpu.dot_dimension_numbers<[1], [1], [0], [0], [0, 0, 1, 0], [], []>, transpose_lhs_hint = false} : vector<128x16xf32>, vector<64x16xf32>, vector<128x64xf32> -> vector<128x64xf32>
      %slice3A_1653 = vector.extract_strided_slice %get3A_1637 {offsets = [0, 0], sizes = [128, 16], strides = [1, 1]} : vector<128x128xf32> to vector<128x16xf32>
      %slice3A_1654 = vector.extract_strided_slice %get3A_1642 {offsets = [0, 0], sizes = [16, 128], strides = [1, 1]} : vector<128x128xf32> to vector<16x128xf32>
      %dot_general3A_1655 = arith.constant dense<0.000000e+00> : vector<128x128xf32>
      %dot_general3A_1656 = tpu.matmul %slice3A_1653, %slice3A_1654, %dot_general3A_1655 {dimension_numbers = #tpu.dot_dimension_numbers<[1], [0], [0], [1], [0, 0, 1, 1], [], []>, transpose_lhs_hint = false} : vector<128x16xf32>, vector<16x128xf32>, vector<128x128xf32> -> vector<128x128xf32>
      %broadcast_in_dim3A_1657 = arith.constant 0.000000e+00 : f32
      %broadcast_in_dim3A_1658 = vector.broadcast %broadcast_in_dim3A_1657 : f32 to vector<128x64xf32>
      %concatenate3A_1659 = tpu.concatenate %dot_general3A_1649, %dot_general3A_1656, %dot_general3A_1652, %broadcast_in_dim3A_1658 in 1 : vector<128x128xf32>, vector<128x128xf32>, vector<128x64xf32>, vector<128x64xf32> -> vector<128x384xf32>
      %convert_element_type3A_1660 = arith.truncf %concatenate3A_1659 : vector<128x384xf32> to vector<128x384xbf16>
      %swap3A_1661 = arith.constant 1 : index
      %swap3A_1662 = arith.constant 0 : index
      %swap3A_1663 = arith.constant 0 : index
      %swap3A_1664 = arith.constant 0 : index
      %swap3A_1665 = vector.load %arg17[%swap3A_1661, %swap3A_1662, %swap3A_1663, %swap3A_1664] : memref<4x8x128x384xbf16, #tpu.memory_space<vmem>>, vector<1x1x128x384xbf16>
      %swap3A_1666 = vector.shape_cast %swap3A_1665 : vector<1x1x128x384xbf16> to vector<128x384xbf16>
      %swap3A_1667 = vector.shape_cast %convert_element_type3A_1660 : vector<128x384xbf16> to vector<1x1x128x384xbf16>
      tpu.vector_store %arg17[%swap3A_1661, %swap3A_1662, %swap3A_1663, %swap3A_1664], %swap3A_1667 {strides = array<i32>} : memref<4x8x128x384xbf16, #tpu.memory_space<vmem>>, vector<1x1x128x384xbf16>,
      %slice3A_1668 = vector.extract_strided_slice %get3A_1627 {offsets = [0, 16], sizes = [128, 16], strides = [1, 1]} : vector<128x128xf32> to vector<128x16xf32>
      %mul3A_1669 = arith.constant 2.500000e-01 : f32
      %mul3A_1670 = vector.broadcast %mul3A_1669 : f32 to vector<128x16xf32>
      %mul3A_1671 = arith.mulf %slice3A_1668, %mul3A_1670 : vector<128x16xf32>
      %slice3A_1672 = vector.extract_strided_slice %get3A_1632 {offsets = [0, 16], sizes = [128, 16], strides = [1, 1]} : vector<128x128xf32> to vector<128x16xf32>
      %dot_general3A_1673 = arith.constant dense<0.000000e+00> : vector<128x128xf32>
      %dot_general3A_1674 = tpu.matmul %mul3A_1671, %slice3A_1672, %dot_general3A_1673 {dimension_numbers = #tpu.dot_dimension_numbers<[1], [1], [0], [0], [0, 0, 1, 0], [], []>, transpose_lhs_hint = false} : vector<128x16xf32>, vector<128x16xf32>, vector<128x128xf32> -> vector<128x128xf32>
      %slice3A_1675 = vector.extract_strided_slice %get3A_1403 {offsets = [0, 16], sizes = [64, 16], strides = [1, 1]} : vector<64x128xf32> to vector<64x16xf32>
      %dot_general3A_1676 = arith.constant dense<0.000000e+00> : vector<128x64xf32>
      %dot_general3A_1677 = tpu.matmul %mul3A_1671, %slice3A_1675, %dot_general3A_1676 {dimension_numbers = #tpu.dot_dimension_numbers<[1], [1], [0], [0], [0, 0, 1, 0], [], []>, transpose_lhs_hint = false} : vector<128x16xf32>, vector<64x16xf32>, vector<128x64xf32> -> vector<128x64xf32>
      %slice3A_1678 = vector.extract_strided_slice %get3A_1637 {offsets = [0, 16], sizes = [128, 16], strides = [1, 1]} : vector<128x128xf32> to vector<128x16xf32>
      %slice3A_1679 = vector.extract_strided_slice %get3A_1642 {offsets = [16, 0], sizes = [16, 128], strides = [1, 1]} : vector<128x128xf32> to vector<16x128xf32>
      %dot_general3A_1680 = arith.constant dense<0.000000e+00> : vector<128x128xf32>
      %dot_general3A_1681 = tpu.matmul %slice3A_1678, %slice3A_1679, %dot_general3A_1680 {dimension_numbers = #tpu.dot_dimension_numbers<[1], [0], [0], [1], [0, 0, 1, 1], [], []>, transpose_lhs_hint = false} : vector<128x16xf32>, vector<16x128xf32>, vector<128x128xf32> -> vector<128x128xf32>
      %broadcast_in_dim3A_1682 = arith.constant 0.000000e+00 : f32
      %broadcast_in_dim3A_1683 = vector.broadcast %broadcast_in_dim3A_1682 : f32 to vector<128x64xf32>
      %concatenate3A_1684 = tpu.concatenate %dot_general3A_1674, %dot_general3A_1681, %dot_general3A_1677, %broadcast_in_dim3A_1683 in 1 : vector<128x128xf32>, vector<128x128xf32>, vector<128x64xf32>, vector<128x64xf32> -> vector<128x384xf32>
      %convert_element_type3A_1685 = arith.truncf %concatenate3A_1684 : vector<128x384xf32> to vector<128x384xbf16>
      %swap3A_1686 = arith.constant 1 : index
      %swap3A_1687 = arith.constant 1 : index
      %swap3A_1688 = arith.constant 0 : index
      %swap3A_1689 = arith.constant 0 : index
      %swap3A_1690 = vector.load %arg17[%swap3A_1686, %swap3A_1687, %swap3A_1688, %swap3A_1689] : memref<4x8x128x384xbf16, #tpu.memory_space<vmem>>, vector<1x1x128x384xbf16>
      %swap3A_1691 = vector.shape_cast %swap3A_1690 : vector<1x1x128x384xbf16> to vector<128x384xbf16>
      %swap3A_1692 = vector.shape_cast %convert_element_type3A_1685 : vector<128x384xbf16> to vector<1x1x128x384xbf16>
      tpu.vector_store %arg17[%swap3A_1686, %swap3A_1687, %swap3A_1688, %swap3A_1689], %swap3A_1692 {strides = array<i32>} : memref<4x8x128x384xbf16, #tpu.memory_space<vmem>>, vector<1x1x128x384xbf16>,
      %slice3A_1693 = vector.extract_strided_slice %get3A_1627 {offsets = [0, 32], sizes = [128, 16], strides = [1, 1]} : vector<128x128xf32> to vector<128x16xf32>
      %mul3A_1694 = arith.constant 2.500000e-01 : f32
      %mul3A_1695 = vector.broadcast %mul3A_1694 : f32 to vector<128x16xf32>
      %mul3A_1696 = arith.mulf %slice3A_1693, %mul3A_1695 : vector<128x16xf32>
      %slice3A_1697 = vector.extract_strided_slice %get3A_1632 {offsets = [0, 32], sizes = [128, 16], strides = [1, 1]} : vector<128x128xf32> to vector<128x16xf32>
      %dot_general3A_1698 = arith.constant dense<0.000000e+00> : vector<128x128xf32>
      %dot_general3A_1699 = tpu.matmul %mul3A_1696, %slice3A_1697, %dot_general3A_1698 {dimension_numbers = #tpu.dot_dimension_numbers<[1], [1], [0], [0], [0, 0, 1, 0], [], []>, transpose_lhs_hint = false} : vector<128x16xf32>, vector<128x16xf32>, vector<128x128xf32> -> vector<128x128xf32>
      %slice3A_1700 = vector.extract_strided_slice %get3A_1403 {offsets = [0, 32], sizes = [64, 16], strides = [1, 1]} : vector<64x128xf32> to vector<64x16xf32>
      %dot_general3A_1701 = arith.constant dense<0.000000e+00> : vector<128x64xf32>
      %dot_general3A_1702 = tpu.matmul %mul3A_1696, %slice3A_1700, %dot_general3A_1701 {dimension_numbers = #tpu.dot_dimension_numbers<[1], [1], [0], [0], [0, 0, 1, 0], [], []>, transpose_lhs_hint = false} : vector<128x16xf32>, vector<64x16xf32>, vector<128x64xf32> -> vector<128x64xf32>
      %slice3A_1703 = vector.extract_strided_slice %get3A_1637 {offsets = [0, 32], sizes = [128, 16], strides = [1, 1]} : vector<128x128xf32> to vector<128x16xf32>
      %slice3A_1704 = vector.extract_strided_slice %get3A_1642 {offsets = [32, 0], sizes = [16, 128], strides = [1, 1]} : vector<128x128xf32> to vector<16x128xf32>
      %dot_general3A_1705 = arith.constant dense<0.000000e+00> : vector<128x128xf32>
      %dot_general3A_1706 = tpu.matmul %slice3A_1703, %slice3A_1704, %dot_general3A_1705 {dimension_numbers = #tpu.dot_dimension_numbers<[1], [0], [0], [1], [0, 0, 1, 1], [], []>, transpose_lhs_hint = false} : vector<128x16xf32>, vector<16x128xf32>, vector<128x128xf32> -> vector<128x128xf32>
      %broadcast_in_dim3A_1707 = arith.constant 0.000000e+00 : f32
      %broadcast_in_dim3A_1708 = vector.broadcast %broadcast_in_dim3A_1707 : f32 to vector<128x64xf32>
      %concatenate3A_1709 = tpu.concatenate %dot_general3A_1699, %dot_general3A_1706, %dot_general3A_1702, %broadcast_in_dim3A_1708 in 1 : vector<128x128xf32>, vector<128x128xf32>, vector<128x64xf32>, vector<128x64xf32> -> vector<128x384xf32>
      %convert_element_type3A_1710 = arith.truncf %concatenate3A_1709 : vector<128x384xf32> to vector<128x384xbf16>
      %swap3A_1711 = arith.constant 1 : index
      %swap3A_1712 = arith.constant 2 : index
      %swap3A_1713 = arith.constant 0 : index
      %swap3A_1714 = arith.constant 0 : index
      %swap3A_1715 = vector.load %arg17[%swap3A_1711, %swap3A_1712, %swap3A_1713, %swap3A_1714] : memref<4x8x128x384xbf16, #tpu.memory_space<vmem>>, vector<1x1x128x384xbf16>
      %swap3A_1716 = vector.shape_cast %swap3A_1715 : vector<1x1x128x384xbf16> to vector<128x384xbf16>
      %swap3A_1717 = vector.shape_cast %convert_element_type3A_1710 : vector<128x384xbf16> to vector<1x1x128x384xbf16>
      tpu.vector_store %arg17[%swap3A_1711, %swap3A_1712, %swap3A_1713, %swap3A_1714], %swap3A_1717 {strides = array<i32>} : memref<4x8x128x384xbf16, #tpu.memory_space<vmem>>, vector<1x1x128x384xbf16>,
      %slice3A_1718 = vector.extract_strided_slice %get3A_1627 {offsets = [0, 48], sizes = [128, 16], strides = [1, 1]} : vector<128x128xf32> to vector<128x16xf32>
      %mul3A_1719 = arith.constant 2.500000e-01 : f32
      %mul3A_1720 = vector.broadcast %mul3A_1719 : f32 to vector<128x16xf32>
      %mul3A_1721 = arith.mulf %slice3A_1718, %mul3A_1720 : vector<128x16xf32>
      %slice3A_1722 = vector.extract_strided_slice %get3A_1632 {offsets = [0, 48], sizes = [128, 16], strides = [1, 1]} : vector<128x128xf32> to vector<128x16xf32>
      %dot_general3A_1723 = arith.constant dense<0.000000e+00> : vector<128x128xf32>
      %dot_general3A_1724 = tpu.matmul %mul3A_1721, %slice3A_1722, %dot_general3A_1723 {dimension_numbers = #tpu.dot_dimension_numbers<[1], [1], [0], [0], [0, 0, 1, 0], [], []>, transpose_lhs_hint = false} : vector<128x16xf32>, vector<128x16xf32>, vector<128x128xf32> -> vector<128x128xf32>
      %slice3A_1725 = vector.extract_strided_slice %get3A_1403 {offsets = [0, 48], sizes = [64, 16], strides = [1, 1]} : vector<64x128xf32> to vector<64x16xf32>
      %dot_general3A_1726 = arith.constant dense<0.000000e+00> : vector<128x64xf32>
      %dot_general3A_1727 = tpu.matmul %mul3A_1721, %slice3A_1725, %dot_general3A_1726 {dimension_numbers = #tpu.dot_dimension_numbers<[1], [1], [0], [0], [0, 0, 1, 0], [], []>, transpose_lhs_hint = false} : vector<128x16xf32>, vector<64x16xf32>, vector<128x64xf32> -> vector<128x64xf32>
      %slice3A_1728 = vector.extract_strided_slice %get3A_1637 {offsets = [0, 48], sizes = [128, 16], strides = [1, 1]} : vector<128x128xf32> to vector<128x16xf32>
      %slice3A_1729 = vector.extract_strided_slice %get3A_1642 {offsets = [48, 0], sizes = [16, 128], strides = [1, 1]} : vector<128x128xf32> to vector<16x128xf32>
      %dot_general3A_1730 = arith.constant dense<0.000000e+00> : vector<128x128xf32>
      %dot_general3A_1731 = tpu.matmul %slice3A_1728, %slice3A_1729, %dot_general3A_1730 {dimension_numbers = #tpu.dot_dimension_numbers<[1], [0], [0], [1], [0, 0, 1, 1], [], []>, transpose_lhs_hint = false} : vector<128x16xf32>, vector<16x128xf32>, vector<128x128xf32> -> vector<128x128xf32>
      %broadcast_in_dim3A_1732 = arith.constant 0.000000e+00 : f32
      %broadcast_in_dim3A_1733 = vector.broadcast %broadcast_in_dim3A_1732 : f32 to vector<128x64xf32>
      %concatenate3A_1734 = tpu.concatenate %dot_general3A_1724, %dot_general3A_1731, %dot_general3A_1727, %broadcast_in_dim3A_1733 in 1 : vector<128x128xf32>, vector<128x128xf32>, vector<128x64xf32>, vector<128x64xf32> -> vector<128x384xf32>
      %convert_element_type3A_1735 = arith.truncf %concatenate3A_1734 : vector<128x384xf32> to vector<128x384xbf16>
      %swap3A_1736 = arith.constant 1 : index
      %swap3A_1737 = arith.constant 3 : index
      %swap3A_1738 = arith.constant 0 : index
      %swap3A_1739 = arith.constant 0 : index
      %swap3A_1740 = vector.load %arg17[%swap3A_1736, %swap3A_1737, %swap3A_1738, %swap3A_1739] : memref<4x8x128x384xbf16, #tpu.memory_space<vmem>>, vector<1x1x128x384xbf16>
      %swap3A_1741 = vector.shape_cast %swap3A_1740 : vector<1x1x128x384xbf16> to vector<128x384xbf16>
      %swap3A_1742 = vector.shape_cast %convert_element_type3A_1735 : vector<128x384xbf16> to vector<1x1x128x384xbf16>
      tpu.vector_store %arg17[%swap3A_1736, %swap3A_1737, %swap3A_1738, %swap3A_1739], %swap3A_1742 {strides = array<i32>} : memref<4x8x128x384xbf16, #tpu.memory_space<vmem>>, vector<1x1x128x384xbf16>,
      %slice3A_1743 = vector.extract_strided_slice %get3A_1627 {offsets = [0, 64], sizes = [128, 16], strides = [1, 1]} : vector<128x128xf32> to vector<128x16xf32>
      %mul3A_1744 = arith.constant 2.500000e-01 : f32
      %mul3A_1745 = vector.broadcast %mul3A_1744 : f32 to vector<128x16xf32>
      %mul3A_1746 = arith.mulf %slice3A_1743, %mul3A_1745 : vector<128x16xf32>
      %slice3A_1747 = vector.extract_strided_slice %get3A_1632 {offsets = [0, 64], sizes = [128, 16], strides = [1, 1]} : vector<128x128xf32> to vector<128x16xf32>
      %dot_general3A_1748 = arith.constant dense<0.000000e+00> : vector<128x128xf32>
      %dot_general3A_1749 = tpu.matmul %mul3A_1746, %slice3A_1747, %dot_general3A_1748 {dimension_numbers = #tpu.dot_dimension_numbers<[1], [1], [0], [0], [0, 0, 1, 0], [], []>, transpose_lhs_hint = false} : vector<128x16xf32>, vector<128x16xf32>, vector<128x128xf32> -> vector<128x128xf32>
      %slice3A_1750 = vector.extract_strided_slice %get3A_1403 {offsets = [0, 64], sizes = [64, 16], strides = [1, 1]} : vector<64x128xf32> to vector<64x16xf32>
      %dot_general3A_1751 = arith.constant dense<0.000000e+00> : vector<128x64xf32>
      %dot_general3A_1752 = tpu.matmul %mul3A_1746, %slice3A_1750, %dot_general3A_1751 {dimension_numbers = #tpu.dot_dimension_numbers<[1], [1], [0], [0], [0, 0, 1, 0], [], []>, transpose_lhs_hint = false} : vector<128x16xf32>, vector<64x16xf32>, vector<128x64xf32> -> vector<128x64xf32>
      %slice3A_1753 = vector.extract_strided_slice %get3A_1637 {offsets = [0, 64], sizes = [128, 16], strides = [1, 1]} : vector<128x128xf32> to vector<128x16xf32>
      %slice3A_1754 = vector.extract_strided_slice %get3A_1642 {offsets = [64, 0], sizes = [16, 128], strides = [1, 1]} : vector<128x128xf32> to vector<16x128xf32>
      %dot_general3A_1755 = arith.constant dense<0.000000e+00> : vector<128x128xf32>
      %dot_general3A_1756 = tpu.matmul %slice3A_1753, %slice3A_1754, %dot_general3A_1755 {dimension_numbers = #tpu.dot_dimension_numbers<[1], [0], [0], [1], [0, 0, 1, 1], [], []>, transpose_lhs_hint = false} : vector<128x16xf32>, vector<16x128xf32>, vector<128x128xf32> -> vector<128x128xf32>
      %broadcast_in_dim3A_1757 = arith.constant 0.000000e+00 : f32
      %broadcast_in_dim3A_1758 = vector.broadcast %broadcast_in_dim3A_1757 : f32 to vector<128x64xf32>
      %concatenate3A_1759 = tpu.concatenate %dot_general3A_1749, %dot_general3A_1756, %dot_general3A_1752, %broadcast_in_dim3A_1758 in 1 : vector<128x128xf32>, vector<128x128xf32>, vector<128x64xf32>, vector<128x64xf32> -> vector<128x384xf32>
      %convert_element_type3A_1760 = arith.truncf %concatenate3A_1759 : vector<128x384xf32> to vector<128x384xbf16>
      %swap3A_1761 = arith.constant 1 : index
      %swap3A_1762 = arith.constant 4 : index
      %swap3A_1763 = arith.constant 0 : index
      %swap3A_1764 = arith.constant 0 : index
      %swap3A_1765 = vector.load %arg17[%swap3A_1761, %swap3A_1762, %swap3A_1763, %swap3A_1764] : memref<4x8x128x384xbf16, #tpu.memory_space<vmem>>, vector<1x1x128x384xbf16>
      %swap3A_1766 = vector.shape_cast %swap3A_1765 : vector<1x1x128x384xbf16> to vector<128x384xbf16>
      %swap3A_1767 = vector.shape_cast %convert_element_type3A_1760 : vector<128x384xbf16> to vector<1x1x128x384xbf16>
      tpu.vector_store %arg17[%swap3A_1761, %swap3A_1762, %swap3A_1763, %swap3A_1764], %swap3A_1767 {strides = array<i32>} : memref<4x8x128x384xbf16, #tpu.memory_space<vmem>>, vector<1x1x128x384xbf16>,
      %slice3A_1768 = vector.extract_strided_slice %get3A_1627 {offsets = [0, 80], sizes = [128, 16], strides = [1, 1]} : vector<128x128xf32> to vector<128x16xf32>
      %mul3A_1769 = arith.constant 2.500000e-01 : f32
      %mul3A_1770 = vector.broadcast %mul3A_1769 : f32 to vector<128x16xf32>
      %mul3A_1771 = arith.mulf %slice3A_1768, %mul3A_1770 : vector<128x16xf32>
      %slice3A_1772 = vector.extract_strided_slice %get3A_1632 {offsets = [0, 80], sizes = [128, 16], strides = [1, 1]} : vector<128x128xf32> to vector<128x16xf32>
      %dot_general3A_1773 = arith.constant dense<0.000000e+00> : vector<128x128xf32>
      %dot_general3A_1774 = tpu.matmul %mul3A_1771, %slice3A_1772, %dot_general3A_1773 {dimension_numbers = #tpu.dot_dimension_numbers<[1], [1], [0], [0], [0, 0, 1, 0], [], []>, transpose_lhs_hint = false} : vector<128x16xf32>, vector<128x16xf32>, vector<128x128xf32> -> vector<128x128xf32>
      %slice3A_1775 = vector.extract_strided_slice %get3A_1403 {offsets = [0, 80], sizes = [64, 16], strides = [1, 1]} : vector<64x128xf32> to vector<64x16xf32>
      %dot_general3A_1776 = arith.constant dense<0.000000e+00> : vector<128x64xf32>
      %dot_general3A_1777 = tpu.matmul %mul3A_1771, %slice3A_1775, %dot_general3A_1776 {dimension_numbers = #tpu.dot_dimension_numbers<[1], [1], [0], [0], [0, 0, 1, 0], [], []>, transpose_lhs_hint = false} : vector<128x16xf32>, vector<64x16xf32>, vector<128x64xf32> -> vector<128x64xf32>
      %slice3A_1778 = vector.extract_strided_slice %get3A_1637 {offsets = [0, 80], sizes = [128, 16], strides = [1, 1]} : vector<128x128xf32> to vector<128x16xf32>
      %slice3A_1779 = vector.extract_strided_slice %get3A_1642 {offsets = [80, 0], sizes = [16, 128], strides = [1, 1]} : vector<128x128xf32> to vector<16x128xf32>
      %dot_general3A_1780 = arith.constant dense<0.000000e+00> : vector<128x128xf32>
      %dot_general3A_1781 = tpu.matmul %slice3A_1778, %slice3A_1779, %dot_general3A_1780 {dimension_numbers = #tpu.dot_dimension_numbers<[1], [0], [0], [1], [0, 0, 1, 1], [], []>, transpose_lhs_hint = false} : vector<128x16xf32>, vector<16x128xf32>, vector<128x128xf32> -> vector<128x128xf32>
      %broadcast_in_dim3A_1782 = arith.constant 0.000000e+00 : f32
      %broadcast_in_dim3A_1783 = vector.broadcast %broadcast_in_dim3A_1782 : f32 to vector<128x64xf32>
      %concatenate3A_1784 = tpu.concatenate %dot_general3A_1774, %dot_general3A_1781, %dot_general3A_1777, %broadcast_in_dim3A_1783 in 1 : vector<128x128xf32>, vector<128x128xf32>, vector<128x64xf32>, vector<128x64xf32> -> vector<128x384xf32>
      %convert_element_type3A_1785 = arith.truncf %concatenate3A_1784 : vector<128x384xf32> to vector<128x384xbf16>
      %swap3A_1786 = arith.constant 1 : index
      %swap3A_1787 = arith.constant 5 : index
      %swap3A_1788 = arith.constant 0 : index
      %swap3A_1789 = arith.constant 0 : index
      %swap3A_1790 = vector.load %arg17[%swap3A_1786, %swap3A_1787, %swap3A_1788, %swap3A_1789] : memref<4x8x128x384xbf16, #tpu.memory_space<vmem>>, vector<1x1x128x384xbf16>
      %swap3A_1791 = vector.shape_cast %swap3A_1790 : vector<1x1x128x384xbf16> to vector<128x384xbf16>
      %swap3A_1792 = vector.shape_cast %convert_element_type3A_1785 : vector<128x384xbf16> to vector<1x1x128x384xbf16>
      tpu.vector_store %arg17[%swap3A_1786, %swap3A_1787, %swap3A_1788, %swap3A_1789], %swap3A_1792 {strides = array<i32>} : memref<4x8x128x384xbf16, #tpu.memory_space<vmem>>, vector<1x1x128x384xbf16>,
      %slice3A_1793 = vector.extract_strided_slice %get3A_1627 {offsets = [0, 96], sizes = [128, 16], strides = [1, 1]} : vector<128x128xf32> to vector<128x16xf32>
      %mul3A_1794 = arith.constant 2.500000e-01 : f32
      %mul3A_1795 = vector.broadcast %mul3A_1794 : f32 to vector<128x16xf32>
      %mul3A_1796 = arith.mulf %slice3A_1793, %mul3A_1795 : vector<128x16xf32>
      %slice3A_1797 = vector.extract_strided_slice %get3A_1632 {offsets = [0, 96], sizes = [128, 16], strides = [1, 1]} : vector<128x128xf32> to vector<128x16xf32>
      %dot_general3A_1798 = arith.constant dense<0.000000e+00> : vector<128x128xf32>
      %dot_general3A_1799 = tpu.matmul %mul3A_1796, %slice3A_1797, %dot_general3A_1798 {dimension_numbers = #tpu.dot_dimension_numbers<[1], [1], [0], [0], [0, 0, 1, 0], [], []>, transpose_lhs_hint = false} : vector<128x16xf32>, vector<128x16xf32>, vector<128x128xf32> -> vector<128x128xf32>
      %slice3A_1800 = vector.extract_strided_slice %get3A_1403 {offsets = [0, 96], sizes = [64, 16], strides = [1, 1]} : vector<64x128xf32> to vector<64x16xf32>
      %dot_general3A_1801 = arith.constant dense<0.000000e+00> : vector<128x64xf32>
      %dot_general3A_1802 = tpu.matmul %mul3A_1796, %slice3A_1800, %dot_general3A_1801 {dimension_numbers = #tpu.dot_dimension_numbers<[1], [1], [0], [0], [0, 0, 1, 0], [], []>, transpose_lhs_hint = false} : vector<128x16xf32>, vector<64x16xf32>, vector<128x64xf32> -> vector<128x64xf32>
      %slice3A_1803 = vector.extract_strided_slice %get3A_1637 {offsets = [0, 96], sizes = [128, 16], strides = [1, 1]} : vector<128x128xf32> to vector<128x16xf32>
      %slice3A_1804 = vector.extract_strided_slice %get3A_1642 {offsets = [96, 0], sizes = [16, 128], strides = [1, 1]} : vector<128x128xf32> to vector<16x128xf32>
      %dot_general3A_1805 = arith.constant dense<0.000000e+00> : vector<128x128xf32>
      %dot_general3A_1806 = tpu.matmul %slice3A_1803, %slice3A_1804, %dot_general3A_1805 {dimension_numbers = #tpu.dot_dimension_numbers<[1], [0], [0], [1], [0, 0, 1, 1], [], []>, transpose_lhs_hint = false} : vector<128x16xf32>, vector<16x128xf32>, vector<128x128xf32> -> vector<128x128xf32>
      %broadcast_in_dim3A_1807 = arith.constant 0.000000e+00 : f32
      %broadcast_in_dim3A_1808 = vector.broadcast %broadcast_in_dim3A_1807 : f32 to vector<128x64xf32>
      %concatenate3A_1809 = tpu.concatenate %dot_general3A_1799, %dot_general3A_1806, %dot_general3A_1802, %broadcast_in_dim3A_1808 in 1 : vector<128x128xf32>, vector<128x128xf32>, vector<128x64xf32>, vector<128x64xf32> -> vector<128x384xf32>
      %convert_element_type3A_1810 = arith.truncf %concatenate3A_1809 : vector<128x384xf32> to vector<128x384xbf16>
      %swap3A_1811 = arith.constant 1 : index
      %swap3A_1812 = arith.constant 6 : index
      %swap3A_1813 = arith.constant 0 : index
      %swap3A_1814 = arith.constant 0 : index
      %swap3A_1815 = vector.load %arg17[%swap3A_1811, %swap3A_1812, %swap3A_1813, %swap3A_1814] : memref<4x8x128x384xbf16, #tpu.memory_space<vmem>>, vector<1x1x128x384xbf16>
      %swap3A_1816 = vector.shape_cast %swap3A_1815 : vector<1x1x128x384xbf16> to vector<128x384xbf16>
      %swap3A_1817 = vector.shape_cast %convert_element_type3A_1810 : vector<128x384xbf16> to vector<1x1x128x384xbf16>
      tpu.vector_store %arg17[%swap3A_1811, %swap3A_1812, %swap3A_1813, %swap3A_1814], %swap3A_1817 {strides = array<i32>} : memref<4x8x128x384xbf16, #tpu.memory_space<vmem>>, vector<1x1x128x384xbf16>,
      %slice3A_1818 = vector.extract_strided_slice %get3A_1627 {offsets = [0, 112], sizes = [128, 16], strides = [1, 1]} : vector<128x128xf32> to vector<128x16xf32>
      %mul3A_1819 = arith.constant 2.500000e-01 : f32
      %mul3A_1820 = vector.broadcast %mul3A_1819 : f32 to vector<128x16xf32>
      %mul3A_1821 = arith.mulf %slice3A_1818, %mul3A_1820 : vector<128x16xf32>
      %slice3A_1822 = vector.extract_strided_slice %get3A_1632 {offsets = [0, 112], sizes = [128, 16], strides = [1, 1]} : vector<128x128xf32> to vector<128x16xf32>
      %dot_general3A_1823 = arith.constant dense<0.000000e+00> : vector<128x128xf32>
      %dot_general3A_1824 = tpu.matmul %mul3A_1821, %slice3A_1822, %dot_general3A_1823 {dimension_numbers = #tpu.dot_dimension_numbers<[1], [1], [0], [0], [0, 0, 1, 0], [], []>, transpose_lhs_hint = false} : vector<128x16xf32>, vector<128x16xf32>, vector<128x128xf32> -> vector<128x128xf32>
      %slice3A_1825 = vector.extract_strided_slice %get3A_1403 {offsets = [0, 112], sizes = [64, 16], strides = [1, 1]} : vector<64x128xf32> to vector<64x16xf32>
      %dot_general3A_1826 = arith.constant dense<0.000000e+00> : vector<128x64xf32>
      %dot_general3A_1827 = tpu.matmul %mul3A_1821, %slice3A_1825, %dot_general3A_1826 {dimension_numbers = #tpu.dot_dimension_numbers<[1], [1], [0], [0], [0, 0, 1, 0], [], []>, transpose_lhs_hint = false} : vector<128x16xf32>, vector<64x16xf32>, vector<128x64xf32> -> vector<128x64xf32>
      %slice3A_1828 = vector.extract_strided_slice %get3A_1637 {offsets = [0, 112], sizes = [128, 16], strides = [1, 1]} : vector<128x128xf32> to vector<128x16xf32>
      %slice3A_1829 = vector.extract_strided_slice %get3A_1642 {offsets = [112, 0], sizes = [16, 128], strides = [1, 1]} : vector<128x128xf32> to vector<16x128xf32>
      %dot_general3A_1830 = arith.constant dense<0.000000e+00> : vector<128x128xf32>
      %dot_general3A_1831 = tpu.matmul %slice3A_1828, %slice3A_1829, %dot_general3A_1830 {dimension_numbers = #tpu.dot_dimension_numbers<[1], [0], [0], [1], [0, 0, 1, 1], [], []>, transpose_lhs_hint = false} : vector<128x16xf32>, vector<16x128xf32>, vector<128x128xf32> -> vector<128x128xf32>
      %broadcast_in_dim3A_1832 = arith.constant 0.000000e+00 : f32
      %broadcast_in_dim3A_1833 = vector.broadcast %broadcast_in_dim3A_1832 : f32 to vector<128x64xf32>
      %concatenate3A_1834 = tpu.concatenate %dot_general3A_1824, %dot_general3A_1831, %dot_general3A_1827, %broadcast_in_dim3A_1833 in 1 : vector<128x128xf32>, vector<128x128xf32>, vector<128x64xf32>, vector<128x64xf32> -> vector<128x384xf32>
      %convert_element_type3A_1835 = arith.truncf %concatenate3A_1834 : vector<128x384xf32> to vector<128x384xbf16>
      %swap3A_1836 = arith.constant 1 : index
      %swap3A_1837 = arith.constant 7 : index
      %swap3A_1838 = arith.constant 0 : index
      %swap3A_1839 = arith.constant 0 : index
      %swap3A_1840 = vector.load %arg17[%swap3A_1836, %swap3A_1837, %swap3A_1838, %swap3A_1839] : memref<4x8x128x384xbf16, #tpu.memory_space<vmem>>, vector<1x1x128x384xbf16>
      %swap3A_1841 = vector.shape_cast %swap3A_1840 : vector<1x1x128x384xbf16> to vector<128x384xbf16>
      %swap3A_1842 = vector.shape_cast %convert_element_type3A_1835 : vector<128x384xbf16> to vector<1x1x128x384xbf16>
      tpu.vector_store %arg17[%swap3A_1836, %swap3A_1837, %swap3A_1838, %swap3A_1839], %swap3A_1842 {strides = array<i32>} : memref<4x8x128x384xbf16, #tpu.memory_space<vmem>>, vector<1x1x128x384xbf16>,
      %get3A_1843 = arith.constant 2 : index
      %get3A_1844 = arith.constant 0 : index
      %get3A_1845 = arith.constant 0 : index
      %get3A_1846 = vector.load %arg6[%get3A_1843, %get3A_1844, %get3A_1845] : memref<4x128x128xf32, #tpu.memory_space<vmem>>, vector<1x128x128xf32>
      %get3A_1847 = vector.shape_cast %get3A_1846 : vector<1x128x128xf32> to vector<128x128xf32>
      %get3A_1848 = arith.constant 2 : index
      %get3A_1849 = arith.constant 0 : index
      %get3A_1850 = arith.constant 0 : index
      %get3A_1851 = vector.load %arg7[%get3A_1848, %get3A_1849, %get3A_1850] : memref<4x128x128xf32, #tpu.memory_space<vmem>>, vector<1x128x128xf32>
      %get3A_1852 = vector.shape_cast %get3A_1851 : vector<1x128x128xf32> to vector<128x128xf32>
      %get3A_1853 = arith.constant 2 : index
      %get3A_1854 = arith.constant 0 : index
      %get3A_1855 = arith.constant 0 : index
      %get3A_1856 = vector.load %arg8[%get3A_1853, %get3A_1854, %get3A_1855] : memref<4x128x128xf32, #tpu.memory_space<vmem>>, vector<1x128x128xf32>
      %get3A_1857 = vector.shape_cast %get3A_1856 : vector<1x128x128xf32> to vector<128x128xf32>
      %get3A_1858 = arith.constant 2 : index
      %get3A_1859 = arith.constant 0 : index
      %get3A_1860 = arith.constant 0 : index
      %get3A_1861 = vector.load %arg9[%get3A_1858, %get3A_1859, %get3A_1860] : memref<4x128x128xf32, #tpu.memory_space<vmem>>, vector<1x128x128xf32>
      %get3A_1862 = vector.shape_cast %get3A_1861 : vector<1x128x128xf32> to vector<128x128xf32>
      %slice3A_1863 = vector.extract_strided_slice %get3A_1847 {offsets = [0, 0], sizes = [128, 16], strides = [1, 1]} : vector<128x128xf32> to vector<128x16xf32>
      %mul3A_1864 = arith.constant 2.500000e-01 : f32
      %mul3A_1865 = vector.broadcast %mul3A_1864 : f32 to vector<128x16xf32>
      %mul3A_1866 = arith.mulf %slice3A_1863, %mul3A_1865 : vector<128x16xf32>
      %slice3A_1867 = vector.extract_strided_slice %get3A_1852 {offsets = [0, 0], sizes = [128, 16], strides = [1, 1]} : vector<128x128xf32> to vector<128x16xf32>
      %dot_general3A_1868 = arith.constant dense<0.000000e+00> : vector<128x128xf32>
      %dot_general3A_1869 = tpu.matmul %mul3A_1866, %slice3A_1867, %dot_general3A_1868 {dimension_numbers = #tpu.dot_dimension_numbers<[1], [1], [0], [0], [0, 0, 1, 0], [], []>, transpose_lhs_hint = false} : vector<128x16xf32>, vector<128x16xf32>, vector<128x128xf32> -> vector<128x128xf32>
      %slice3A_1870 = vector.extract_strided_slice %get3A_1403 {offsets = [0, 0], sizes = [64, 16], strides = [1, 1]} : vector<64x128xf32> to vector<64x16xf32>
      %dot_general3A_1871 = arith.constant dense<0.000000e+00> : vector<128x64xf32>
      %dot_general3A_1872 = tpu.matmul %mul3A_1866, %slice3A_1870, %dot_general3A_1871 {dimension_numbers = #tpu.dot_dimension_numbers<[1], [1], [0], [0], [0, 0, 1, 0], [], []>, transpose_lhs_hint = false} : vector<128x16xf32>, vector<64x16xf32>, vector<128x64xf32> -> vector<128x64xf32>
      %slice3A_1873 = vector.extract_strided_slice %get3A_1857 {offsets = [0, 0], sizes = [128, 16], strides = [1, 1]} : vector<128x128xf32> to vector<128x16xf32>
      %slice3A_1874 = vector.extract_strided_slice %get3A_1862 {offsets = [0, 0], sizes = [16, 128], strides = [1, 1]} : vector<128x128xf32> to vector<16x128xf32>
      %dot_general3A_1875 = arith.constant dense<0.000000e+00> : vector<128x128xf32>
      %dot_general3A_1876 = tpu.matmul %slice3A_1873, %slice3A_1874, %dot_general3A_1875 {dimension_numbers = #tpu.dot_dimension_numbers<[1], [0], [0], [1], [0, 0, 1, 1], [], []>, transpose_lhs_hint = false} : vector<128x16xf32>, vector<16x128xf32>, vector<128x128xf32> -> vector<128x128xf32>
      %broadcast_in_dim3A_1877 = arith.constant 0.000000e+00 : f32
      %broadcast_in_dim3A_1878 = vector.broadcast %broadcast_in_dim3A_1877 : f32 to vector<128x64xf32>
      %concatenate3A_1879 = tpu.concatenate %dot_general3A_1869, %dot_general3A_1876, %dot_general3A_1872, %broadcast_in_dim3A_1878 in 1 : vector<128x128xf32>, vector<128x128xf32>, vector<128x64xf32>, vector<128x64xf32> -> vector<128x384xf32>
      %convert_element_type3A_1880 = arith.truncf %concatenate3A_1879 : vector<128x384xf32> to vector<128x384xbf16>
      %swap3A_1881 = arith.constant 2 : index
      %swap3A_1882 = arith.constant 0 : index
      %swap3A_1883 = arith.constant 0 : index
      %swap3A_1884 = arith.constant 0 : index
      %swap3A_1885 = vector.load %arg17[%swap3A_1881, %swap3A_1882, %swap3A_1883, %swap3A_1884] : memref<4x8x128x384xbf16, #tpu.memory_space<vmem>>, vector<1x1x128x384xbf16>
      %swap3A_1886 = vector.shape_cast %swap3A_1885 : vector<1x1x128x384xbf16> to vector<128x384xbf16>
      %swap3A_1887 = vector.shape_cast %convert_element_type3A_1880 : vector<128x384xbf16> to vector<1x1x128x384xbf16>
      tpu.vector_store %arg17[%swap3A_1881, %swap3A_1882, %swap3A_1883, %swap3A_1884], %swap3A_1887 {strides = array<i32>} : memref<4x8x128x384xbf16, #tpu.memory_space<vmem>>, vector<1x1x128x384xbf16>,
      %slice3A_1888 = vector.extract_strided_slice %get3A_1847 {offsets = [0, 16], sizes = [128, 16], strides = [1, 1]} : vector<128x128xf32> to vector<128x16xf32>
      %mul3A_1889 = arith.constant 2.500000e-01 : f32
      %mul3A_1890 = vector.broadcast %mul3A_1889 : f32 to vector<128x16xf32>
      %mul3A_1891 = arith.mulf %slice3A_1888, %mul3A_1890 : vector<128x16xf32>
      %slice3A_1892 = vector.extract_strided_slice %get3A_1852 {offsets = [0, 16], sizes = [128, 16], strides = [1, 1]} : vector<128x128xf32> to vector<128x16xf32>
      %dot_general3A_1893 = arith.constant dense<0.000000e+00> : vector<128x128xf32>
      %dot_general3A_1894 = tpu.matmul %mul3A_1891, %slice3A_1892, %dot_general3A_1893 {dimension_numbers = #tpu.dot_dimension_numbers<[1], [1], [0], [0], [0, 0, 1, 0], [], []>, transpose_lhs_hint = false} : vector<128x16xf32>, vector<128x16xf32>, vector<128x128xf32> -> vector<128x128xf32>
      %slice3A_1895 = vector.extract_strided_slice %get3A_1403 {offsets = [0, 16], sizes = [64, 16], strides = [1, 1]} : vector<64x128xf32> to vector<64x16xf32>
      %dot_general3A_1896 = arith.constant dense<0.000000e+00> : vector<128x64xf32>
      %dot_general3A_1897 = tpu.matmul %mul3A_1891, %slice3A_1895, %dot_general3A_1896 {dimension_numbers = #tpu.dot_dimension_numbers<[1], [1], [0], [0], [0, 0, 1, 0], [], []>, transpose_lhs_hint = false} : vector<128x16xf32>, vector<64x16xf32>, vector<128x64xf32> -> vector<128x64xf32>
      %slice3A_1898 = vector.extract_strided_slice %get3A_1857 {offsets = [0, 16], sizes = [128, 16], strides = [1, 1]} : vector<128x128xf32> to vector<128x16xf32>
      %slice3A_1899 = vector.extract_strided_slice %get3A_1862 {offsets = [16, 0], sizes = [16, 128], strides = [1, 1]} : vector<128x128xf32> to vector<16x128xf32>
      %dot_general3A_1900 = arith.constant dense<0.000000e+00> : vector<128x128xf32>
      %dot_general3A_1901 = tpu.matmul %slice3A_1898, %slice3A_1899, %dot_general3A_1900 {dimension_numbers = #tpu.dot_dimension_numbers<[1], [0], [0], [1], [0, 0, 1, 1], [], []>, transpose_lhs_hint = false} : vector<128x16xf32>, vector<16x128xf32>, vector<128x128xf32> -> vector<128x128xf32>
      %broadcast_in_dim3A_1902 = arith.constant 0.000000e+00 : f32
      %broadcast_in_dim3A_1903 = vector.broadcast %broadcast_in_dim3A_1902 : f32 to vector<128x64xf32>
      %concatenate3A_1904 = tpu.concatenate %dot_general3A_1894, %dot_general3A_1901, %dot_general3A_1897, %broadcast_in_dim3A_1903 in 1 : vector<128x128xf32>, vector<128x128xf32>, vector<128x64xf32>, vector<128x64xf32> -> vector<128x384xf32>
      %convert_element_type3A_1905 = arith.truncf %concatenate3A_1904 : vector<128x384xf32> to vector<128x384xbf16>
      %swap3A_1906 = arith.constant 2 : index
      %swap3A_1907 = arith.constant 1 : index
      %swap3A_1908 = arith.constant 0 : index
      %swap3A_1909 = arith.constant 0 : index
      %swap3A_1910 = vector.load %arg17[%swap3A_1906, %swap3A_1907, %swap3A_1908, %swap3A_1909] : memref<4x8x128x384xbf16, #tpu.memory_space<vmem>>, vector<1x1x128x384xbf16>
      %swap3A_1911 = vector.shape_cast %swap3A_1910 : vector<1x1x128x384xbf16> to vector<128x384xbf16>
      %swap3A_1912 = vector.shape_cast %convert_element_type3A_1905 : vector<128x384xbf16> to vector<1x1x128x384xbf16>
      tpu.vector_store %arg17[%swap3A_1906, %swap3A_1907, %swap3A_1908, %swap3A_1909], %swap3A_1912 {strides = array<i32>} : memref<4x8x128x384xbf16, #tpu.memory_space<vmem>>, vector<1x1x128x384xbf16>,
      %slice3A_1913 = vector.extract_strided_slice %get3A_1847 {offsets = [0, 32], sizes = [128, 16], strides = [1, 1]} : vector<128x128xf32> to vector<128x16xf32>
      %mul3A_1914 = arith.constant 2.500000e-01 : f32
      %mul3A_1915 = vector.broadcast %mul3A_1914 : f32 to vector<128x16xf32>
      %mul3A_1916 = arith.mulf %slice3A_1913, %mul3A_1915 : vector<128x16xf32>
      %slice3A_1917 = vector.extract_strided_slice %get3A_1852 {offsets = [0, 32], sizes = [128, 16], strides = [1, 1]} : vector<128x128xf32> to vector<128x16xf32>
      %dot_general3A_1918 = arith.constant dense<0.000000e+00> : vector<128x128xf32>
      %dot_general3A_1919 = tpu.matmul %mul3A_1916, %slice3A_1917, %dot_general3A_1918 {dimension_numbers = #tpu.dot_dimension_numbers<[1], [1], [0], [0], [0, 0, 1, 0], [], []>, transpose_lhs_hint = false} : vector<128x16xf32>, vector<128x16xf32>, vector<128x128xf32> -> vector<128x128xf32>
      %slice3A_1920 = vector.extract_strided_slice %get3A_1403 {offsets = [0, 32], sizes = [64, 16], strides = [1, 1]} : vector<64x128xf32> to vector<64x16xf32>
      %dot_general3A_1921 = arith.constant dense<0.000000e+00> : vector<128x64xf32>
      %dot_general3A_1922 = tpu.matmul %mul3A_1916, %slice3A_1920, %dot_general3A_1921 {dimension_numbers = #tpu.dot_dimension_numbers<[1], [1], [0], [0], [0, 0, 1, 0], [], []>, transpose_lhs_hint = false} : vector<128x16xf32>, vector<64x16xf32>, vector<128x64xf32> -> vector<128x64xf32>
      %slice3A_1923 = vector.extract_strided_slice %get3A_1857 {offsets = [0, 32], sizes = [128, 16], strides = [1, 1]} : vector<128x128xf32> to vector<128x16xf32>
      %slice3A_1924 = vector.extract_strided_slice %get3A_1862 {offsets = [32, 0], sizes = [16, 128], strides = [1, 1]} : vector<128x128xf32> to vector<16x128xf32>
      %dot_general3A_1925 = arith.constant dense<0.000000e+00> : vector<128x128xf32>
      %dot_general3A_1926 = tpu.matmul %slice3A_1923, %slice3A_1924, %dot_general3A_1925 {dimension_numbers = #tpu.dot_dimension_numbers<[1], [0], [0], [1], [0, 0, 1, 1], [], []>, transpose_lhs_hint = false} : vector<128x16xf32>, vector<16x128xf32>, vector<128x128xf32> -> vector<128x128xf32>
      %broadcast_in_dim3A_1927 = arith.constant 0.000000e+00 : f32
      %broadcast_in_dim3A_1928 = vector.broadcast %broadcast_in_dim3A_1927 : f32 to vector<128x64xf32>
      %concatenate3A_1929 = tpu.concatenate %dot_general3A_1919, %dot_general3A_1926, %dot_general3A_1922, %broadcast_in_dim3A_1928 in 1 : vector<128x128xf32>, vector<128x128xf32>, vector<128x64xf32>, vector<128x64xf32> -> vector<128x384xf32>
      %convert_element_type3A_1930 = arith.truncf %concatenate3A_1929 : vector<128x384xf32> to vector<128x384xbf16>
      %swap3A_1931 = arith.constant 2 : index
      %swap3A_1932 = arith.constant 2 : index
      %swap3A_1933 = arith.constant 0 : index
      %swap3A_1934 = arith.constant 0 : index
      %swap3A_1935 = vector.load %arg17[%swap3A_1931, %swap3A_1932, %swap3A_1933, %swap3A_1934] : memref<4x8x128x384xbf16, #tpu.memory_space<vmem>>, vector<1x1x128x384xbf16>
      %swap3A_1936 = vector.shape_cast %swap3A_1935 : vector<1x1x128x384xbf16> to vector<128x384xbf16>
      %swap3A_1937 = vector.shape_cast %convert_element_type3A_1930 : vector<128x384xbf16> to vector<1x1x128x384xbf16>
      tpu.vector_store %arg17[%swap3A_1931, %swap3A_1932, %swap3A_1933, %swap3A_1934], %swap3A_1937 {strides = array<i32>} : memref<4x8x128x384xbf16, #tpu.memory_space<vmem>>, vector<1x1x128x384xbf16>,
      %slice3A_1938 = vector.extract_strided_slice %get3A_1847 {offsets = [0, 48], sizes = [128, 16], strides = [1, 1]} : vector<128x128xf32> to vector<128x16xf32>
      %mul3A_1939 = arith.constant 2.500000e-01 : f32
      %mul3A_1940 = vector.broadcast %mul3A_1939 : f32 to vector<128x16xf32>
      %mul3A_1941 = arith.mulf %slice3A_1938, %mul3A_1940 : vector<128x16xf32>
      %slice3A_1942 = vector.extract_strided_slice %get3A_1852 {offsets = [0, 48], sizes = [128, 16], strides = [1, 1]} : vector<128x128xf32> to vector<128x16xf32>
      %dot_general3A_1943 = arith.constant dense<0.000000e+00> : vector<128x128xf32>
      %dot_general3A_1944 = tpu.matmul %mul3A_1941, %slice3A_1942, %dot_general3A_1943 {dimension_numbers = #tpu.dot_dimension_numbers<[1], [1], [0], [0], [0, 0, 1, 0], [], []>, transpose_lhs_hint = false} : vector<128x16xf32>, vector<128x16xf32>, vector<128x128xf32> -> vector<128x128xf32>
      %slice3A_1945 = vector.extract_strided_slice %get3A_1403 {offsets = [0, 48], sizes = [64, 16], strides = [1, 1]} : vector<64x128xf32> to vector<64x16xf32>
      %dot_general3A_1946 = arith.constant dense<0.000000e+00> : vector<128x64xf32>
      %dot_general3A_1947 = tpu.matmul %mul3A_1941, %slice3A_1945, %dot_general3A_1946 {dimension_numbers = #tpu.dot_dimension_numbers<[1], [1], [0], [0], [0, 0, 1, 0], [], []>, transpose_lhs_hint = false} : vector<128x16xf32>, vector<64x16xf32>, vector<128x64xf32> -> vector<128x64xf32>
      %slice3A_1948 = vector.extract_strided_slice %get3A_1857 {offsets = [0, 48], sizes = [128, 16], strides = [1, 1]} : vector<128x128xf32> to vector<128x16xf32>
      %slice3A_1949 = vector.extract_strided_slice %get3A_1862 {offsets = [48, 0], sizes = [16, 128], strides = [1, 1]} : vector<128x128xf32> to vector<16x128xf32>
      %dot_general3A_1950 = arith.constant dense<0.000000e+00> : vector<128x128xf32>
      %dot_general3A_1951 = tpu.matmul %slice3A_1948, %slice3A_1949, %dot_general3A_1950 {dimension_numbers = #tpu.dot_dimension_numbers<[1], [0], [0], [1], [0, 0, 1, 1], [], []>, transpose_lhs_hint = false} : vector<128x16xf32>, vector<16x128xf32>, vector<128x128xf32> -> vector<128x128xf32>
      %broadcast_in_dim3A_1952 = arith.constant 0.000000e+00 : f32
      %broadcast_in_dim3A_1953 = vector.broadcast %broadcast_in_dim3A_1952 : f32 to vector<128x64xf32>
      %concatenate3A_1954 = tpu.concatenate %dot_general3A_1944, %dot_general3A_1951, %dot_general3A_1947, %broadcast_in_dim3A_1953 in 1 : vector<128x128xf32>, vector<128x128xf32>, vector<128x64xf32>, vector<128x64xf32> -> vector<128x384xf32>
      %convert_element_type3A_1955 = arith.truncf %concatenate3A_1954 : vector<128x384xf32> to vector<128x384xbf16>
      %swap3A_1956 = arith.constant 2 : index
      %swap3A_1957 = arith.constant 3 : index
      %swap3A_1958 = arith.constant 0 : index
      %swap3A_1959 = arith.constant 0 : index
      %swap3A_1960 = vector.load %arg17[%swap3A_1956, %swap3A_1957, %swap3A_1958, %swap3A_1959] : memref<4x8x128x384xbf16, #tpu.memory_space<vmem>>, vector<1x1x128x384xbf16>
      %swap3A_1961 = vector.shape_cast %swap3A_1960 : vector<1x1x128x384xbf16> to vector<128x384xbf16>
      %swap3A_1962 = vector.shape_cast %convert_element_type3A_1955 : vector<128x384xbf16> to vector<1x1x128x384xbf16>
      tpu.vector_store %arg17[%swap3A_1956, %swap3A_1957, %swap3A_1958, %swap3A_1959], %swap3A_1962 {strides = array<i32>} : memref<4x8x128x384xbf16, #tpu.memory_space<vmem>>, vector<1x1x128x384xbf16>,
      %slice3A_1963 = vector.extract_strided_slice %get3A_1847 {offsets = [0, 64], sizes = [128, 16], strides = [1, 1]} : vector<128x128xf32> to vector<128x16xf32>
      %mul3A_1964 = arith.constant 2.500000e-01 : f32
      %mul3A_1965 = vector.broadcast %mul3A_1964 : f32 to vector<128x16xf32>
      %mul3A_1966 = arith.mulf %slice3A_1963, %mul3A_1965 : vector<128x16xf32>
      %slice3A_1967 = vector.extract_strided_slice %get3A_1852 {offsets = [0, 64], sizes = [128, 16], strides = [1, 1]} : vector<128x128xf32> to vector<128x16xf32>
      %dot_general3A_1968 = arith.constant dense<0.000000e+00> : vector<128x128xf32>
      %dot_general3A_1969 = tpu.matmul %mul3A_1966, %slice3A_1967, %dot_general3A_1968 {dimension_numbers = #tpu.dot_dimension_numbers<[1], [1], [0], [0], [0, 0, 1, 0], [], []>, transpose_lhs_hint = false} : vector<128x16xf32>, vector<128x16xf32>, vector<128x128xf32> -> vector<128x128xf32>
      %slice3A_1970 = vector.extract_strided_slice %get3A_1403 {offsets = [0, 64], sizes = [64, 16], strides = [1, 1]} : vector<64x128xf32> to vector<64x16xf32>
      %dot_general3A_1971 = arith.constant dense<0.000000e+00> : vector<128x64xf32>
      %dot_general3A_1972 = tpu.matmul %mul3A_1966, %slice3A_1970, %dot_general3A_1971 {dimension_numbers = #tpu.dot_dimension_numbers<[1], [1], [0], [0], [0, 0, 1, 0], [], []>, transpose_lhs_hint = false} : vector<128x16xf32>, vector<64x16xf32>, vector<128x64xf32> -> vector<128x64xf32>
      %slice3A_1973 = vector.extract_strided_slice %get3A_1857 {offsets = [0, 64], sizes = [128, 16], strides = [1, 1]} : vector<128x128xf32> to vector<128x16xf32>
      %slice3A_1974 = vector.extract_strided_slice %get3A_1862 {offsets = [64, 0], sizes = [16, 128], strides = [1, 1]} : vector<128x128xf32> to vector<16x128xf32>
      %dot_general3A_1975 = arith.constant dense<0.000000e+00> : vector<128x128xf32>
      %dot_general3A_1976 = tpu.matmul %slice3A_1973, %slice3A_1974, %dot_general3A_1975 {dimension_numbers = #tpu.dot_dimension_numbers<[1], [0], [0], [1], [0, 0, 1, 1], [], []>, transpose_lhs_hint = false} : vector<128x16xf32>, vector<16x128xf32>, vector<128x128xf32> -> vector<128x128xf32>
      %broadcast_in_dim3A_1977 = arith.constant 0.000000e+00 : f32
      %broadcast_in_dim3A_1978 = vector.broadcast %broadcast_in_dim3A_1977 : f32 to vector<128x64xf32>
      %concatenate3A_1979 = tpu.concatenate %dot_general3A_1969, %dot_general3A_1976, %dot_general3A_1972, %broadcast_in_dim3A_1978 in 1 : vector<128x128xf32>, vector<128x128xf32>, vector<128x64xf32>, vector<128x64xf32> -> vector<128x384xf32>
      %convert_element_type3A_1980 = arith.truncf %concatenate3A_1979 : vector<128x384xf32> to vector<128x384xbf16>
      %swap3A_1981 = arith.constant 2 : index
      %swap3A_1982 = arith.constant 4 : index
      %swap3A_1983 = arith.constant 0 : index
      %swap3A_1984 = arith.constant 0 : index
      %swap3A_1985 = vector.load %arg17[%swap3A_1981, %swap3A_1982, %swap3A_1983, %swap3A_1984] : memref<4x8x128x384xbf16, #tpu.memory_space<vmem>>, vector<1x1x128x384xbf16>
      %swap3A_1986 = vector.shape_cast %swap3A_1985 : vector<1x1x128x384xbf16> to vector<128x384xbf16>
      %swap3A_1987 = vector.shape_cast %convert_element_type3A_1980 : vector<128x384xbf16> to vector<1x1x128x384xbf16>
      tpu.vector_store %arg17[%swap3A_1981, %swap3A_1982, %swap3A_1983, %swap3A_1984], %swap3A_1987 {strides = array<i32>} : memref<4x8x128x384xbf16, #tpu.memory_space<vmem>>, vector<1x1x128x384xbf16>,
      %slice3A_1988 = vector.extract_strided_slice %get3A_1847 {offsets = [0, 80], sizes = [128, 16], strides = [1, 1]} : vector<128x128xf32> to vector<128x16xf32>
      %mul3A_1989 = arith.constant 2.500000e-01 : f32
      %mul3A_1990 = vector.broadcast %mul3A_1989 : f32 to vector<128x16xf32>
      %mul3A_1991 = arith.mulf %slice3A_1988, %mul3A_1990 : vector<128x16xf32>
      %slice3A_1992 = vector.extract_strided_slice %get3A_1852 {offsets = [0, 80], sizes = [128, 16], strides = [1, 1]} : vector<128x128xf32> to vector<128x16xf32>
      %dot_general3A_1993 = arith.constant dense<0.000000e+00> : vector<128x128xf32>
      %dot_general3A_1994 = tpu.matmul %mul3A_1991, %slice3A_1992, %dot_general3A_1993 {dimension_numbers = #tpu.dot_dimension_numbers<[1], [1], [0], [0], [0, 0, 1, 0], [], []>, transpose_lhs_hint = false} : vector<128x16xf32>, vector<128x16xf32>, vector<128x128xf32> -> vector<128x128xf32>
      %slice3A_1995 = vector.extract_strided_slice %get3A_1403 {offsets = [0, 80], sizes = [64, 16], strides = [1, 1]} : vector<64x128xf32> to vector<64x16xf32>
      %dot_general3A_1996 = arith.constant dense<0.000000e+00> : vector<128x64xf32>
      %dot_general3A_1997 = tpu.matmul %mul3A_1991, %slice3A_1995, %dot_general3A_1996 {dimension_numbers = #tpu.dot_dimension_numbers<[1], [1], [0], [0], [0, 0, 1, 0], [], []>, transpose_lhs_hint = false} : vector<128x16xf32>, vector<64x16xf32>, vector<128x64xf32> -> vector<128x64xf32>
      %slice3A_1998 = vector.extract_strided_slice %get3A_1857 {offsets = [0, 80], sizes = [128, 16], strides = [1, 1]} : vector<128x128xf32> to vector<128x16xf32>
      %slice3A_1999 = vector.extract_strided_slice %get3A_1862 {offsets = [80, 0], sizes = [16, 128], strides = [1, 1]} : vector<128x128xf32> to vector<16x128xf32>
      %dot_general3A_2000 = arith.constant dense<0.000000e+00> : vector<128x128xf32>
      %dot_general3A_2001 = tpu.matmul %slice3A_1998, %slice3A_1999, %dot_general3A_2000 {dimension_numbers = #tpu.dot_dimension_numbers<[1], [0], [0], [1], [0, 0, 1, 1], [], []>, transpose_lhs_hint = false} : vector<128x16xf32>, vector<16x128xf32>, vector<128x128xf32> -> vector<128x128xf32>
      %broadcast_in_dim3A_2002 = arith.constant 0.000000e+00 : f32
      %broadcast_in_dim3A_2003 = vector.broadcast %broadcast_in_dim3A_2002 : f32 to vector<128x64xf32>
      %concatenate3A_2004 = tpu.concatenate %dot_general3A_1994, %dot_general3A_2001, %dot_general3A_1997, %broadcast_in_dim3A_2003 in 1 : vector<128x128xf32>, vector<128x128xf32>, vector<128x64xf32>, vector<128x64xf32> -> vector<128x384xf32>
      %convert_element_type3A_2005 = arith.truncf %concatenate3A_2004 : vector<128x384xf32> to vector<128x384xbf16>
      %swap3A_2006 = arith.constant 2 : index
      %swap3A_2007 = arith.constant 5 : index
      %swap3A_2008 = arith.constant 0 : index
      %swap3A_2009 = arith.constant 0 : index
      %swap3A_2010 = vector.load %arg17[%swap3A_2006, %swap3A_2007, %swap3A_2008, %swap3A_2009] : memref<4x8x128x384xbf16, #tpu.memory_space<vmem>>, vector<1x1x128x384xbf16>
      %swap3A_2011 = vector.shape_cast %swap3A_2010 : vector<1x1x128x384xbf16> to vector<128x384xbf16>
      %swap3A_2012 = vector.shape_cast %convert_element_type3A_2005 : vector<128x384xbf16> to vector<1x1x128x384xbf16>
      tpu.vector_store %arg17[%swap3A_2006, %swap3A_2007, %swap3A_2008, %swap3A_2009], %swap3A_2012 {strides = array<i32>} : memref<4x8x128x384xbf16, #tpu.memory_space<vmem>>, vector<1x1x128x384xbf16>,
      %slice3A_2013 = vector.extract_strided_slice %get3A_1847 {offsets = [0, 96], sizes = [128, 16], strides = [1, 1]} : vector<128x128xf32> to vector<128x16xf32>
      %mul3A_2014 = arith.constant 2.500000e-01 : f32
      %mul3A_2015 = vector.broadcast %mul3A_2014 : f32 to vector<128x16xf32>
      %mul3A_2016 = arith.mulf %slice3A_2013, %mul3A_2015 : vector<128x16xf32>
      %slice3A_2017 = vector.extract_strided_slice %get3A_1852 {offsets = [0, 96], sizes = [128, 16], strides = [1, 1]} : vector<128x128xf32> to vector<128x16xf32>
      %dot_general3A_2018 = arith.constant dense<0.000000e+00> : vector<128x128xf32>
      %dot_general3A_2019 = tpu.matmul %mul3A_2016, %slice3A_2017, %dot_general3A_2018 {dimension_numbers = #tpu.dot_dimension_numbers<[1], [1], [0], [0], [0, 0, 1, 0], [], []>, transpose_lhs_hint = false} : vector<128x16xf32>, vector<128x16xf32>, vector<128x128xf32> -> vector<128x128xf32>
      %slice3A_2020 = vector.extract_strided_slice %get3A_1403 {offsets = [0, 96], sizes = [64, 16], strides = [1, 1]} : vector<64x128xf32> to vector<64x16xf32>
      %dot_general3A_2021 = arith.constant dense<0.000000e+00> : vector<128x64xf32>
      %dot_general3A_2022 = tpu.matmul %mul3A_2016, %slice3A_2020, %dot_general3A_2021 {dimension_numbers = #tpu.dot_dimension_numbers<[1], [1], [0], [0], [0, 0, 1, 0], [], []>, transpose_lhs_hint = false} : vector<128x16xf32>, vector<64x16xf32>, vector<128x64xf32> -> vector<128x64xf32>
      %slice3A_2023 = vector.extract_strided_slice %get3A_1857 {offsets = [0, 96], sizes = [128, 16], strides = [1, 1]} : vector<128x128xf32> to vector<128x16xf32>
      %slice3A_2024 = vector.extract_strided_slice %get3A_1862 {offsets = [96, 0], sizes = [16, 128], strides = [1, 1]} : vector<128x128xf32> to vector<16x128xf32>
      %dot_general3A_2025 = arith.constant dense<0.000000e+00> : vector<128x128xf32>
      %dot_general3A_2026 = tpu.matmul %slice3A_2023, %slice3A_2024, %dot_general3A_2025 {dimension_numbers = #tpu.dot_dimension_numbers<[1], [0], [0], [1], [0, 0, 1, 1], [], []>, transpose_lhs_hint = false} : vector<128x16xf32>, vector<16x128xf32>, vector<128x128xf32> -> vector<128x128xf32>
      %broadcast_in_dim3A_2027 = arith.constant 0.000000e+00 : f32
      %broadcast_in_dim3A_2028 = vector.broadcast %broadcast_in_dim3A_2027 : f32 to vector<128x64xf32>
      %concatenate3A_2029 = tpu.concatenate %dot_general3A_2019, %dot_general3A_2026, %dot_general3A_2022, %broadcast_in_dim3A_2028 in 1 : vector<128x128xf32>, vector<128x128xf32>, vector<128x64xf32>, vector<128x64xf32> -> vector<128x384xf32>
      %convert_element_type3A_2030 = arith.truncf %concatenate3A_2029 : vector<128x384xf32> to vector<128x384xbf16>
      %swap3A_2031 = arith.constant 2 : index
      %swap3A_2032 = arith.constant 6 : index
      %swap3A_2033 = arith.constant 0 : index
      %swap3A_2034 = arith.constant 0 : index
      %swap3A_2035 = vector.load %arg17[%swap3A_2031, %swap3A_2032, %swap3A_2033, %swap3A_2034] : memref<4x8x128x384xbf16, #tpu.memory_space<vmem>>, vector<1x1x128x384xbf16>
      %swap3A_2036 = vector.shape_cast %swap3A_2035 : vector<1x1x128x384xbf16> to vector<128x384xbf16>
      %swap3A_2037 = vector.shape_cast %convert_element_type3A_2030 : vector<128x384xbf16> to vector<1x1x128x384xbf16>
      tpu.vector_store %arg17[%swap3A_2031, %swap3A_2032, %swap3A_2033, %swap3A_2034], %swap3A_2037 {strides = array<i32>} : memref<4x8x128x384xbf16, #tpu.memory_space<vmem>>, vector<1x1x128x384xbf16>,
      %slice3A_2038 = vector.extract_strided_slice %get3A_1847 {offsets = [0, 112], sizes = [128, 16], strides = [1, 1]} : vector<128x128xf32> to vector<128x16xf32>
      %mul3A_2039 = arith.constant 2.500000e-01 : f32
      %mul3A_2040 = vector.broadcast %mul3A_2039 : f32 to vector<128x16xf32>
      %mul3A_2041 = arith.mulf %slice3A_2038, %mul3A_2040 : vector<128x16xf32>
      %slice3A_2042 = vector.extract_strided_slice %get3A_1852 {offsets = [0, 112], sizes = [128, 16], strides = [1, 1]} : vector<128x128xf32> to vector<128x16xf32>
      %dot_general3A_2043 = arith.constant dense<0.000000e+00> : vector<128x128xf32>
      %dot_general3A_2044 = tpu.matmul %mul3A_2041, %slice3A_2042, %dot_general3A_2043 {dimension_numbers = #tpu.dot_dimension_numbers<[1], [1], [0], [0], [0, 0, 1, 0], [], []>, transpose_lhs_hint = false} : vector<128x16xf32>, vector<128x16xf32>, vector<128x128xf32> -> vector<128x128xf32>
      %slice3A_2045 = vector.extract_strided_slice %get3A_1403 {offsets = [0, 112], sizes = [64, 16], strides = [1, 1]} : vector<64x128xf32> to vector<64x16xf32>
      %dot_general3A_2046 = arith.constant dense<0.000000e+00> : vector<128x64xf32>
      %dot_general3A_2047 = tpu.matmul %mul3A_2041, %slice3A_2045, %dot_general3A_2046 {dimension_numbers = #tpu.dot_dimension_numbers<[1], [1], [0], [0], [0, 0, 1, 0], [], []>, transpose_lhs_hint = false} : vector<128x16xf32>, vector<64x16xf32>, vector<128x64xf32> -> vector<128x64xf32>
      %slice3A_2048 = vector.extract_strided_slice %get3A_1857 {offsets = [0, 112], sizes = [128, 16], strides = [1, 1]} : vector<128x128xf32> to vector<128x16xf32>
      %slice3A_2049 = vector.extract_strided_slice %get3A_1862 {offsets = [112, 0], sizes = [16, 128], strides = [1, 1]} : vector<128x128xf32> to vector<16x128xf32>
      %dot_general3A_2050 = arith.constant dense<0.000000e+00> : vector<128x128xf32>
      %dot_general3A_2051 = tpu.matmul %slice3A_2048, %slice3A_2049, %dot_general3A_2050 {dimension_numbers = #tpu.dot_dimension_numbers<[1], [0], [0], [1], [0, 0, 1, 1], [], []>, transpose_lhs_hint = false} : vector<128x16xf32>, vector<16x128xf32>, vector<128x128xf32> -> vector<128x128xf32>
      %broadcast_in_dim3A_2052 = arith.constant 0.000000e+00 : f32
      %broadcast_in_dim3A_2053 = vector.broadcast %broadcast_in_dim3A_2052 : f32 to vector<128x64xf32>
      %concatenate3A_2054 = tpu.concatenate %dot_general3A_2044, %dot_general3A_2051, %dot_general3A_2047, %broadcast_in_dim3A_2053 in 1 : vector<128x128xf32>, vector<128x128xf32>, vector<128x64xf32>, vector<128x64xf32> -> vector<128x384xf32>
      %convert_element_type3A_2055 = arith.truncf %concatenate3A_2054 : vector<128x384xf32> to vector<128x384xbf16>
      %swap3A_2056 = arith.constant 2 : index
      %swap3A_2057 = arith.constant 7 : index
      %swap3A_2058 = arith.constant 0 : index
      %swap3A_2059 = arith.constant 0 : index
      %swap3A_2060 = vector.load %arg17[%swap3A_2056, %swap3A_2057, %swap3A_2058, %swap3A_2059] : memref<4x8x128x384xbf16, #tpu.memory_space<vmem>>, vector<1x1x128x384xbf16>
      %swap3A_2061 = vector.shape_cast %swap3A_2060 : vector<1x1x128x384xbf16> to vector<128x384xbf16>
      %swap3A_2062 = vector.shape_cast %convert_element_type3A_2055 : vector<128x384xbf16> to vector<1x1x128x384xbf16>
      tpu.vector_store %arg17[%swap3A_2056, %swap3A_2057, %swap3A_2058, %swap3A_2059], %swap3A_2062 {strides = array<i32>} : memref<4x8x128x384xbf16, #tpu.memory_space<vmem>>, vector<1x1x128x384xbf16>,
      %get3A_2063 = arith.constant 3 : index
      %get3A_2064 = arith.constant 0 : index
      %get3A_2065 = arith.constant 0 : index
      %get3A_2066 = vector.load %arg6[%get3A_2063, %get3A_2064, %get3A_2065] : memref<4x128x128xf32, #tpu.memory_space<vmem>>, vector<1x128x128xf32>
      %get3A_2067 = vector.shape_cast %get3A_2066 : vector<1x128x128xf32> to vector<128x128xf32>
      %get3A_2068 = arith.constant 3 : index
      %get3A_2069 = arith.constant 0 : index
      %get3A_2070 = arith.constant 0 : index
      %get3A_2071 = vector.load %arg7[%get3A_2068, %get3A_2069, %get3A_2070] : memref<4x128x128xf32, #tpu.memory_space<vmem>>, vector<1x128x128xf32>
      %get3A_2072 = vector.shape_cast %get3A_2071 : vector<1x128x128xf32> to vector<128x128xf32>
      %get3A_2073 = arith.constant 3 : index
      %get3A_2074 = arith.constant 0 : index
      %get3A_2075 = arith.constant 0 : index
      %get3A_2076 = vector.load %arg8[%get3A_2073, %get3A_2074, %get3A_2075] : memref<4x128x128xf32, #tpu.memory_space<vmem>>, vector<1x128x128xf32>
      %get3A_2077 = vector.shape_cast %get3A_2076 : vector<1x128x128xf32> to vector<128x128xf32>
      %get3A_2078 = arith.constant 3 : index
      %get3A_2079 = arith.constant 0 : index
      %get3A_2080 = arith.constant 0 : index
      %get3A_2081 = vector.load %arg9[%get3A_2078, %get3A_2079, %get3A_2080] : memref<4x128x128xf32, #tpu.memory_space<vmem>>, vector<1x128x128xf32>
      %get3A_2082 = vector.shape_cast %get3A_2081 : vector<1x128x128xf32> to vector<128x128xf32>
      %slice3A_2083 = vector.extract_strided_slice %get3A_2067 {offsets = [0, 0], sizes = [128, 16], strides = [1, 1]} : vector<128x128xf32> to vector<128x16xf32>
      %mul3A_2084 = arith.constant 2.500000e-01 : f32
      %mul3A_2085 = vector.broadcast %mul3A_2084 : f32 to vector<128x16xf32>
      %mul3A_2086 = arith.mulf %slice3A_2083, %mul3A_2085 : vector<128x16xf32>
      %slice3A_2087 = vector.extract_strided_slice %get3A_2072 {offsets = [0, 0], sizes = [128, 16], strides = [1, 1]} : vector<128x128xf32> to vector<128x16xf32>
      %dot_general3A_2088 = arith.constant dense<0.000000e+00> : vector<128x128xf32>
      %dot_general3A_2089 = tpu.matmul %mul3A_2086, %slice3A_2087, %dot_general3A_2088 {dimension_numbers = #tpu.dot_dimension_numbers<[1], [1], [0], [0], [0, 0, 1, 0], [], []>, transpose_lhs_hint = false} : vector<128x16xf32>, vector<128x16xf32>, vector<128x128xf32> -> vector<128x128xf32>
      %slice3A_2090 = vector.extract_strided_slice %get3A_1403 {offsets = [0, 0], sizes = [64, 16], strides = [1, 1]} : vector<64x128xf32> to vector<64x16xf32>
      %dot_general3A_2091 = arith.constant dense<0.000000e+00> : vector<128x64xf32>
      %dot_general3A_2092 = tpu.matmul %mul3A_2086, %slice3A_2090, %dot_general3A_2091 {dimension_numbers = #tpu.dot_dimension_numbers<[1], [1], [0], [0], [0, 0, 1, 0], [], []>, transpose_lhs_hint = false} : vector<128x16xf32>, vector<64x16xf32>, vector<128x64xf32> -> vector<128x64xf32>
      %slice3A_2093 = vector.extract_strided_slice %get3A_2077 {offsets = [0, 0], sizes = [128, 16], strides = [1, 1]} : vector<128x128xf32> to vector<128x16xf32>
      %slice3A_2094 = vector.extract_strided_slice %get3A_2082 {offsets = [0, 0], sizes = [16, 128], strides = [1, 1]} : vector<128x128xf32> to vector<16x128xf32>
      %dot_general3A_2095 = arith.constant dense<0.000000e+00> : vector<128x128xf32>
      %dot_general3A_2096 = tpu.matmul %slice3A_2093, %slice3A_2094, %dot_general3A_2095 {dimension_numbers = #tpu.dot_dimension_numbers<[1], [0], [0], [1], [0, 0, 1, 1], [], []>, transpose_lhs_hint = false} : vector<128x16xf32>, vector<16x128xf32>, vector<128x128xf32> -> vector<128x128xf32>
      %broadcast_in_dim3A_2097 = arith.constant 0.000000e+00 : f32
      %broadcast_in_dim3A_2098 = vector.broadcast %broadcast_in_dim3A_2097 : f32 to vector<128x64xf32>
      %concatenate3A_2099 = tpu.concatenate %dot_general3A_2089, %dot_general3A_2096, %dot_general3A_2092, %broadcast_in_dim3A_2098 in 1 : vector<128x128xf32>, vector<128x128xf32>, vector<128x64xf32>, vector<128x64xf32> -> vector<128x384xf32>
      %convert_element_type3A_2100 = arith.truncf %concatenate3A_2099 : vector<128x384xf32> to vector<128x384xbf16>
      %swap3A_2101 = arith.constant 3 : index
      %swap3A_2102 = arith.constant 0 : index
      %swap3A_2103 = arith.constant 0 : index
      %swap3A_2104 = arith.constant 0 : index
      %swap3A_2105 = vector.load %arg17[%swap3A_2101, %swap3A_2102, %swap3A_2103, %swap3A_2104] : memref<4x8x128x384xbf16, #tpu.memory_space<vmem>>, vector<1x1x128x384xbf16>
      %swap3A_2106 = vector.shape_cast %swap3A_2105 : vector<1x1x128x384xbf16> to vector<128x384xbf16>
      %swap3A_2107 = vector.shape_cast %convert_element_type3A_2100 : vector<128x384xbf16> to vector<1x1x128x384xbf16>
      tpu.vector_store %arg17[%swap3A_2101, %swap3A_2102, %swap3A_2103, %swap3A_2104], %swap3A_2107 {strides = array<i32>} : memref<4x8x128x384xbf16, #tpu.memory_space<vmem>>, vector<1x1x128x384xbf16>,
      %slice3A_2108 = vector.extract_strided_slice %get3A_2067 {offsets = [0, 16], sizes = [128, 16], strides = [1, 1]} : vector<128x128xf32> to vector<128x16xf32>
      %mul3A_2109 = arith.constant 2.500000e-01 : f32
      %mul3A_2110 = vector.broadcast %mul3A_2109 : f32 to vector<128x16xf32>
      %mul3A_2111 = arith.mulf %slice3A_2108, %mul3A_2110 : vector<128x16xf32>
      %slice3A_2112 = vector.extract_strided_slice %get3A_2072 {offsets = [0, 16], sizes = [128, 16], strides = [1, 1]} : vector<128x128xf32> to vector<128x16xf32>
      %dot_general3A_2113 = arith.constant dense<0.000000e+00> : vector<128x128xf32>
      %dot_general3A_2114 = tpu.matmul %mul3A_2111, %slice3A_2112, %dot_general3A_2113 {dimension_numbers = #tpu.dot_dimension_numbers<[1], [1], [0], [0], [0, 0, 1, 0], [], []>, transpose_lhs_hint = false} : vector<128x16xf32>, vector<128x16xf32>, vector<128x128xf32> -> vector<128x128xf32>
      %slice3A_2115 = vector.extract_strided_slice %get3A_1403 {offsets = [0, 16], sizes = [64, 16], strides = [1, 1]} : vector<64x128xf32> to vector<64x16xf32>
      %dot_general3A_2116 = arith.constant dense<0.000000e+00> : vector<128x64xf32>
      %dot_general3A_2117 = tpu.matmul %mul3A_2111, %slice3A_2115, %dot_general3A_2116 {dimension_numbers = #tpu.dot_dimension_numbers<[1], [1], [0], [0], [0, 0, 1, 0], [], []>, transpose_lhs_hint = false} : vector<128x16xf32>, vector<64x16xf32>, vector<128x64xf32> -> vector<128x64xf32>
      %slice3A_2118 = vector.extract_strided_slice %get3A_2077 {offsets = [0, 16], sizes = [128, 16], strides = [1, 1]} : vector<128x128xf32> to vector<128x16xf32>
      %slice3A_2119 = vector.extract_strided_slice %get3A_2082 {offsets = [16, 0], sizes = [16, 128], strides = [1, 1]} : vector<128x128xf32> to vector<16x128xf32>
      %dot_general3A_2120 = arith.constant dense<0.000000e+00> : vector<128x128xf32>
      %dot_general3A_2121 = tpu.matmul %slice3A_2118, %slice3A_2119, %dot_general3A_2120 {dimension_numbers = #tpu.dot_dimension_numbers<[1], [0], [0], [1], [0, 0, 1, 1], [], []>, transpose_lhs_hint = false} : vector<128x16xf32>, vector<16x128xf32>, vector<128x128xf32> -> vector<128x128xf32>
      %broadcast_in_dim3A_2122 = arith.constant 0.000000e+00 : f32
      %broadcast_in_dim3A_2123 = vector.broadcast %broadcast_in_dim3A_2122 : f32 to vector<128x64xf32>
      %concatenate3A_2124 = tpu.concatenate %dot_general3A_2114, %dot_general3A_2121, %dot_general3A_2117, %broadcast_in_dim3A_2123 in 1 : vector<128x128xf32>, vector<128x128xf32>, vector<128x64xf32>, vector<128x64xf32> -> vector<128x384xf32>
      %convert_element_type3A_2125 = arith.truncf %concatenate3A_2124 : vector<128x384xf32> to vector<128x384xbf16>
      %swap3A_2126 = arith.constant 3 : index
      %swap3A_2127 = arith.constant 1 : index
      %swap3A_2128 = arith.constant 0 : index
      %swap3A_2129 = arith.constant 0 : index
      %swap3A_2130 = vector.load %arg17[%swap3A_2126, %swap3A_2127, %swap3A_2128, %swap3A_2129] : memref<4x8x128x384xbf16, #tpu.memory_space<vmem>>, vector<1x1x128x384xbf16>
      %swap3A_2131 = vector.shape_cast %swap3A_2130 : vector<1x1x128x384xbf16> to vector<128x384xbf16>
      %swap3A_2132 = vector.shape_cast %convert_element_type3A_2125 : vector<128x384xbf16> to vector<1x1x128x384xbf16>
      tpu.vector_store %arg17[%swap3A_2126, %swap3A_2127, %swap3A_2128, %swap3A_2129], %swap3A_2132 {strides = array<i32>} : memref<4x8x128x384xbf16, #tpu.memory_space<vmem>>, vector<1x1x128x384xbf16>,
      %slice3A_2133 = vector.extract_strided_slice %get3A_2067 {offsets = [0, 32], sizes = [128, 16], strides = [1, 1]} : vector<128x128xf32> to vector<128x16xf32>
      %mul3A_2134 = arith.constant 2.500000e-01 : f32
      %mul3A_2135 = vector.broadcast %mul3A_2134 : f32 to vector<128x16xf32>
      %mul3A_2136 = arith.mulf %slice3A_2133, %mul3A_2135 : vector<128x16xf32>
      %slice3A_2137 = vector.extract_strided_slice %get3A_2072 {offsets = [0, 32], sizes = [128, 16], strides = [1, 1]} : vector<128x128xf32> to vector<128x16xf32>
      %dot_general3A_2138 = arith.constant dense<0.000000e+00> : vector<128x128xf32>
      %dot_general3A_2139 = tpu.matmul %mul3A_2136, %slice3A_2137, %dot_general3A_2138 {dimension_numbers = #tpu.dot_dimension_numbers<[1], [1], [0], [0], [0, 0, 1, 0], [], []>, transpose_lhs_hint = false} : vector<128x16xf32>, vector<128x16xf32>, vector<128x128xf32> -> vector<128x128xf32>
      %slice3A_2140 = vector.extract_strided_slice %get3A_1403 {offsets = [0, 32], sizes = [64, 16], strides = [1, 1]} : vector<64x128xf32> to vector<64x16xf32>
      %dot_general3A_2141 = arith.constant dense<0.000000e+00> : vector<128x64xf32>
      %dot_general3A_2142 = tpu.matmul %mul3A_2136, %slice3A_2140, %dot_general3A_2141 {dimension_numbers = #tpu.dot_dimension_numbers<[1], [1], [0], [0], [0, 0, 1, 0], [], []>, transpose_lhs_hint = false} : vector<128x16xf32>, vector<64x16xf32>, vector<128x64xf32> -> vector<128x64xf32>
      %slice3A_2143 = vector.extract_strided_slice %get3A_2077 {offsets = [0, 32], sizes = [128, 16], strides = [1, 1]} : vector<128x128xf32> to vector<128x16xf32>
      %slice3A_2144 = vector.extract_strided_slice %get3A_2082 {offsets = [32, 0], sizes = [16, 128], strides = [1, 1]} : vector<128x128xf32> to vector<16x128xf32>
      %dot_general3A_2145 = arith.constant dense<0.000000e+00> : vector<128x128xf32>
      %dot_general3A_2146 = tpu.matmul %slice3A_2143, %slice3A_2144, %dot_general3A_2145 {dimension_numbers = #tpu.dot_dimension_numbers<[1], [0], [0], [1], [0, 0, 1, 1], [], []>, transpose_lhs_hint = false} : vector<128x16xf32>, vector<16x128xf32>, vector<128x128xf32> -> vector<128x128xf32>
      %broadcast_in_dim3A_2147 = arith.constant 0.000000e+00 : f32
      %broadcast_in_dim3A_2148 = vector.broadcast %broadcast_in_dim3A_2147 : f32 to vector<128x64xf32>
      %concatenate3A_2149 = tpu.concatenate %dot_general3A_2139, %dot_general3A_2146, %dot_general3A_2142, %broadcast_in_dim3A_2148 in 1 : vector<128x128xf32>, vector<128x128xf32>, vector<128x64xf32>, vector<128x64xf32> -> vector<128x384xf32>
      %convert_element_type3A_2150 = arith.truncf %concatenate3A_2149 : vector<128x384xf32> to vector<128x384xbf16>
      %swap3A_2151 = arith.constant 3 : index
      %swap3A_2152 = arith.constant 2 : index
      %swap3A_2153 = arith.constant 0 : index
      %swap3A_2154 = arith.constant 0 : index
      %swap3A_2155 = vector.load %arg17[%swap3A_2151, %swap3A_2152, %swap3A_2153, %swap3A_2154] : memref<4x8x128x384xbf16, #tpu.memory_space<vmem>>, vector<1x1x128x384xbf16>
      %swap3A_2156 = vector.shape_cast %swap3A_2155 : vector<1x1x128x384xbf16> to vector<128x384xbf16>
      %swap3A_2157 = vector.shape_cast %convert_element_type3A_2150 : vector<128x384xbf16> to vector<1x1x128x384xbf16>
      tpu.vector_store %arg17[%swap3A_2151, %swap3A_2152, %swap3A_2153, %swap3A_2154], %swap3A_2157 {strides = array<i32>} : memref<4x8x128x384xbf16, #tpu.memory_space<vmem>>, vector<1x1x128x384xbf16>,
      %slice3A_2158 = vector.extract_strided_slice %get3A_2067 {offsets = [0, 48], sizes = [128, 16], strides = [1, 1]} : vector<128x128xf32> to vector<128x16xf32>
      %mul3A_2159 = arith.constant 2.500000e-01 : f32
      %mul3A_2160 = vector.broadcast %mul3A_2159 : f32 to vector<128x16xf32>
      %mul3A_2161 = arith.mulf %slice3A_2158, %mul3A_2160 : vector<128x16xf32>
      %slice3A_2162 = vector.extract_strided_slice %get3A_2072 {offsets = [0, 48], sizes = [128, 16], strides = [1, 1]} : vector<128x128xf32> to vector<128x16xf32>
      %dot_general3A_2163 = arith.constant dense<0.000000e+00> : vector<128x128xf32>
      %dot_general3A_2164 = tpu.matmul %mul3A_2161, %slice3A_2162, %dot_general3A_2163 {dimension_numbers = #tpu.dot_dimension_numbers<[1], [1], [0], [0], [0, 0, 1, 0], [], []>, transpose_lhs_hint = false} : vector<128x16xf32>, vector<128x16xf32>, vector<128x128xf32> -> vector<128x128xf32>
      %slice3A_2165 = vector.extract_strided_slice %get3A_1403 {offsets = [0, 48], sizes = [64, 16], strides = [1, 1]} : vector<64x128xf32> to vector<64x16xf32>
      %dot_general3A_2166 = arith.constant dense<0.000000e+00> : vector<128x64xf32>
      %dot_general3A_2167 = tpu.matmul %mul3A_2161, %slice3A_2165, %dot_general3A_2166 {dimension_numbers = #tpu.dot_dimension_numbers<[1], [1], [0], [0], [0, 0, 1, 0], [], []>, transpose_lhs_hint = false} : vector<128x16xf32>, vector<64x16xf32>, vector<128x64xf32> -> vector<128x64xf32>
      %slice3A_2168 = vector.extract_strided_slice %get3A_2077 {offsets = [0, 48], sizes = [128, 16], strides = [1, 1]} : vector<128x128xf32> to vector<128x16xf32>
      %slice3A_2169 = vector.extract_strided_slice %get3A_2082 {offsets = [48, 0], sizes = [16, 128], strides = [1, 1]} : vector<128x128xf32> to vector<16x128xf32>
      %dot_general3A_2170 = arith.constant dense<0.000000e+00> : vector<128x128xf32>
      %dot_general3A_2171 = tpu.matmul %slice3A_2168, %slice3A_2169, %dot_general3A_2170 {dimension_numbers = #tpu.dot_dimension_numbers<[1], [0], [0], [1], [0, 0, 1, 1], [], []>, transpose_lhs_hint = false} : vector<128x16xf32>, vector<16x128xf32>, vector<128x128xf32> -> vector<128x128xf32>
      %broadcast_in_dim3A_2172 = arith.constant 0.000000e+00 : f32
      %broadcast_in_dim3A_2173 = vector.broadcast %broadcast_in_dim3A_2172 : f32 to vector<128x64xf32>
      %concatenate3A_2174 = tpu.concatenate %dot_general3A_2164, %dot_general3A_2171, %dot_general3A_2167, %broadcast_in_dim3A_2173 in 1 : vector<128x128xf32>, vector<128x128xf32>, vector<128x64xf32>, vector<128x64xf32> -> vector<128x384xf32>
      %convert_element_type3A_2175 = arith.truncf %concatenate3A_2174 : vector<128x384xf32> to vector<128x384xbf16>
      %swap3A_2176 = arith.constant 3 : index
      %swap3A_2177 = arith.constant 3 : index
      %swap3A_2178 = arith.constant 0 : index
      %swap3A_2179 = arith.constant 0 : index
      %swap3A_2180 = vector.load %arg17[%swap3A_2176, %swap3A_2177, %swap3A_2178, %swap3A_2179] : memref<4x8x128x384xbf16, #tpu.memory_space<vmem>>, vector<1x1x128x384xbf16>
      %swap3A_2181 = vector.shape_cast %swap3A_2180 : vector<1x1x128x384xbf16> to vector<128x384xbf16>
      %swap3A_2182 = vector.shape_cast %convert_element_type3A_2175 : vector<128x384xbf16> to vector<1x1x128x384xbf16>
      tpu.vector_store %arg17[%swap3A_2176, %swap3A_2177, %swap3A_2178, %swap3A_2179], %swap3A_2182 {strides = array<i32>} : memref<4x8x128x384xbf16, #tpu.memory_space<vmem>>, vector<1x1x128x384xbf16>,
      %slice3A_2183 = vector.extract_strided_slice %get3A_2067 {offsets = [0, 64], sizes = [128, 16], strides = [1, 1]} : vector<128x128xf32> to vector<128x16xf32>
      %mul3A_2184 = arith.constant 2.500000e-01 : f32
      %mul3A_2185 = vector.broadcast %mul3A_2184 : f32 to vector<128x16xf32>
      %mul3A_2186 = arith.mulf %slice3A_2183, %mul3A_2185 : vector<128x16xf32>
      %slice3A_2187 = vector.extract_strided_slice %get3A_2072 {offsets = [0, 64], sizes = [128, 16], strides = [1, 1]} : vector<128x128xf32> to vector<128x16xf32>
      %dot_general3A_2188 = arith.constant dense<0.000000e+00> : vector<128x128xf32>
      %dot_general3A_2189 = tpu.matmul %mul3A_2186, %slice3A_2187, %dot_general3A_2188 {dimension_numbers = #tpu.dot_dimension_numbers<[1], [1], [0], [0], [0, 0, 1, 0], [], []>, transpose_lhs_hint = false} : vector<128x16xf32>, vector<128x16xf32>, vector<128x128xf32> -> vector<128x128xf32>
      %slice3A_2190 = vector.extract_strided_slice %get3A_1403 {offsets = [0, 64], sizes = [64, 16], strides = [1, 1]} : vector<64x128xf32> to vector<64x16xf32>
      %dot_general3A_2191 = arith.constant dense<0.000000e+00> : vector<128x64xf32>
      %dot_general3A_2192 = tpu.matmul %mul3A_2186, %slice3A_2190, %dot_general3A_2191 {dimension_numbers = #tpu.dot_dimension_numbers<[1], [1], [0], [0], [0, 0, 1, 0], [], []>, transpose_lhs_hint = false} : vector<128x16xf32>, vector<64x16xf32>, vector<128x64xf32> -> vector<128x64xf32>
      %slice3A_2193 = vector.extract_strided_slice %get3A_2077 {offsets = [0, 64], sizes = [128, 16], strides = [1, 1]} : vector<128x128xf32> to vector<128x16xf32>
      %slice3A_2194 = vector.extract_strided_slice %get3A_2082 {offsets = [64, 0], sizes = [16, 128], strides = [1, 1]} : vector<128x128xf32> to vector<16x128xf32>
      %dot_general3A_2195 = arith.constant dense<0.000000e+00> : vector<128x128xf32>
      %dot_general3A_2196 = tpu.matmul %slice3A_2193, %slice3A_2194, %dot_general3A_2195 {dimension_numbers = #tpu.dot_dimension_numbers<[1], [0], [0], [1], [0, 0, 1, 1], [], []>, transpose_lhs_hint = false} : vector<128x16xf32>, vector<16x128xf32>, vector<128x128xf32> -> vector<128x128xf32>
      %broadcast_in_dim3A_2197 = arith.constant 0.000000e+00 : f32
      %broadcast_in_dim3A_2198 = vector.broadcast %broadcast_in_dim3A_2197 : f32 to vector<128x64xf32>
      %concatenate3A_2199 = tpu.concatenate %dot_general3A_2189, %dot_general3A_2196, %dot_general3A_2192, %broadcast_in_dim3A_2198 in 1 : vector<128x128xf32>, vector<128x128xf32>, vector<128x64xf32>, vector<128x64xf32> -> vector<128x384xf32>
      %convert_element_type3A_2200 = arith.truncf %concatenate3A_2199 : vector<128x384xf32> to vector<128x384xbf16>
      %swap3A_2201 = arith.constant 3 : index
      %swap3A_2202 = arith.constant 4 : index
      %swap3A_2203 = arith.constant 0 : index
      %swap3A_2204 = arith.constant 0 : index
      %swap3A_2205 = vector.load %arg17[%swap3A_2201, %swap3A_2202, %swap3A_2203, %swap3A_2204] : memref<4x8x128x384xbf16, #tpu.memory_space<vmem>>, vector<1x1x128x384xbf16>
      %swap3A_2206 = vector.shape_cast %swap3A_2205 : vector<1x1x128x384xbf16> to vector<128x384xbf16>
      %swap3A_2207 = vector.shape_cast %convert_element_type3A_2200 : vector<128x384xbf16> to vector<1x1x128x384xbf16>
      tpu.vector_store %arg17[%swap3A_2201, %swap3A_2202, %swap3A_2203, %swap3A_2204], %swap3A_2207 {strides = array<i32>} : memref<4x8x128x384xbf16, #tpu.memory_space<vmem>>, vector<1x1x128x384xbf16>,
      %slice3A_2208 = vector.extract_strided_slice %get3A_2067 {offsets = [0, 80], sizes = [128, 16], strides = [1, 1]} : vector<128x128xf32> to vector<128x16xf32>
      %mul3A_2209 = arith.constant 2.500000e-01 : f32
      %mul3A_2210 = vector.broadcast %mul3A_2209 : f32 to vector<128x16xf32>
      %mul3A_2211 = arith.mulf %slice3A_2208, %mul3A_2210 : vector<128x16xf32>
      %slice3A_2212 = vector.extract_strided_slice %get3A_2072 {offsets = [0, 80], sizes = [128, 16], strides = [1, 1]} : vector<128x128xf32> to vector<128x16xf32>
      %dot_general3A_2213 = arith.constant dense<0.000000e+00> : vector<128x128xf32>
      %dot_general3A_2214 = tpu.matmul %mul3A_2211, %slice3A_2212, %dot_general3A_2213 {dimension_numbers = #tpu.dot_dimension_numbers<[1], [1], [0], [0], [0, 0, 1, 0], [], []>, transpose_lhs_hint = false} : vector<128x16xf32>, vector<128x16xf32>, vector<128x128xf32> -> vector<128x128xf32>
      %slice3A_2215 = vector.extract_strided_slice %get3A_1403 {offsets = [0, 80], sizes = [64, 16], strides = [1, 1]} : vector<64x128xf32> to vector<64x16xf32>
      %dot_general3A_2216 = arith.constant dense<0.000000e+00> : vector<128x64xf32>
      %dot_general3A_2217 = tpu.matmul %mul3A_2211, %slice3A_2215, %dot_general3A_2216 {dimension_numbers = #tpu.dot_dimension_numbers<[1], [1], [0], [0], [0, 0, 1, 0], [], []>, transpose_lhs_hint = false} : vector<128x16xf32>, vector<64x16xf32>, vector<128x64xf32> -> vector<128x64xf32>
      %slice3A_2218 = vector.extract_strided_slice %get3A_2077 {offsets = [0, 80], sizes = [128, 16], strides = [1, 1]} : vector<128x128xf32> to vector<128x16xf32>
      %slice3A_2219 = vector.extract_strided_slice %get3A_2082 {offsets = [80, 0], sizes = [16, 128], strides = [1, 1]} : vector<128x128xf32> to vector<16x128xf32>
      %dot_general3A_2220 = arith.constant dense<0.000000e+00> : vector<128x128xf32>
      %dot_general3A_2221 = tpu.matmul %slice3A_2218, %slice3A_2219, %dot_general3A_2220 {dimension_numbers = #tpu.dot_dimension_numbers<[1], [0], [0], [1], [0, 0, 1, 1], [], []>, transpose_lhs_hint = false} : vector<128x16xf32>, vector<16x128xf32>, vector<128x128xf32> -> vector<128x128xf32>
      %broadcast_in_dim3A_2222 = arith.constant 0.000000e+00 : f32
      %broadcast_in_dim3A_2223 = vector.broadcast %broadcast_in_dim3A_2222 : f32 to vector<128x64xf32>
      %concatenate3A_2224 = tpu.concatenate %dot_general3A_2214, %dot_general3A_2221, %dot_general3A_2217, %broadcast_in_dim3A_2223 in 1 : vector<128x128xf32>, vector<128x128xf32>, vector<128x64xf32>, vector<128x64xf32> -> vector<128x384xf32>
      %convert_element_type3A_2225 = arith.truncf %concatenate3A_2224 : vector<128x384xf32> to vector<128x384xbf16>
      %swap3A_2226 = arith.constant 3 : index
      %swap3A_2227 = arith.constant 5 : index
      %swap3A_2228 = arith.constant 0 : index
      %swap3A_2229 = arith.constant 0 : index
      %swap3A_2230 = vector.load %arg17[%swap3A_2226, %swap3A_2227, %swap3A_2228, %swap3A_2229] : memref<4x8x128x384xbf16, #tpu.memory_space<vmem>>, vector<1x1x128x384xbf16>
      %swap3A_2231 = vector.shape_cast %swap3A_2230 : vector<1x1x128x384xbf16> to vector<128x384xbf16>
      %swap3A_2232 = vector.shape_cast %convert_element_type3A_2225 : vector<128x384xbf16> to vector<1x1x128x384xbf16>
      tpu.vector_store %arg17[%swap3A_2226, %swap3A_2227, %swap3A_2228, %swap3A_2229], %swap3A_2232 {strides = array<i32>} : memref<4x8x128x384xbf16, #tpu.memory_space<vmem>>, vector<1x1x128x384xbf16>,
      %slice3A_2233 = vector.extract_strided_slice %get3A_2067 {offsets = [0, 96], sizes = [128, 16], strides = [1, 1]} : vector<128x128xf32> to vector<128x16xf32>
      %mul3A_2234 = arith.constant 2.500000e-01 : f32
      %mul3A_2235 = vector.broadcast %mul3A_2234 : f32 to vector<128x16xf32>
      %mul3A_2236 = arith.mulf %slice3A_2233, %mul3A_2235 : vector<128x16xf32>
      %slice3A_2237 = vector.extract_strided_slice %get3A_2072 {offsets = [0, 96], sizes = [128, 16], strides = [1, 1]} : vector<128x128xf32> to vector<128x16xf32>
      %dot_general3A_2238 = arith.constant dense<0.000000e+00> : vector<128x128xf32>
      %dot_general3A_2239 = tpu.matmul %mul3A_2236, %slice3A_2237, %dot_general3A_2238 {dimension_numbers = #tpu.dot_dimension_numbers<[1], [1], [0], [0], [0, 0, 1, 0], [], []>, transpose_lhs_hint = false} : vector<128x16xf32>, vector<128x16xf32>, vector<128x128xf32> -> vector<128x128xf32>
      %slice3A_2240 = vector.extract_strided_slice %get3A_1403 {offsets = [0, 96], sizes = [64, 16], strides = [1, 1]} : vector<64x128xf32> to vector<64x16xf32>
      %dot_general3A_2241 = arith.constant dense<0.000000e+00> : vector<128x64xf32>
      %dot_general3A_2242 = tpu.matmul %mul3A_2236, %slice3A_2240, %dot_general3A_2241 {dimension_numbers = #tpu.dot_dimension_numbers<[1], [1], [0], [0], [0, 0, 1, 0], [], []>, transpose_lhs_hint = false} : vector<128x16xf32>, vector<64x16xf32>, vector<128x64xf32> -> vector<128x64xf32>
      %slice3A_2243 = vector.extract_strided_slice %get3A_2077 {offsets = [0, 96], sizes = [128, 16], strides = [1, 1]} : vector<128x128xf32> to vector<128x16xf32>
      %slice3A_2244 = vector.extract_strided_slice %get3A_2082 {offsets = [96, 0], sizes = [16, 128], strides = [1, 1]} : vector<128x128xf32> to vector<16x128xf32>
      %dot_general3A_2245 = arith.constant dense<0.000000e+00> : vector<128x128xf32>
      %dot_general3A_2246 = tpu.matmul %slice3A_2243, %slice3A_2244, %dot_general3A_2245 {dimension_numbers = #tpu.dot_dimension_numbers<[1], [0], [0], [1], [0, 0, 1, 1], [], []>, transpose_lhs_hint = false} : vector<128x16xf32>, vector<16x128xf32>, vector<128x128xf32> -> vector<128x128xf32>
      %broadcast_in_dim3A_2247 = arith.constant 0.000000e+00 : f32
      %broadcast_in_dim3A_2248 = vector.broadcast %broadcast_in_dim3A_2247 : f32 to vector<128x64xf32>
      %concatenate3A_2249 = tpu.concatenate %dot_general3A_2239, %dot_general3A_2246, %dot_general3A_2242, %broadcast_in_dim3A_2248 in 1 : vector<128x128xf32>, vector<128x128xf32>, vector<128x64xf32>, vector<128x64xf32> -> vector<128x384xf32>
      %convert_element_type3A_2250 = arith.truncf %concatenate3A_2249 : vector<128x384xf32> to vector<128x384xbf16>
      %swap3A_2251 = arith.constant 3 : index
      %swap3A_2252 = arith.constant 6 : index
      %swap3A_2253 = arith.constant 0 : index
      %swap3A_2254 = arith.constant 0 : index
      %swap3A_2255 = vector.load %arg17[%swap3A_2251, %swap3A_2252, %swap3A_2253, %swap3A_2254] : memref<4x8x128x384xbf16, #tpu.memory_space<vmem>>, vector<1x1x128x384xbf16>
      %swap3A_2256 = vector.shape_cast %swap3A_2255 : vector<1x1x128x384xbf16> to vector<128x384xbf16>
      %swap3A_2257 = vector.shape_cast %convert_element_type3A_2250 : vector<128x384xbf16> to vector<1x1x128x384xbf16>
      tpu.vector_store %arg17[%swap3A_2251, %swap3A_2252, %swap3A_2253, %swap3A_2254], %swap3A_2257 {strides = array<i32>} : memref<4x8x128x384xbf16, #tpu.memory_space<vmem>>, vector<1x1x128x384xbf16>,
      %slice3A_2258 = vector.extract_strided_slice %get3A_2067 {offsets = [0, 112], sizes = [128, 16], strides = [1, 1]} : vector<128x128xf32> to vector<128x16xf32>
      %mul3A_2259 = arith.constant 2.500000e-01 : f32
      %mul3A_2260 = vector.broadcast %mul3A_2259 : f32 to vector<128x16xf32>
      %mul3A_2261 = arith.mulf %slice3A_2258, %mul3A_2260 : vector<128x16xf32>
      %slice3A_2262 = vector.extract_strided_slice %get3A_2072 {offsets = [0, 112], sizes = [128, 16], strides = [1, 1]} : vector<128x128xf32> to vector<128x16xf32>
      %dot_general3A_2263 = arith.constant dense<0.000000e+00> : vector<128x128xf32>
      %dot_general3A_2264 = tpu.matmul %mul3A_2261, %slice3A_2262, %dot_general3A_2263 {dimension_numbers = #tpu.dot_dimension_numbers<[1], [1], [0], [0], [0, 0, 1, 0], [], []>, transpose_lhs_hint = false} : vector<128x16xf32>, vector<128x16xf32>, vector<128x128xf32> -> vector<128x128xf32>
      %slice3A_2265 = vector.extract_strided_slice %get3A_1403 {offsets = [0, 112], sizes = [64, 16], strides = [1, 1]} : vector<64x128xf32> to vector<64x16xf32>
      %dot_general3A_2266 = arith.constant dense<0.000000e+00> : vector<128x64xf32>
      %dot_general3A_2267 = tpu.matmul %mul3A_2261, %slice3A_2265, %dot_general3A_2266 {dimension_numbers = #tpu.dot_dimension_numbers<[1], [1], [0], [0], [0, 0, 1, 0], [], []>, transpose_lhs_hint = false} : vector<128x16xf32>, vector<64x16xf32>, vector<128x64xf32> -> vector<128x64xf32>
      %slice3A_2268 = vector.extract_strided_slice %get3A_2077 {offsets = [0, 112], sizes = [128, 16], strides = [1, 1]} : vector<128x128xf32> to vector<128x16xf32>
      %slice3A_2269 = vector.extract_strided_slice %get3A_2082 {offsets = [112, 0], sizes = [16, 128], strides = [1, 1]} : vector<128x128xf32> to vector<16x128xf32>
      %dot_general3A_2270 = arith.constant dense<0.000000e+00> : vector<128x128xf32>
      %dot_general3A_2271 = tpu.matmul %slice3A_2268, %slice3A_2269, %dot_general3A_2270 {dimension_numbers = #tpu.dot_dimension_numbers<[1], [0], [0], [1], [0, 0, 1, 1], [], []>, transpose_lhs_hint = false} : vector<128x16xf32>, vector<16x128xf32>, vector<128x128xf32> -> vector<128x128xf32>
      %broadcast_in_dim3A_2272 = arith.constant 0.000000e+00 : f32
      %broadcast_in_dim3A_2273 = vector.broadcast %broadcast_in_dim3A_2272 : f32 to vector<128x64xf32>
      %concatenate3A_2274 = tpu.concatenate %dot_general3A_2264, %dot_general3A_2271, %dot_general3A_2267, %broadcast_in_dim3A_2273 in 1 : vector<128x128xf32>, vector<128x128xf32>, vector<128x64xf32>, vector<128x64xf32> -> vector<128x384xf32>
      %convert_element_type3A_2275 = arith.truncf %concatenate3A_2274 : vector<128x384xf32> to vector<128x384xbf16>
      %swap3A_2276 = arith.constant 3 : index
      %swap3A_2277 = arith.constant 7 : index
      %swap3A_2278 = arith.constant 0 : index
      %swap3A_2279 = arith.constant 0 : index
      %swap3A_2280 = vector.load %arg17[%swap3A_2276, %swap3A_2277, %swap3A_2278, %swap3A_2279] : memref<4x8x128x384xbf16, #tpu.memory_space<vmem>>, vector<1x1x128x384xbf16>
      %swap3A_2281 = vector.shape_cast %swap3A_2280 : vector<1x1x128x384xbf16> to vector<128x384xbf16>
      %swap3A_2282 = vector.shape_cast %convert_element_type3A_2275 : vector<128x384xbf16> to vector<1x1x128x384xbf16>
      tpu.vector_store %arg17[%swap3A_2276, %swap3A_2277, %swap3A_2278, %swap3A_2279], %swap3A_2282 {strides = array<i32>} : memref<4x8x128x384xbf16, #tpu.memory_space<vmem>>, vector<1x1x128x384xbf16>,
    } else {
    }
    %iota3A = tpu.iota {dimensions = array<i32: 0>} : vector<512x512xi32>
    %iota3A_2 = tpu.iota {dimensions = array<i32: 1>} : vector<512x512xi32>
    %get3A = arith.constant 0 : index
    %get3A_3 = arith.constant 0 : index
    %get3A_4 = arith.constant 0 : index
    %get3A_5 = vector.load %arg3[%get3A, %get3A_3, %get3A_4] : memref<1x512x512xi8, #tpu.memory_space<vmem>>, vector<1x512x512xi8>
    %get3A_6 = vector.shape_cast %get3A_5 : vector<1x512x512xi8> to vector<512x512xi8>
    %convert_element_type3A_7 = arith.extsi %get3A_6 : vector<512x512xi8> to vector<512x512xi32>
    %gt3A = arith.constant 0 : i32
    %gt3A_8 = vector.broadcast %gt3A : i32 to vector<512x512xi32>
    %gt3A_9 = arith.cmpi sgt, %convert_element_type3A_7, %gt3A_8 : vector<512x512xi32>
    %eq3A_10 = arith.cmpi eq, %iota3A, %iota3A_2 : vector<512x512xi32>
    %or3A = arith.ori %gt3A_9, %eq3A_10 : vector<512x512xi1>
    %get3A_11 = arith.constant 0 : index
    %get3A_12 = arith.constant 0 : index
    %get3A_13 = arith.constant 0 : index
    %get3A_14 = vector.load %arg4[%get3A_11, %get3A_12, %get3A_13] : memref<1x512x512xi8, #tpu.memory_space<vmem>>, vector<1x512x512xi8>
    %get3A_15 = vector.shape_cast %get3A_14 : vector<1x512x512xi8> to vector<512x512xi8>
    %convert_element_type3A_16 = arith.extsi %get3A_15 : vector<512x512xi8> to vector<512x512xi32>
    %jit3A = arith.constant 64 : i32
    %broadcast_in_dim3A = vector.broadcast %jit3A : i32 to vector<512x512xi32>
    %select_n3A = arith.select %or3A, %convert_element_type3A_16, %broadcast_in_dim3A : vector<512x512xi1>, vector<512x512xi32>
    %broadcast_in_dim3A_17 = arith.constant 0.000000e+00 : f32
    %broadcast_in_dim3A_18 = vector.broadcast %broadcast_in_dim3A_17 : f32 to vector<512x64xf32>
    %broadcast_in_dim3A_19 = arith.constant -1.000000e+09 : f32
    %broadcast_in_dim3A_20 = vector.broadcast %broadcast_in_dim3A_19 : f32 to vector<512x64xf32>
    %concatenate3A = tpu.concatenate %broadcast_in_dim3A_18, %broadcast_in_dim3A_20 in 1 : vector<512x64xf32>, vector<512x64xf32> -> vector<512x128xf32>
    %get3A_21 = arith.constant 0 : index
    %get3A_22 = arith.constant 0 : index
    %get3A_23 = arith.constant 0 : index
    %get3A_24 = vector.load %arg1[%get3A_21, %get3A_22, %get3A_23] : memref<1x512x128xf32, #tpu.memory_space<vmem>>, vector<1x512x128xf32>
    %get3A_25 = vector.shape_cast %get3A_24 : vector<1x512x128xf32> to vector<512x128xf32>
    %get3A_26 = arith.constant 0 : index
    %get3A_27 = arith.constant 0 : index
    %get3A_28 = vector.load %arg2[%get3A_26, %get3A_27] : memref<512x128xf32, #tpu.memory_space<vmem>>, vector<512x128xf32>
    %add3A = arith.addf %get3A_25, %get3A_28 : vector<512x128xf32>
    %convert_element_type3A_29 = arith.truncf %add3A : vector<512x128xf32> to vector<512x128xbf16>
    %broadcast_in_dim3A_30 = arith.constant 0.000000e+00 : f32
    %broadcast_in_dim3A_31 = vector.broadcast %broadcast_in_dim3A_30 : f32 to vector<512x128xf32>
    %get3A_32 = arith.constant 0 : index
    %get3A_33 = arith.constant 0 : index
    %get3A_34 = arith.constant 0 : index
    %get3A_35 = arith.constant 0 : index
    %get3A_36 = vector.load %arg17[%get3A_32, %get3A_33, %get3A_34, %get3A_35] : memref<4x8x128x384xbf16, #tpu.memory_space<vmem>>, vector<1x1x128x384xbf16>
    %get3A_37 = vector.shape_cast %get3A_36 : vector<1x1x128x384xbf16> to vector<128x384xbf16>
    %dot_general3A = arith.constant dense<0.000000e+00> : vector<512x384xf32>
    %dot_general3A_38 = tpu.matmul %convert_element_type3A_29, %get3A_37, %dot_general3A {dimension_numbers = #tpu.dot_dimension_numbers<[1], [0], [0], [1], [0, 0, 1, 1], [], []>, transpose_lhs_hint = false} : vector<512x128xbf16>, vector<128x384xbf16>, vector<512x384xf32> -> vector<512x384xf32>
    %slice3A = vector.extract_strided_slice %dot_general3A_38 {offsets = [0, 0], sizes = [512, 128], strides = [1, 1]} : vector<512x384xf32> to vector<512x128xf32>
    %convert_element_type3A_39 = arith.truncf %slice3A : vector<512x128xf32> to vector<512x128xbf16>
    %dot_general3A_40 = arith.constant dense<0.000000e+00> : vector<512x512xf32>
    %dot_general3A_41 = tpu.matmul %convert_element_type3A_39, %convert_element_type3A_29, %dot_general3A_40 {dimension_numbers = #tpu.dot_dimension_numbers<[1], [1], [0], [0], [0, 0, 1, 0], [], []>, transpose_lhs_hint = false} : vector<512x128xbf16>, vector<512x128xbf16>, vector<512x512xf32> -> vector<512x512xf32>
    %slice3A_42 = vector.extract_strided_slice %dot_general3A_38 {offsets = [0, 256], sizes = [512, 128], strides = [1, 1]} : vector<512x384xf32> to vector<512x128xf32>
    %add3A_43 = arith.addf %slice3A_42, %concatenate3A : vector<512x128xf32>
    %lt3A = arith.constant 0 : i32
    %lt3A_44 = vector.broadcast %lt3A : i32 to vector<512x512xi32>
    %lt3A_45 = arith.cmpi slt, %select_n3A, %lt3A_44 : vector<512x512xi32>
    %add3A_46 = arith.constant 128 : i32
    %add3A_47 = vector.broadcast %add3A_46 : i32 to vector<512x512xi32>
    %add3A_48 = arith.addi %select_n3A, %add3A_47 : vector<512x512xi32>
    %select_n3A_49 = arith.select %lt3A_45, %add3A_48, %select_n3A : vector<512x512xi1>, vector<512x512xi32>
    %reshape3A = vector.shape_cast %select_n3A_49 : vector<512x512xi32> to vector<512x512x1xi32>
    %gather3A = vector.shape_cast %reshape3A : vector<512x512x1xi32> to vector<512x512xi32>
    %gather3A_50 = tpu.dynamic_gather %add3A_43[%gather3A] in [1] : vector<512x128xf32>, vector<512x512xi32> -> vector<512x512xf32>
    %add3A_51 = arith.addf %dot_general3A_41, %gather3A_50 : vector<512x512xf32>
    %convert_element_type3A_52 = arith.truncf %add3A_51 : vector<512x512xf32> to vector<512x512xbf16>
    %exp3A = math.exp %convert_element_type3A_52 : vector<512x512xbf16>
    %slice3A_53 = vector.extract_strided_slice %dot_general3A_38 {offsets = [0, 128], sizes = [512, 128], strides = [1, 1]} : vector<512x384xf32> to vector<512x128xf32>
    %convert_element_type3A_54 = arith.truncf %slice3A_53 : vector<512x128xf32> to vector<512x128xbf16>
    %broadcast_in_dim3A_55 = arith.constant 1.000000e+00 : bf16
    %broadcast_in_dim3A_56 = vector.broadcast %broadcast_in_dim3A_55 : bf16 to vector<512x128xbf16>
    %concatenate3A_57 = tpu.concatenate %convert_element_type3A_54, %broadcast_in_dim3A_56 in 1 : vector<512x128xbf16>, vector<512x128xbf16> -> vector<512x256xbf16>
    %dot_general3A_58 = arith.constant dense<0.000000e+00> : vector<512x256xf32>
    %dot_general3A_59 = tpu.matmul %exp3A, %concatenate3A_57, %dot_general3A_58 {dimension_numbers = #tpu.dot_dimension_numbers<[1], [0], [0], [1], [0, 0, 1, 1], [], []>, transpose_lhs_hint = false} : vector<512x512xbf16>, vector<512x256xbf16>, vector<512x256xf32> -> vector<512x256xf32>
    %slice3A_60 = vector.extract_strided_slice %dot_general3A_59 {offsets = [0, 0], sizes = [512, 128], strides = [1, 1]} : vector<512x256xf32> to vector<512x128xf32>
    %slice3A_61 = vector.extract_strided_slice %dot_general3A_59 {offsets = [0, 128], sizes = [512, 128], strides = [1, 1]} : vector<512x256xf32> to vector<512x128xf32>
    %div3A = arith.divf %slice3A_60, %slice3A_61 : vector<512x128xf32>
    %add3A_62 = arith.addf %broadcast_in_dim3A_31, %div3A : vector<512x128xf32>
    %get3A_63 = arith.constant 0 : index
    %get3A_64 = arith.constant 1 : index
    %get3A_65 = arith.constant 0 : index
    %get3A_66 = arith.constant 0 : index
    %get3A_67 = vector.load %arg17[%get3A_63, %get3A_64, %get3A_65, %get3A_66] : memref<4x8x128x384xbf16, #tpu.memory_space<vmem>>, vector<1x1x128x384xbf16>
    %get3A_68 = vector.shape_cast %get3A_67 : vector<1x1x128x384xbf16> to vector<128x384xbf16>
    %dot_general3A_69 = arith.constant dense<0.000000e+00> : vector<512x384xf32>
    %dot_general3A_70 = tpu.matmul %convert_element_type3A_29, %get3A_68, %dot_general3A_69 {dimension_numbers = #tpu.dot_dimension_numbers<[1], [0], [0], [1], [0, 0, 1, 1], [], []>, transpose_lhs_hint = false} : vector<512x128xbf16>, vector<128x384xbf16>, vector<512x384xf32> -> vector<512x384xf32>
    %slice3A_71 = vector.extract_strided_slice %dot_general3A_70 {offsets = [0, 0], sizes = [512, 128], strides = [1, 1]} : vector<512x384xf32> to vector<512x128xf32>
    %convert_element_type3A_72 = arith.truncf %slice3A_71 : vector<512x128xf32> to vector<512x128xbf16>
    %dot_general3A_73 = arith.constant dense<0.000000e+00> : vector<512x512xf32>
    %dot_general3A_74 = tpu.matmul %convert_element_type3A_72, %convert_element_type3A_29, %dot_general3A_73 {dimension_numbers = #tpu.dot_dimension_numbers<[1], [1], [0], [0], [0, 0, 1, 0], [], []>, transpose_lhs_hint = false} : vector<512x128xbf16>, vector<512x128xbf16>, vector<512x512xf32> -> vector<512x512xf32>
    %slice3A_75 = vector.extract_strided_slice %dot_general3A_70 {offsets = [0, 256], sizes = [512, 128], strides = [1, 1]} : vector<512x384xf32> to vector<512x128xf32>
    %add3A_76 = arith.addf %slice3A_75, %concatenate3A : vector<512x128xf32>
    %lt3A_77 = arith.constant 0 : i32
    %lt3A_78 = vector.broadcast %lt3A_77 : i32 to vector<512x512xi32>
    %lt3A_79 = arith.cmpi slt, %select_n3A, %lt3A_78 : vector<512x512xi32>
    %add3A_80 = arith.constant 128 : i32
    %add3A_81 = vector.broadcast %add3A_80 : i32 to vector<512x512xi32>
    %add3A_82 = arith.addi %select_n3A, %add3A_81 : vector<512x512xi32>
    %select_n3A_83 = arith.select %lt3A_79, %add3A_82, %select_n3A : vector<512x512xi1>, vector<512x512xi32>
    %reshape3A_84 = vector.shape_cast %select_n3A_83 : vector<512x512xi32> to vector<512x512x1xi32>
    %gather3A_85 = vector.shape_cast %reshape3A_84 : vector<512x512x1xi32> to vector<512x512xi32>
    %gather3A_86 = tpu.dynamic_gather %add3A_76[%gather3A_85] in [1] : vector<512x128xf32>, vector<512x512xi32> -> vector<512x512xf32>
    %add3A_87 = arith.addf %dot_general3A_74, %gather3A_86 : vector<512x512xf32>
    %convert_element_type3A_88 = arith.truncf %add3A_87 : vector<512x512xf32> to vector<512x512xbf16>
    %exp3A_89 = math.exp %convert_element_type3A_88 : vector<512x512xbf16>
    %slice3A_90 = vector.extract_strided_slice %dot_general3A_70 {offsets = [0, 128], sizes = [512, 128], strides = [1, 1]} : vector<512x384xf32> to vector<512x128xf32>
    %convert_element_type3A_91 = arith.truncf %slice3A_90 : vector<512x128xf32> to vector<512x128xbf16>
    %broadcast_in_dim3A_92 = arith.constant 1.000000e+00 : bf16
    %broadcast_in_dim3A_93 = vector.broadcast %broadcast_in_dim3A_92 : bf16 to vector<512x128xbf16>
    %concatenate3A_94 = tpu.concatenate %convert_element_type3A_91, %broadcast_in_dim3A_93 in 1 : vector<512x128xbf16>, vector<512x128xbf16> -> vector<512x256xbf16>
    %dot_general3A_95 = arith.constant dense<0.000000e+00> : vector<512x256xf32>
    %dot_general3A_96 = tpu.matmul %exp3A_89, %concatenate3A_94, %dot_general3A_95 {dimension_numbers = #tpu.dot_dimension_numbers<[1], [0], [0], [1], [0, 0, 1, 1], [], []>, transpose_lhs_hint = false} : vector<512x512xbf16>, vector<512x256xbf16>, vector<512x256xf32> -> vector<512x256xf32>
    %slice3A_97 = vector.extract_strided_slice %dot_general3A_96 {offsets = [0, 0], sizes = [512, 128], strides = [1, 1]} : vector<512x256xf32> to vector<512x128xf32>
    %slice3A_98 = vector.extract_strided_slice %dot_general3A_96 {offsets = [0, 128], sizes = [512, 128], strides = [1, 1]} : vector<512x256xf32> to vector<512x128xf32>
    %div3A_99 = arith.divf %slice3A_97, %slice3A_98 : vector<512x128xf32>
    %add3A_100 = arith.addf %add3A_62, %div3A_99 : vector<512x128xf32>
    %get3A_101 = arith.constant 0 : index
    %get3A_102 = arith.constant 2 : index
    %get3A_103 = arith.constant 0 : index
    %get3A_104 = arith.constant 0 : index
    %get3A_105 = vector.load %arg17[%get3A_101, %get3A_102, %get3A_103, %get3A_104] : memref<4x8x128x384xbf16, #tpu.memory_space<vmem>>, vector<1x1x128x384xbf16>
    %get3A_106 = vector.shape_cast %get3A_105 : vector<1x1x128x384xbf16> to vector<128x384xbf16>
    %dot_general3A_107 = arith.constant dense<0.000000e+00> : vector<512x384xf32>
    %dot_general3A_108 = tpu.matmul %convert_element_type3A_29, %get3A_106, %dot_general3A_107 {dimension_numbers = #tpu.dot_dimension_numbers<[1], [0], [0], [1], [0, 0, 1, 1], [], []>, transpose_lhs_hint = false} : vector<512x128xbf16>, vector<128x384xbf16>, vector<512x384xf32> -> vector<512x384xf32>
    %slice3A_109 = vector.extract_strided_slice %dot_general3A_108 {offsets = [0, 0], sizes = [512, 128], strides = [1, 1]} : vector<512x384xf32> to vector<512x128xf32>
    %convert_element_type3A_110 = arith.truncf %slice3A_109 : vector<512x128xf32> to vector<512x128xbf16>
    %dot_general3A_111 = arith.constant dense<0.000000e+00> : vector<512x512xf32>
    %dot_general3A_112 = tpu.matmul %convert_element_type3A_110, %convert_element_type3A_29, %dot_general3A_111 {dimension_numbers = #tpu.dot_dimension_numbers<[1], [1], [0], [0], [0, 0, 1, 0], [], []>, transpose_lhs_hint = false} : vector<512x128xbf16>, vector<512x128xbf16>, vector<512x512xf32> -> vector<512x512xf32>
    %slice3A_113 = vector.extract_strided_slice %dot_general3A_108 {offsets = [0, 256], sizes = [512, 128], strides = [1, 1]} : vector<512x384xf32> to vector<512x128xf32>
    %add3A_114 = arith.addf %slice3A_113, %concatenate3A : vector<512x128xf32>
    %lt3A_115 = arith.constant 0 : i32
    %lt3A_116 = vector.broadcast %lt3A_115 : i32 to vector<512x512xi32>
    %lt3A_117 = arith.cmpi slt, %select_n3A, %lt3A_116 : vector<512x512xi32>
    %add3A_118 = arith.constant 128 : i32
    %add3A_119 = vector.broadcast %add3A_118 : i32 to vector<512x512xi32>
    %add3A_120 = arith.addi %select_n3A, %add3A_119 : vector<512x512xi32>
    %select_n3A_121 = arith.select %lt3A_117, %add3A_120, %select_n3A : vector<512x512xi1>, vector<512x512xi32>
    %reshape3A_122 = vector.shape_cast %select_n3A_121 : vector<512x512xi32> to vector<512x512x1xi32>
    %gather3A_123 = vector.shape_cast %reshape3A_122 : vector<512x512x1xi32> to vector<512x512xi32>
    %gather3A_124 = tpu.dynamic_gather %add3A_114[%gather3A_123] in [1] : vector<512x128xf32>, vector<512x512xi32> -> vector<512x512xf32>
    %add3A_125 = arith.addf %dot_general3A_112, %gather3A_124 : vector<512x512xf32>
    %convert_element_type3A_126 = arith.truncf %add3A_125 : vector<512x512xf32> to vector<512x512xbf16>
    %exp3A_127 = math.exp %convert_element_type3A_126 : vector<512x512xbf16>
    %slice3A_128 = vector.extract_strided_slice %dot_general3A_108 {offsets = [0, 128], sizes = [512, 128], strides = [1, 1]} : vector<512x384xf32> to vector<512x128xf32>
    %convert_element_type3A_129 = arith.truncf %slice3A_128 : vector<512x128xf32> to vector<512x128xbf16>
    %broadcast_in_dim3A_130 = arith.constant 1.000000e+00 : bf16
    %broadcast_in_dim3A_131 = vector.broadcast %broadcast_in_dim3A_130 : bf16 to vector<512x128xbf16>
    %concatenate3A_132 = tpu.concatenate %convert_element_type3A_129, %broadcast_in_dim3A_131 in 1 : vector<512x128xbf16>, vector<512x128xbf16> -> vector<512x256xbf16>
    %dot_general3A_133 = arith.constant dense<0.000000e+00> : vector<512x256xf32>
    %dot_general3A_134 = tpu.matmul %exp3A_127, %concatenate3A_132, %dot_general3A_133 {dimension_numbers = #tpu.dot_dimension_numbers<[1], [0], [0], [1], [0, 0, 1, 1], [], []>, transpose_lhs_hint = false} : vector<512x512xbf16>, vector<512x256xbf16>, vector<512x256xf32> -> vector<512x256xf32>
    %slice3A_135 = vector.extract_strided_slice %dot_general3A_134 {offsets = [0, 0], sizes = [512, 128], strides = [1, 1]} : vector<512x256xf32> to vector<512x128xf32>
    %slice3A_136 = vector.extract_strided_slice %dot_general3A_134 {offsets = [0, 128], sizes = [512, 128], strides = [1, 1]} : vector<512x256xf32> to vector<512x128xf32>
    %div3A_137 = arith.divf %slice3A_135, %slice3A_136 : vector<512x128xf32>
    %add3A_138 = arith.addf %add3A_100, %div3A_137 : vector<512x128xf32>
    %get3A_139 = arith.constant 0 : index
    %get3A_140 = arith.constant 3 : index
    %get3A_141 = arith.constant 0 : index
    %get3A_142 = arith.constant 0 : index
    %get3A_143 = vector.load %arg17[%get3A_139, %get3A_140, %get3A_141, %get3A_142] : memref<4x8x128x384xbf16, #tpu.memory_space<vmem>>, vector<1x1x128x384xbf16>
    %get3A_144 = vector.shape_cast %get3A_143 : vector<1x1x128x384xbf16> to vector<128x384xbf16>
    %dot_general3A_145 = arith.constant dense<0.000000e+00> : vector<512x384xf32>
    %dot_general3A_146 = tpu.matmul %convert_element_type3A_29, %get3A_144, %dot_general3A_145 {dimension_numbers = #tpu.dot_dimension_numbers<[1], [0], [0], [1], [0, 0, 1, 1], [], []>, transpose_lhs_hint = false} : vector<512x128xbf16>, vector<128x384xbf16>, vector<512x384xf32> -> vector<512x384xf32>
    %slice3A_147 = vector.extract_strided_slice %dot_general3A_146 {offsets = [0, 0], sizes = [512, 128], strides = [1, 1]} : vector<512x384xf32> to vector<512x128xf32>
    %convert_element_type3A_148 = arith.truncf %slice3A_147 : vector<512x128xf32> to vector<512x128xbf16>
    %dot_general3A_149 = arith.constant dense<0.000000e+00> : vector<512x512xf32>
    %dot_general3A_150 = tpu.matmul %convert_element_type3A_148, %convert_element_type3A_29, %dot_general3A_149 {dimension_numbers = #tpu.dot_dimension_numbers<[1], [1], [0], [0], [0, 0, 1, 0], [], []>, transpose_lhs_hint = false} : vector<512x128xbf16>, vector<512x128xbf16>, vector<512x512xf32> -> vector<512x512xf32>
    %slice3A_151 = vector.extract_strided_slice %dot_general3A_146 {offsets = [0, 256], sizes = [512, 128], strides = [1, 1]} : vector<512x384xf32> to vector<512x128xf32>
    %add3A_152 = arith.addf %slice3A_151, %concatenate3A : vector<512x128xf32>
    %lt3A_153 = arith.constant 0 : i32
    %lt3A_154 = vector.broadcast %lt3A_153 : i32 to vector<512x512xi32>
    %lt3A_155 = arith.cmpi slt, %select_n3A, %lt3A_154 : vector<512x512xi32>
    %add3A_156 = arith.constant 128 : i32
    %add3A_157 = vector.broadcast %add3A_156 : i32 to vector<512x512xi32>
    %add3A_158 = arith.addi %select_n3A, %add3A_157 : vector<512x512xi32>
    %select_n3A_159 = arith.select %lt3A_155, %add3A_158, %select_n3A : vector<512x512xi1>, vector<512x512xi32>
    %reshape3A_160 = vector.shape_cast %select_n3A_159 : vector<512x512xi32> to vector<512x512x1xi32>
    %gather3A_161 = vector.shape_cast %reshape3A_160 : vector<512x512x1xi32> to vector<512x512xi32>
    %gather3A_162 = tpu.dynamic_gather %add3A_152[%gather3A_161] in [1] : vector<512x128xf32>, vector<512x512xi32> -> vector<512x512xf32>
    %add3A_163 = arith.addf %dot_general3A_150, %gather3A_162 : vector<512x512xf32>
    %convert_element_type3A_164 = arith.truncf %add3A_163 : vector<512x512xf32> to vector<512x512xbf16>
    %exp3A_165 = math.exp %convert_element_type3A_164 : vector<512x512xbf16>
    %slice3A_166 = vector.extract_strided_slice %dot_general3A_146 {offsets = [0, 128], sizes = [512, 128], strides = [1, 1]} : vector<512x384xf32> to vector<512x128xf32>
    %convert_element_type3A_167 = arith.truncf %slice3A_166 : vector<512x128xf32> to vector<512x128xbf16>
    %broadcast_in_dim3A_168 = arith.constant 1.000000e+00 : bf16
    %broadcast_in_dim3A_169 = vector.broadcast %broadcast_in_dim3A_168 : bf16 to vector<512x128xbf16>
    %concatenate3A_170 = tpu.concatenate %convert_element_type3A_167, %broadcast_in_dim3A_169 in 1 : vector<512x128xbf16>, vector<512x128xbf16> -> vector<512x256xbf16>
    %dot_general3A_171 = arith.constant dense<0.000000e+00> : vector<512x256xf32>
    %dot_general3A_172 = tpu.matmul %exp3A_165, %concatenate3A_170, %dot_general3A_171 {dimension_numbers = #tpu.dot_dimension_numbers<[1], [0], [0], [1], [0, 0, 1, 1], [], []>, transpose_lhs_hint = false} : vector<512x512xbf16>, vector<512x256xbf16>, vector<512x256xf32> -> vector<512x256xf32>
    %slice3A_173 = vector.extract_strided_slice %dot_general3A_172 {offsets = [0, 0], sizes = [512, 128], strides = [1, 1]} : vector<512x256xf32> to vector<512x128xf32>
    %slice3A_174 = vector.extract_strided_slice %dot_general3A_172 {offsets = [0, 128], sizes = [512, 128], strides = [1, 1]} : vector<512x256xf32> to vector<512x128xf32>
    %div3A_175 = arith.divf %slice3A_173, %slice3A_174 : vector<512x128xf32>
    %add3A_176 = arith.addf %add3A_138, %div3A_175 : vector<512x128xf32>
    %get3A_177 = arith.constant 0 : index
    %get3A_178 = arith.constant 4 : index
    %get3A_179 = arith.constant 0 : index
    %get3A_180 = arith.constant 0 : index
    %get3A_181 = vector.load %arg17[%get3A_177, %get3A_178, %get3A_179, %get3A_180] : memref<4x8x128x384xbf16, #tpu.memory_space<vmem>>, vector<1x1x128x384xbf16>
    %get3A_182 = vector.shape_cast %get3A_181 : vector<1x1x128x384xbf16> to vector<128x384xbf16>
    %dot_general3A_183 = arith.constant dense<0.000000e+00> : vector<512x384xf32>
    %dot_general3A_184 = tpu.matmul %convert_element_type3A_29, %get3A_182, %dot_general3A_183 {dimension_numbers = #tpu.dot_dimension_numbers<[1], [0], [0], [1], [0, 0, 1, 1], [], []>, transpose_lhs_hint = false} : vector<512x128xbf16>, vector<128x384xbf16>, vector<512x384xf32> -> vector<512x384xf32>
    %slice3A_185 = vector.extract_strided_slice %dot_general3A_184 {offsets = [0, 0], sizes = [512, 128], strides = [1, 1]} : vector<512x384xf32> to vector<512x128xf32>
    %convert_element_type3A_186 = arith.truncf %slice3A_185 : vector<512x128xf32> to vector<512x128xbf16>
    %dot_general3A_187 = arith.constant dense<0.000000e+00> : vector<512x512xf32>
    %dot_general3A_188 = tpu.matmul %convert_element_type3A_186, %convert_element_type3A_29, %dot_general3A_187 {dimension_numbers = #tpu.dot_dimension_numbers<[1], [1], [0], [0], [0, 0, 1, 0], [], []>, transpose_lhs_hint = false} : vector<512x128xbf16>, vector<512x128xbf16>, vector<512x512xf32> -> vector<512x512xf32>
    %slice3A_189 = vector.extract_strided_slice %dot_general3A_184 {offsets = [0, 256], sizes = [512, 128], strides = [1, 1]} : vector<512x384xf32> to vector<512x128xf32>
    %add3A_190 = arith.addf %slice3A_189, %concatenate3A : vector<512x128xf32>
    %lt3A_191 = arith.constant 0 : i32
    %lt3A_192 = vector.broadcast %lt3A_191 : i32 to vector<512x512xi32>
    %lt3A_193 = arith.cmpi slt, %select_n3A, %lt3A_192 : vector<512x512xi32>
    %add3A_194 = arith.constant 128 : i32
    %add3A_195 = vector.broadcast %add3A_194 : i32 to vector<512x512xi32>
    %add3A_196 = arith.addi %select_n3A, %add3A_195 : vector<512x512xi32>
    %select_n3A_197 = arith.select %lt3A_193, %add3A_196, %select_n3A : vector<512x512xi1>, vector<512x512xi32>
    %reshape3A_198 = vector.shape_cast %select_n3A_197 : vector<512x512xi32> to vector<512x512x1xi32>
    %gather3A_199 = vector.shape_cast %reshape3A_198 : vector<512x512x1xi32> to vector<512x512xi32>
    %gather3A_200 = tpu.dynamic_gather %add3A_190[%gather3A_199] in [1] : vector<512x128xf32>, vector<512x512xi32> -> vector<512x512xf32>
    %add3A_201 = arith.addf %dot_general3A_188, %gather3A_200 : vector<512x512xf32>
    %convert_element_type3A_202 = arith.truncf %add3A_201 : vector<512x512xf32> to vector<512x512xbf16>
    %exp3A_203 = math.exp %convert_element_type3A_202 : vector<512x512xbf16>
    %slice3A_204 = vector.extract_strided_slice %dot_general3A_184 {offsets = [0, 128], sizes = [512, 128], strides = [1, 1]} : vector<512x384xf32> to vector<512x128xf32>
    %convert_element_type3A_205 = arith.truncf %slice3A_204 : vector<512x128xf32> to vector<512x128xbf16>
    %broadcast_in_dim3A_206 = arith.constant 1.000000e+00 : bf16
    %broadcast_in_dim3A_207 = vector.broadcast %broadcast_in_dim3A_206 : bf16 to vector<512x128xbf16>
    %concatenate3A_208 = tpu.concatenate %convert_element_type3A_205, %broadcast_in_dim3A_207 in 1 : vector<512x128xbf16>, vector<512x128xbf16> -> vector<512x256xbf16>
    %dot_general3A_209 = arith.constant dense<0.000000e+00> : vector<512x256xf32>
    %dot_general3A_210 = tpu.matmul %exp3A_203, %concatenate3A_208, %dot_general3A_209 {dimension_numbers = #tpu.dot_dimension_numbers<[1], [0], [0], [1], [0, 0, 1, 1], [], []>, transpose_lhs_hint = false} : vector<512x512xbf16>, vector<512x256xbf16>, vector<512x256xf32> -> vector<512x256xf32>
    %slice3A_211 = vector.extract_strided_slice %dot_general3A_210 {offsets = [0, 0], sizes = [512, 128], strides = [1, 1]} : vector<512x256xf32> to vector<512x128xf32>
    %slice3A_212 = vector.extract_strided_slice %dot_general3A_210 {offsets = [0, 128], sizes = [512, 128], strides = [1, 1]} : vector<512x256xf32> to vector<512x128xf32>
    %div3A_213 = arith.divf %slice3A_211, %slice3A_212 : vector<512x128xf32>
    %add3A_214 = arith.addf %add3A_176, %div3A_213 : vector<512x128xf32>
    %get3A_215 = arith.constant 0 : index
    %get3A_216 = arith.constant 5 : index
    %get3A_217 = arith.constant 0 : index
    %get3A_218 = arith.constant 0 : index
    %get3A_219 = vector.load %arg17[%get3A_215, %get3A_216, %get3A_217, %get3A_218] : memref<4x8x128x384xbf16, #tpu.memory_space<vmem>>, vector<1x1x128x384xbf16>
    %get3A_220 = vector.shape_cast %get3A_219 : vector<1x1x128x384xbf16> to vector<128x384xbf16>
    %dot_general3A_221 = arith.constant dense<0.000000e+00> : vector<512x384xf32>
    %dot_general3A_222 = tpu.matmul %convert_element_type3A_29, %get3A_220, %dot_general3A_221 {dimension_numbers = #tpu.dot_dimension_numbers<[1], [0], [0], [1], [0, 0, 1, 1], [], []>, transpose_lhs_hint = false} : vector<512x128xbf16>, vector<128x384xbf16>, vector<512x384xf32> -> vector<512x384xf32>
    %slice3A_223 = vector.extract_strided_slice %dot_general3A_222 {offsets = [0, 0], sizes = [512, 128], strides = [1, 1]} : vector<512x384xf32> to vector<512x128xf32>
    %convert_element_type3A_224 = arith.truncf %slice3A_223 : vector<512x128xf32> to vector<512x128xbf16>
    %dot_general3A_225 = arith.constant dense<0.000000e+00> : vector<512x512xf32>
    %dot_general3A_226 = tpu.matmul %convert_element_type3A_224, %convert_element_type3A_29, %dot_general3A_225 {dimension_numbers = #tpu.dot_dimension_numbers<[1], [1], [0], [0], [0, 0, 1, 0], [], []>, transpose_lhs_hint = false} : vector<512x128xbf16>, vector<512x128xbf16>, vector<512x512xf32> -> vector<512x512xf32>
    %slice3A_227 = vector.extract_strided_slice %dot_general3A_222 {offsets = [0, 256], sizes = [512, 128], strides = [1, 1]} : vector<512x384xf32> to vector<512x128xf32>
    %add3A_228 = arith.addf %slice3A_227, %concatenate3A : vector<512x128xf32>
    %lt3A_229 = arith.constant 0 : i32
    %lt3A_230 = vector.broadcast %lt3A_229 : i32 to vector<512x512xi32>
    %lt3A_231 = arith.cmpi slt, %select_n3A, %lt3A_230 : vector<512x512xi32>
    %add3A_232 = arith.constant 128 : i32
    %add3A_233 = vector.broadcast %add3A_232 : i32 to vector<512x512xi32>
    %add3A_234 = arith.addi %select_n3A, %add3A_233 : vector<512x512xi32>
    %select_n3A_235 = arith.select %lt3A_231, %add3A_234, %select_n3A : vector<512x512xi1>, vector<512x512xi32>
    %reshape3A_236 = vector.shape_cast %select_n3A_235 : vector<512x512xi32> to vector<512x512x1xi32>
    %gather3A_237 = vector.shape_cast %reshape3A_236 : vector<512x512x1xi32> to vector<512x512xi32>
    %gather3A_238 = tpu.dynamic_gather %add3A_228[%gather3A_237] in [1] : vector<512x128xf32>, vector<512x512xi32> -> vector<512x512xf32>
    %add3A_239 = arith.addf %dot_general3A_226, %gather3A_238 : vector<512x512xf32>
    %convert_element_type3A_240 = arith.truncf %add3A_239 : vector<512x512xf32> to vector<512x512xbf16>
    %exp3A_241 = math.exp %convert_element_type3A_240 : vector<512x512xbf16>
    %slice3A_242 = vector.extract_strided_slice %dot_general3A_222 {offsets = [0, 128], sizes = [512, 128], strides = [1, 1]} : vector<512x384xf32> to vector<512x128xf32>
    %convert_element_type3A_243 = arith.truncf %slice3A_242 : vector<512x128xf32> to vector<512x128xbf16>
    %broadcast_in_dim3A_244 = arith.constant 1.000000e+00 : bf16
    %broadcast_in_dim3A_245 = vector.broadcast %broadcast_in_dim3A_244 : bf16 to vector<512x128xbf16>
    %concatenate3A_246 = tpu.concatenate %convert_element_type3A_243, %broadcast_in_dim3A_245 in 1 : vector<512x128xbf16>, vector<512x128xbf16> -> vector<512x256xbf16>
    %dot_general3A_247 = arith.constant dense<0.000000e+00> : vector<512x256xf32>
    %dot_general3A_248 = tpu.matmul %exp3A_241, %concatenate3A_246, %dot_general3A_247 {dimension_numbers = #tpu.dot_dimension_numbers<[1], [0], [0], [1], [0, 0, 1, 1], [], []>, transpose_lhs_hint = false} : vector<512x512xbf16>, vector<512x256xbf16>, vector<512x256xf32> -> vector<512x256xf32>
    %slice3A_249 = vector.extract_strided_slice %dot_general3A_248 {offsets = [0, 0], sizes = [512, 128], strides = [1, 1]} : vector<512x256xf32> to vector<512x128xf32>
    %slice3A_250 = vector.extract_strided_slice %dot_general3A_248 {offsets = [0, 128], sizes = [512, 128], strides = [1, 1]} : vector<512x256xf32> to vector<512x128xf32>
    %div3A_251 = arith.divf %slice3A_249, %slice3A_250 : vector<512x128xf32>
    %add3A_252 = arith.addf %add3A_214, %div3A_251 : vector<512x128xf32>
    %get3A_253 = arith.constant 0 : index
    %get3A_254 = arith.constant 6 : index
    %get3A_255 = arith.constant 0 : index
    %get3A_256 = arith.constant 0 : index
    %get3A_257 = vector.load %arg17[%get3A_253, %get3A_254, %get3A_255, %get3A_256] : memref<4x8x128x384xbf16, #tpu.memory_space<vmem>>, vector<1x1x128x384xbf16>
    %get3A_258 = vector.shape_cast %get3A_257 : vector<1x1x128x384xbf16> to vector<128x384xbf16>
    %dot_general3A_259 = arith.constant dense<0.000000e+00> : vector<512x384xf32>
    %dot_general3A_260 = tpu.matmul %convert_element_type3A_29, %get3A_258, %dot_general3A_259 {dimension_numbers = #tpu.dot_dimension_numbers<[1], [0], [0], [1], [0, 0, 1, 1], [], []>, transpose_lhs_hint = false} : vector<512x128xbf16>, vector<128x384xbf16>, vector<512x384xf32> -> vector<512x384xf32>
    %slice3A_261 = vector.extract_strided_slice %dot_general3A_260 {offsets = [0, 0], sizes = [512, 128], strides = [1, 1]} : vector<512x384xf32> to vector<512x128xf32>
    %convert_element_type3A_262 = arith.truncf %slice3A_261 : vector<512x128xf32> to vector<512x128xbf16>
    %dot_general3A_263 = arith.constant dense<0.000000e+00> : vector<512x512xf32>
    %dot_general3A_264 = tpu.matmul %convert_element_type3A_262, %convert_element_type3A_29, %dot_general3A_263 {dimension_numbers = #tpu.dot_dimension_numbers<[1], [1], [0], [0], [0, 0, 1, 0], [], []>, transpose_lhs_hint = false} : vector<512x128xbf16>, vector<512x128xbf16>, vector<512x512xf32> -> vector<512x512xf32>
    %slice3A_265 = vector.extract_strided_slice %dot_general3A_260 {offsets = [0, 256], sizes = [512, 128], strides = [1, 1]} : vector<512x384xf32> to vector<512x128xf32>
    %add3A_266 = arith.addf %slice3A_265, %concatenate3A : vector<512x128xf32>
    %lt3A_267 = arith.constant 0 : i32
    %lt3A_268 = vector.broadcast %lt3A_267 : i32 to vector<512x512xi32>
    %lt3A_269 = arith.cmpi slt, %select_n3A, %lt3A_268 : vector<512x512xi32>
    %add3A_270 = arith.constant 128 : i32
    %add3A_271 = vector.broadcast %add3A_270 : i32 to vector<512x512xi32>
    %add3A_272 = arith.addi %select_n3A, %add3A_271 : vector<512x512xi32>
    %select_n3A_273 = arith.select %lt3A_269, %add3A_272, %select_n3A : vector<512x512xi1>, vector<512x512xi32>
    %reshape3A_274 = vector.shape_cast %select_n3A_273 : vector<512x512xi32> to vector<512x512x1xi32>
    %gather3A_275 = vector.shape_cast %reshape3A_274 : vector<512x512x1xi32> to vector<512x512xi32>
    %gather3A_276 = tpu.dynamic_gather %add3A_266[%gather3A_275] in [1] : vector<512x128xf32>, vector<512x512xi32> -> vector<512x512xf32>
    %add3A_277 = arith.addf %dot_general3A_264, %gather3A_276 : vector<512x512xf32>
    %convert_element_type3A_278 = arith.truncf %add3A_277 : vector<512x512xf32> to vector<512x512xbf16>
    %exp3A_279 = math.exp %convert_element_type3A_278 : vector<512x512xbf16>
    %slice3A_280 = vector.extract_strided_slice %dot_general3A_260 {offsets = [0, 128], sizes = [512, 128], strides = [1, 1]} : vector<512x384xf32> to vector<512x128xf32>
    %convert_element_type3A_281 = arith.truncf %slice3A_280 : vector<512x128xf32> to vector<512x128xbf16>
    %broadcast_in_dim3A_282 = arith.constant 1.000000e+00 : bf16
    %broadcast_in_dim3A_283 = vector.broadcast %broadcast_in_dim3A_282 : bf16 to vector<512x128xbf16>
    %concatenate3A_284 = tpu.concatenate %convert_element_type3A_281, %broadcast_in_dim3A_283 in 1 : vector<512x128xbf16>, vector<512x128xbf16> -> vector<512x256xbf16>
    %dot_general3A_285 = arith.constant dense<0.000000e+00> : vector<512x256xf32>
    %dot_general3A_286 = tpu.matmul %exp3A_279, %concatenate3A_284, %dot_general3A_285 {dimension_numbers = #tpu.dot_dimension_numbers<[1], [0], [0], [1], [0, 0, 1, 1], [], []>, transpose_lhs_hint = false} : vector<512x512xbf16>, vector<512x256xbf16>, vector<512x256xf32> -> vector<512x256xf32>
    %slice3A_287 = vector.extract_strided_slice %dot_general3A_286 {offsets = [0, 0], sizes = [512, 128], strides = [1, 1]} : vector<512x256xf32> to vector<512x128xf32>
    %slice3A_288 = vector.extract_strided_slice %dot_general3A_286 {offsets = [0, 128], sizes = [512, 128], strides = [1, 1]} : vector<512x256xf32> to vector<512x128xf32>
    %div3A_289 = arith.divf %slice3A_287, %slice3A_288 : vector<512x128xf32>
    %add3A_290 = arith.addf %add3A_252, %div3A_289 : vector<512x128xf32>
    %get3A_291 = arith.constant 0 : index
    %get3A_292 = arith.constant 7 : index
    %get3A_293 = arith.constant 0 : index
    %get3A_294 = arith.constant 0 : index
    %get3A_295 = vector.load %arg17[%get3A_291, %get3A_292, %get3A_293, %get3A_294] : memref<4x8x128x384xbf16, #tpu.memory_space<vmem>>, vector<1x1x128x384xbf16>
    %get3A_296 = vector.shape_cast %get3A_295 : vector<1x1x128x384xbf16> to vector<128x384xbf16>
    %dot_general3A_297 = arith.constant dense<0.000000e+00> : vector<512x384xf32>
    %dot_general3A_298 = tpu.matmul %convert_element_type3A_29, %get3A_296, %dot_general3A_297 {dimension_numbers = #tpu.dot_dimension_numbers<[1], [0], [0], [1], [0, 0, 1, 1], [], []>, transpose_lhs_hint = false} : vector<512x128xbf16>, vector<128x384xbf16>, vector<512x384xf32> -> vector<512x384xf32>
    %slice3A_299 = vector.extract_strided_slice %dot_general3A_298 {offsets = [0, 0], sizes = [512, 128], strides = [1, 1]} : vector<512x384xf32> to vector<512x128xf32>
    %convert_element_type3A_300 = arith.truncf %slice3A_299 : vector<512x128xf32> to vector<512x128xbf16>
    %dot_general3A_301 = arith.constant dense<0.000000e+00> : vector<512x512xf32>
    %dot_general3A_302 = tpu.matmul %convert_element_type3A_300, %convert_element_type3A_29, %dot_general3A_301 {dimension_numbers = #tpu.dot_dimension_numbers<[1], [1], [0], [0], [0, 0, 1, 0], [], []>, transpose_lhs_hint = false} : vector<512x128xbf16>, vector<512x128xbf16>, vector<512x512xf32> -> vector<512x512xf32>
    %slice3A_303 = vector.extract_strided_slice %dot_general3A_298 {offsets = [0, 256], sizes = [512, 128], strides = [1, 1]} : vector<512x384xf32> to vector<512x128xf32>
    %add3A_304 = arith.addf %slice3A_303, %concatenate3A : vector<512x128xf32>
    %lt3A_305 = arith.constant 0 : i32
    %lt3A_306 = vector.broadcast %lt3A_305 : i32 to vector<512x512xi32>
    %lt3A_307 = arith.cmpi slt, %select_n3A, %lt3A_306 : vector<512x512xi32>
    %add3A_308 = arith.constant 128 : i32
    %add3A_309 = vector.broadcast %add3A_308 : i32 to vector<512x512xi32>
    %add3A_310 = arith.addi %select_n3A, %add3A_309 : vector<512x512xi32>
    %select_n3A_311 = arith.select %lt3A_307, %add3A_310, %select_n3A : vector<512x512xi1>, vector<512x512xi32>
    %reshape3A_312 = vector.shape_cast %select_n3A_311 : vector<512x512xi32> to vector<512x512x1xi32>
    %gather3A_313 = vector.shape_cast %reshape3A_312 : vector<512x512x1xi32> to vector<512x512xi32>
    %gather3A_314 = tpu.dynamic_gather %add3A_304[%gather3A_313] in [1] : vector<512x128xf32>, vector<512x512xi32> -> vector<512x512xf32>
    %add3A_315 = arith.addf %dot_general3A_302, %gather3A_314 : vector<512x512xf32>
    %convert_element_type3A_316 = arith.truncf %add3A_315 : vector<512x512xf32> to vector<512x512xbf16>
    %exp3A_317 = math.exp %convert_element_type3A_316 : vector<512x512xbf16>
    %slice3A_318 = vector.extract_strided_slice %dot_general3A_298 {offsets = [0, 128], sizes = [512, 128], strides = [1, 1]} : vector<512x384xf32> to vector<512x128xf32>
    %convert_element_type3A_319 = arith.truncf %slice3A_318 : vector<512x128xf32> to vector<512x128xbf16>
    %broadcast_in_dim3A_320 = arith.constant 1.000000e+00 : bf16
    %broadcast_in_dim3A_321 = vector.broadcast %broadcast_in_dim3A_320 : bf16 to vector<512x128xbf16>
    %concatenate3A_322 = tpu.concatenate %convert_element_type3A_319, %broadcast_in_dim3A_321 in 1 : vector<512x128xbf16>, vector<512x128xbf16> -> vector<512x256xbf16>
    %dot_general3A_323 = arith.constant dense<0.000000e+00> : vector<512x256xf32>
    %dot_general3A_324 = tpu.matmul %exp3A_317, %concatenate3A_322, %dot_general3A_323 {dimension_numbers = #tpu.dot_dimension_numbers<[1], [0], [0], [1], [0, 0, 1, 1], [], []>, transpose_lhs_hint = false} : vector<512x512xbf16>, vector<512x256xbf16>, vector<512x256xf32> -> vector<512x256xf32>
    %slice3A_325 = vector.extract_strided_slice %dot_general3A_324 {offsets = [0, 0], sizes = [512, 128], strides = [1, 1]} : vector<512x256xf32> to vector<512x128xf32>
    %slice3A_326 = vector.extract_strided_slice %dot_general3A_324 {offsets = [0, 128], sizes = [512, 128], strides = [1, 1]} : vector<512x256xf32> to vector<512x128xf32>
    %div3A_327 = arith.divf %slice3A_325, %slice3A_326 : vector<512x128xf32>
    %add3A_328 = arith.addf %add3A_290, %div3A_327 : vector<512x128xf32>
    %add3A_329 = arith.addf %add3A, %add3A_328 : vector<512x128xf32>
    %convert_element_type3A_330 = arith.truncf %add3A_329 : vector<512x128xf32> to vector<512x128xbf16>
    %get3A_331 = arith.constant 0 : index
    %get3A_332 = arith.constant 0 : index
    %get3A_333 = arith.constant 0 : index
    %get3A_334 = vector.load %arg10[%get3A_331, %get3A_332, %get3A_333] : memref<4x128x512xf32, #tpu.memory_space<vmem>>, vector<1x128x512xf32>
    %get3A_335 = vector.shape_cast %get3A_334 : vector<1x128x512xf32> to vector<128x512xf32>
    %convert_element_type3A_336 = arith.truncf %get3A_335 : vector<128x512xf32> to vector<128x512xbf16>
    %dot_general3A_337 = arith.constant dense<0.000000e+00> : vector<512x512xf32>
    %dot_general3A_338 = tpu.matmul %convert_element_type3A_330, %convert_element_type3A_336, %dot_general3A_337 {dimension_numbers = #tpu.dot_dimension_numbers<[1], [0], [0], [1], [0, 0, 1, 1], [], []>, transpose_lhs_hint = false} : vector<512x128xbf16>, vector<128x512xbf16>, vector<512x512xf32> -> vector<512x512xf32>
    %get3A_339 = arith.constant 0 : index
    %get3A_340 = arith.constant 0 : index
    %get3A_341 = arith.constant 0 : index
    %get3A_342 = vector.load %arg12[%get3A_339, %get3A_340, %get3A_341] : memref<4x1x512xf32, #tpu.memory_space<vmem>>, vector<1x1x512xf32>
    %get3A_343 = vector.shape_cast %get3A_342 : vector<1x1x512xf32> to vector<1x512xf32>
    %add3A_344 = vector.broadcast %get3A_343 : vector<1x512xf32> to vector<512x512xf32>
    %add3A_345 = arith.addf %dot_general3A_338, %add3A_344 : vector<512x512xf32>
    %max3A = arith.constant 0.000000e+00 : f32
    %max3A_346 = vector.broadcast %max3A : f32 to vector<512x512xf32>
    %max3A_347 = arith.maximumf %add3A_345, %max3A_346 : vector<512x512xf32>
    %get3A_348 = arith.constant 0 : index
    %get3A_349 = arith.constant 0 : index
    %get3A_350 = arith.constant 0 : index
    %get3A_351 = vector.load %arg11[%get3A_348, %get3A_349, %get3A_350] : memref<4x512x128xf32, #tpu.memory_space<vmem>>, vector<1x512x128xf32>
    %get3A_352 = vector.shape_cast %get3A_351 : vector<1x512x128xf32> to vector<512x128xf32>
    %dot_general3A_353 = arith.constant dense<0.000000e+00> : vector<512x128xf32>
    %dot_general3A_354 = tpu.matmul %max3A_347, %get3A_352, %dot_general3A_353 {dimension_numbers = #tpu.dot_dimension_numbers<[1], [0], [0], [1], [0, 0, 1, 1], [], []>, transpose_lhs_hint = false} : vector<512x512xf32>, vector<512x128xf32>, vector<512x128xf32> -> vector<512x128xf32>
    %add3A_355 = arith.addf %add3A_329, %dot_general3A_354 : vector<512x128xf32>
    %get3A_356 = arith.constant 0 : index
    %get3A_357 = arith.constant 0 : index
    %get3A_358 = arith.constant 0 : index
    %get3A_359 = vector.load %arg13[%get3A_356, %get3A_357, %get3A_358] : memref<4x1x128xf32, #tpu.memory_space<vmem>>, vector<1x1x128xf32>
    %get3A_360 = vector.shape_cast %get3A_359 : vector<1x1x128xf32> to vector<1x128xf32>
    %add3A_361 = vector.broadcast %get3A_360 : vector<1x128xf32> to vector<512x128xf32>
    %add3A_362 = arith.addf %add3A_355, %add3A_361 : vector<512x128xf32>
    %convert_element_type3A_363 = arith.truncf %add3A_362 : vector<512x128xf32> to vector<512x128xbf16>
    %broadcast_in_dim3A_364 = arith.constant 0.000000e+00 : f32
    %broadcast_in_dim3A_365 = vector.broadcast %broadcast_in_dim3A_364 : f32 to vector<512x128xf32>
    %get3A_366 = arith.constant 1 : index
    %get3A_367 = arith.constant 0 : index
    %get3A_368 = arith.constant 0 : index
    %get3A_369 = arith.constant 0 : index
    %get3A_370 = vector.load %arg17[%get3A_366, %get3A_367, %get3A_368, %get3A_369] : memref<4x8x128x384xbf16, #tpu.memory_space<vmem>>, vector<1x1x128x384xbf16>
    %get3A_371 = vector.shape_cast %get3A_370 : vector<1x1x128x384xbf16> to vector<128x384xbf16>
    %dot_general3A_372 = arith.constant dense<0.000000e+00> : vector<512x384xf32>
    %dot_general3A_373 = tpu.matmul %convert_element_type3A_363, %get3A_371, %dot_general3A_372 {dimension_numbers = #tpu.dot_dimension_numbers<[1], [0], [0], [1], [0, 0, 1, 1], [], []>, transpose_lhs_hint = false} : vector<512x128xbf16>, vector<128x384xbf16>, vector<512x384xf32> -> vector<512x384xf32>
    %slice3A_374 = vector.extract_strided_slice %dot_general3A_373 {offsets = [0, 0], sizes = [512, 128], strides = [1, 1]} : vector<512x384xf32> to vector<512x128xf32>
    %convert_element_type3A_375 = arith.truncf %slice3A_374 : vector<512x128xf32> to vector<512x128xbf16>
    %dot_general3A_376 = arith.constant dense<0.000000e+00> : vector<512x512xf32>
    %dot_general3A_377 = tpu.matmul %convert_element_type3A_375, %convert_element_type3A_363, %dot_general3A_376 {dimension_numbers = #tpu.dot_dimension_numbers<[1], [1], [0], [0], [0, 0, 1, 0], [], []>, transpose_lhs_hint = false} : vector<512x128xbf16>, vector<512x128xbf16>, vector<512x512xf32> -> vector<512x512xf32>
    %slice3A_378 = vector.extract_strided_slice %dot_general3A_373 {offsets = [0, 256], sizes = [512, 128], strides = [1, 1]} : vector<512x384xf32> to vector<512x128xf32>
    %add3A_379 = arith.addf %slice3A_378, %concatenate3A : vector<512x128xf32>
    %lt3A_380 = arith.constant 0 : i32
    %lt3A_381 = vector.broadcast %lt3A_380 : i32 to vector<512x512xi32>
    %lt3A_382 = arith.cmpi slt, %select_n3A, %lt3A_381 : vector<512x512xi32>
    %add3A_383 = arith.constant 128 : i32
    %add3A_384 = vector.broadcast %add3A_383 : i32 to vector<512x512xi32>
    %add3A_385 = arith.addi %select_n3A, %add3A_384 : vector<512x512xi32>
    %select_n3A_386 = arith.select %lt3A_382, %add3A_385, %select_n3A : vector<512x512xi1>, vector<512x512xi32>
    %reshape3A_387 = vector.shape_cast %select_n3A_386 : vector<512x512xi32> to vector<512x512x1xi32>
    %gather3A_388 = vector.shape_cast %reshape3A_387 : vector<512x512x1xi32> to vector<512x512xi32>
    %gather3A_389 = tpu.dynamic_gather %add3A_379[%gather3A_388] in [1] : vector<512x128xf32>, vector<512x512xi32> -> vector<512x512xf32>
    %add3A_390 = arith.addf %dot_general3A_377, %gather3A_389 : vector<512x512xf32>
    %convert_element_type3A_391 = arith.truncf %add3A_390 : vector<512x512xf32> to vector<512x512xbf16>
    %exp3A_392 = math.exp %convert_element_type3A_391 : vector<512x512xbf16>
    %slice3A_393 = vector.extract_strided_slice %dot_general3A_373 {offsets = [0, 128], sizes = [512, 128], strides = [1, 1]} : vector<512x384xf32> to vector<512x128xf32>
    %convert_element_type3A_394 = arith.truncf %slice3A_393 : vector<512x128xf32> to vector<512x128xbf16>
    %broadcast_in_dim3A_395 = arith.constant 1.000000e+00 : bf16
    %broadcast_in_dim3A_396 = vector.broadcast %broadcast_in_dim3A_395 : bf16 to vector<512x128xbf16>
    %concatenate3A_397 = tpu.concatenate %convert_element_type3A_394, %broadcast_in_dim3A_396 in 1 : vector<512x128xbf16>, vector<512x128xbf16> -> vector<512x256xbf16>
    %dot_general3A_398 = arith.constant dense<0.000000e+00> : vector<512x256xf32>
    %dot_general3A_399 = tpu.matmul %exp3A_392, %concatenate3A_397, %dot_general3A_398 {dimension_numbers = #tpu.dot_dimension_numbers<[1], [0], [0], [1], [0, 0, 1, 1], [], []>, transpose_lhs_hint = false} : vector<512x512xbf16>, vector<512x256xbf16>, vector<512x256xf32> -> vector<512x256xf32>
    %slice3A_400 = vector.extract_strided_slice %dot_general3A_399 {offsets = [0, 0], sizes = [512, 128], strides = [1, 1]} : vector<512x256xf32> to vector<512x128xf32>
    %slice3A_401 = vector.extract_strided_slice %dot_general3A_399 {offsets = [0, 128], sizes = [512, 128], strides = [1, 1]} : vector<512x256xf32> to vector<512x128xf32>
    %div3A_402 = arith.divf %slice3A_400, %slice3A_401 : vector<512x128xf32>
    %add3A_403 = arith.addf %broadcast_in_dim3A_365, %div3A_402 : vector<512x128xf32>
    %get3A_404 = arith.constant 1 : index
    %get3A_405 = arith.constant 1 : index
    %get3A_406 = arith.constant 0 : index
    %get3A_407 = arith.constant 0 : index
    %get3A_408 = vector.load %arg17[%get3A_404, %get3A_405, %get3A_406, %get3A_407] : memref<4x8x128x384xbf16, #tpu.memory_space<vmem>>, vector<1x1x128x384xbf16>
    %get3A_409 = vector.shape_cast %get3A_408 : vector<1x1x128x384xbf16> to vector<128x384xbf16>
    %dot_general3A_410 = arith.constant dense<0.000000e+00> : vector<512x384xf32>
    %dot_general3A_411 = tpu.matmul %convert_element_type3A_363, %get3A_409, %dot_general3A_410 {dimension_numbers = #tpu.dot_dimension_numbers<[1], [0], [0], [1], [0, 0, 1, 1], [], []>, transpose_lhs_hint = false} : vector<512x128xbf16>, vector<128x384xbf16>, vector<512x384xf32> -> vector<512x384xf32>
    %slice3A_412 = vector.extract_strided_slice %dot_general3A_411 {offsets = [0, 0], sizes = [512, 128], strides = [1, 1]} : vector<512x384xf32> to vector<512x128xf32>
    %convert_element_type3A_413 = arith.truncf %slice3A_412 : vector<512x128xf32> to vector<512x128xbf16>
    %dot_general3A_414 = arith.constant dense<0.000000e+00> : vector<512x512xf32>
    %dot_general3A_415 = tpu.matmul %convert_element_type3A_413, %convert_element_type3A_363, %dot_general3A_414 {dimension_numbers = #tpu.dot_dimension_numbers<[1], [1], [0], [0], [0, 0, 1, 0], [], []>, transpose_lhs_hint = false} : vector<512x128xbf16>, vector<512x128xbf16>, vector<512x512xf32> -> vector<512x512xf32>
    %slice3A_416 = vector.extract_strided_slice %dot_general3A_411 {offsets = [0, 256], sizes = [512, 128], strides = [1, 1]} : vector<512x384xf32> to vector<512x128xf32>
    %add3A_417 = arith.addf %slice3A_416, %concatenate3A : vector<512x128xf32>
    %lt3A_418 = arith.constant 0 : i32
    %lt3A_419 = vector.broadcast %lt3A_418 : i32 to vector<512x512xi32>
    %lt3A_420 = arith.cmpi slt, %select_n3A, %lt3A_419 : vector<512x512xi32>
    %add3A_421 = arith.constant 128 : i32
    %add3A_422 = vector.broadcast %add3A_421 : i32 to vector<512x512xi32>
    %add3A_423 = arith.addi %select_n3A, %add3A_422 : vector<512x512xi32>
    %select_n3A_424 = arith.select %lt3A_420, %add3A_423, %select_n3A : vector<512x512xi1>, vector<512x512xi32>
    %reshape3A_425 = vector.shape_cast %select_n3A_424 : vector<512x512xi32> to vector<512x512x1xi32>
    %gather3A_426 = vector.shape_cast %reshape3A_425 : vector<512x512x1xi32> to vector<512x512xi32>
    %gather3A_427 = tpu.dynamic_gather %add3A_417[%gather3A_426] in [1] : vector<512x128xf32>, vector<512x512xi32> -> vector<512x512xf32>
    %add3A_428 = arith.addf %dot_general3A_415, %gather3A_427 : vector<512x512xf32>
    %convert_element_type3A_429 = arith.truncf %add3A_428 : vector<512x512xf32> to vector<512x512xbf16>
    %exp3A_430 = math.exp %convert_element_type3A_429 : vector<512x512xbf16>
    %slice3A_431 = vector.extract_strided_slice %dot_general3A_411 {offsets = [0, 128], sizes = [512, 128], strides = [1, 1]} : vector<512x384xf32> to vector<512x128xf32>
    %convert_element_type3A_432 = arith.truncf %slice3A_431 : vector<512x128xf32> to vector<512x128xbf16>
    %broadcast_in_dim3A_433 = arith.constant 1.000000e+00 : bf16
    %broadcast_in_dim3A_434 = vector.broadcast %broadcast_in_dim3A_433 : bf16 to vector<512x128xbf16>
    %concatenate3A_435 = tpu.concatenate %convert_element_type3A_432, %broadcast_in_dim3A_434 in 1 : vector<512x128xbf16>, vector<512x128xbf16> -> vector<512x256xbf16>
    %dot_general3A_436 = arith.constant dense<0.000000e+00> : vector<512x256xf32>
    %dot_general3A_437 = tpu.matmul %exp3A_430, %concatenate3A_435, %dot_general3A_436 {dimension_numbers = #tpu.dot_dimension_numbers<[1], [0], [0], [1], [0, 0, 1, 1], [], []>, transpose_lhs_hint = false} : vector<512x512xbf16>, vector<512x256xbf16>, vector<512x256xf32> -> vector<512x256xf32>
    %slice3A_438 = vector.extract_strided_slice %dot_general3A_437 {offsets = [0, 0], sizes = [512, 128], strides = [1, 1]} : vector<512x256xf32> to vector<512x128xf32>
    %slice3A_439 = vector.extract_strided_slice %dot_general3A_437 {offsets = [0, 128], sizes = [512, 128], strides = [1, 1]} : vector<512x256xf32> to vector<512x128xf32>
    %div3A_440 = arith.divf %slice3A_438, %slice3A_439 : vector<512x128xf32>
    %add3A_441 = arith.addf %add3A_403, %div3A_440 : vector<512x128xf32>
    %get3A_442 = arith.constant 1 : index
    %get3A_443 = arith.constant 2 : index
    %get3A_444 = arith.constant 0 : index
    %get3A_445 = arith.constant 0 : index
    %get3A_446 = vector.load %arg17[%get3A_442, %get3A_443, %get3A_444, %get3A_445] : memref<4x8x128x384xbf16, #tpu.memory_space<vmem>>, vector<1x1x128x384xbf16>
    %get3A_447 = vector.shape_cast %get3A_446 : vector<1x1x128x384xbf16> to vector<128x384xbf16>
    %dot_general3A_448 = arith.constant dense<0.000000e+00> : vector<512x384xf32>
    %dot_general3A_449 = tpu.matmul %convert_element_type3A_363, %get3A_447, %dot_general3A_448 {dimension_numbers = #tpu.dot_dimension_numbers<[1], [0], [0], [1], [0, 0, 1, 1], [], []>, transpose_lhs_hint = false} : vector<512x128xbf16>, vector<128x384xbf16>, vector<512x384xf32> -> vector<512x384xf32>
    %slice3A_450 = vector.extract_strided_slice %dot_general3A_449 {offsets = [0, 0], sizes = [512, 128], strides = [1, 1]} : vector<512x384xf32> to vector<512x128xf32>
    %convert_element_type3A_451 = arith.truncf %slice3A_450 : vector<512x128xf32> to vector<512x128xbf16>
    %dot_general3A_452 = arith.constant dense<0.000000e+00> : vector<512x512xf32>
    %dot_general3A_453 = tpu.matmul %convert_element_type3A_451, %convert_element_type3A_363, %dot_general3A_452 {dimension_numbers = #tpu.dot_dimension_numbers<[1], [1], [0], [0], [0, 0, 1, 0], [], []>, transpose_lhs_hint = false} : vector<512x128xbf16>, vector<512x128xbf16>, vector<512x512xf32> -> vector<512x512xf32>
    %slice3A_454 = vector.extract_strided_slice %dot_general3A_449 {offsets = [0, 256], sizes = [512, 128], strides = [1, 1]} : vector<512x384xf32> to vector<512x128xf32>
    %add3A_455 = arith.addf %slice3A_454, %concatenate3A : vector<512x128xf32>
    %lt3A_456 = arith.constant 0 : i32
    %lt3A_457 = vector.broadcast %lt3A_456 : i32 to vector<512x512xi32>
    %lt3A_458 = arith.cmpi slt, %select_n3A, %lt3A_457 : vector<512x512xi32>
    %add3A_459 = arith.constant 128 : i32
    %add3A_460 = vector.broadcast %add3A_459 : i32 to vector<512x512xi32>
    %add3A_461 = arith.addi %select_n3A, %add3A_460 : vector<512x512xi32>
    %select_n3A_462 = arith.select %lt3A_458, %add3A_461, %select_n3A : vector<512x512xi1>, vector<512x512xi32>
    %reshape3A_463 = vector.shape_cast %select_n3A_462 : vector<512x512xi32> to vector<512x512x1xi32>
    %gather3A_464 = vector.shape_cast %reshape3A_463 : vector<512x512x1xi32> to vector<512x512xi32>
    %gather3A_465 = tpu.dynamic_gather %add3A_455[%gather3A_464] in [1] : vector<512x128xf32>, vector<512x512xi32> -> vector<512x512xf32>
    %add3A_466 = arith.addf %dot_general3A_453, %gather3A_465 : vector<512x512xf32>
    %convert_element_type3A_467 = arith.truncf %add3A_466 : vector<512x512xf32> to vector<512x512xbf16>
    %exp3A_468 = math.exp %convert_element_type3A_467 : vector<512x512xbf16>
    %slice3A_469 = vector.extract_strided_slice %dot_general3A_449 {offsets = [0, 128], sizes = [512, 128], strides = [1, 1]} : vector<512x384xf32> to vector<512x128xf32>
    %convert_element_type3A_470 = arith.truncf %slice3A_469 : vector<512x128xf32> to vector<512x128xbf16>
    %broadcast_in_dim3A_471 = arith.constant 1.000000e+00 : bf16
    %broadcast_in_dim3A_472 = vector.broadcast %broadcast_in_dim3A_471 : bf16 to vector<512x128xbf16>
    %concatenate3A_473 = tpu.concatenate %convert_element_type3A_470, %broadcast_in_dim3A_472 in 1 : vector<512x128xbf16>, vector<512x128xbf16> -> vector<512x256xbf16>
    %dot_general3A_474 = arith.constant dense<0.000000e+00> : vector<512x256xf32>
    %dot_general3A_475 = tpu.matmul %exp3A_468, %concatenate3A_473, %dot_general3A_474 {dimension_numbers = #tpu.dot_dimension_numbers<[1], [0], [0], [1], [0, 0, 1, 1], [], []>, transpose_lhs_hint = false} : vector<512x512xbf16>, vector<512x256xbf16>, vector<512x256xf32> -> vector<512x256xf32>
    %slice3A_476 = vector.extract_strided_slice %dot_general3A_475 {offsets = [0, 0], sizes = [512, 128], strides = [1, 1]} : vector<512x256xf32> to vector<512x128xf32>
    %slice3A_477 = vector.extract_strided_slice %dot_general3A_475 {offsets = [0, 128], sizes = [512, 128], strides = [1, 1]} : vector<512x256xf32> to vector<512x128xf32>
    %div3A_478 = arith.divf %slice3A_476, %slice3A_477 : vector<512x128xf32>
    %add3A_479 = arith.addf %add3A_441, %div3A_478 : vector<512x128xf32>
    %get3A_480 = arith.constant 1 : index
    %get3A_481 = arith.constant 3 : index
    %get3A_482 = arith.constant 0 : index
    %get3A_483 = arith.constant 0 : index
    %get3A_484 = vector.load %arg17[%get3A_480, %get3A_481, %get3A_482, %get3A_483] : memref<4x8x128x384xbf16, #tpu.memory_space<vmem>>, vector<1x1x128x384xbf16>
    %get3A_485 = vector.shape_cast %get3A_484 : vector<1x1x128x384xbf16> to vector<128x384xbf16>
    %dot_general3A_486 = arith.constant dense<0.000000e+00> : vector<512x384xf32>
    %dot_general3A_487 = tpu.matmul %convert_element_type3A_363, %get3A_485, %dot_general3A_486 {dimension_numbers = #tpu.dot_dimension_numbers<[1], [0], [0], [1], [0, 0, 1, 1], [], []>, transpose_lhs_hint = false} : vector<512x128xbf16>, vector<128x384xbf16>, vector<512x384xf32> -> vector<512x384xf32>
    %slice3A_488 = vector.extract_strided_slice %dot_general3A_487 {offsets = [0, 0], sizes = [512, 128], strides = [1, 1]} : vector<512x384xf32> to vector<512x128xf32>
    %convert_element_type3A_489 = arith.truncf %slice3A_488 : vector<512x128xf32> to vector<512x128xbf16>
    %dot_general3A_490 = arith.constant dense<0.000000e+00> : vector<512x512xf32>
    %dot_general3A_491 = tpu.matmul %convert_element_type3A_489, %convert_element_type3A_363, %dot_general3A_490 {dimension_numbers = #tpu.dot_dimension_numbers<[1], [1], [0], [0], [0, 0, 1, 0], [], []>, transpose_lhs_hint = false} : vector<512x128xbf16>, vector<512x128xbf16>, vector<512x512xf32> -> vector<512x512xf32>
    %slice3A_492 = vector.extract_strided_slice %dot_general3A_487 {offsets = [0, 256], sizes = [512, 128], strides = [1, 1]} : vector<512x384xf32> to vector<512x128xf32>
    %add3A_493 = arith.addf %slice3A_492, %concatenate3A : vector<512x128xf32>
    %lt3A_494 = arith.constant 0 : i32
    %lt3A_495 = vector.broadcast %lt3A_494 : i32 to vector<512x512xi32>
    %lt3A_496 = arith.cmpi slt, %select_n3A, %lt3A_495 : vector<512x512xi32>
    %add3A_497 = arith.constant 128 : i32
    %add3A_498 = vector.broadcast %add3A_497 : i32 to vector<512x512xi32>
    %add3A_499 = arith.addi %select_n3A, %add3A_498 : vector<512x512xi32>
    %select_n3A_500 = arith.select %lt3A_496, %add3A_499, %select_n3A : vector<512x512xi1>, vector<512x512xi32>
    %reshape3A_501 = vector.shape_cast %select_n3A_500 : vector<512x512xi32> to vector<512x512x1xi32>
    %gather3A_502 = vector.shape_cast %reshape3A_501 : vector<512x512x1xi32> to vector<512x512xi32>
    %gather3A_503 = tpu.dynamic_gather %add3A_493[%gather3A_502] in [1] : vector<512x128xf32>, vector<512x512xi32> -> vector<512x512xf32>
    %add3A_504 = arith.addf %dot_general3A_491, %gather3A_503 : vector<512x512xf32>
    %convert_element_type3A_505 = arith.truncf %add3A_504 : vector<512x512xf32> to vector<512x512xbf16>
    %exp3A_506 = math.exp %convert_element_type3A_505 : vector<512x512xbf16>
    %slice3A_507 = vector.extract_strided_slice %dot_general3A_487 {offsets = [0, 128], sizes = [512, 128], strides = [1, 1]} : vector<512x384xf32> to vector<512x128xf32>
    %convert_element_type3A_508 = arith.truncf %slice3A_507 : vector<512x128xf32> to vector<512x128xbf16>
    %broadcast_in_dim3A_509 = arith.constant 1.000000e+00 : bf16
    %broadcast_in_dim3A_510 = vector.broadcast %broadcast_in_dim3A_509 : bf16 to vector<512x128xbf16>
    %concatenate3A_511 = tpu.concatenate %convert_element_type3A_508, %broadcast_in_dim3A_510 in 1 : vector<512x128xbf16>, vector<512x128xbf16> -> vector<512x256xbf16>
    %dot_general3A_512 = arith.constant dense<0.000000e+00> : vector<512x256xf32>
    %dot_general3A_513 = tpu.matmul %exp3A_506, %concatenate3A_511, %dot_general3A_512 {dimension_numbers = #tpu.dot_dimension_numbers<[1], [0], [0], [1], [0, 0, 1, 1], [], []>, transpose_lhs_hint = false} : vector<512x512xbf16>, vector<512x256xbf16>, vector<512x256xf32> -> vector<512x256xf32>
    %slice3A_514 = vector.extract_strided_slice %dot_general3A_513 {offsets = [0, 0], sizes = [512, 128], strides = [1, 1]} : vector<512x256xf32> to vector<512x128xf32>
    %slice3A_515 = vector.extract_strided_slice %dot_general3A_513 {offsets = [0, 128], sizes = [512, 128], strides = [1, 1]} : vector<512x256xf32> to vector<512x128xf32>
    %div3A_516 = arith.divf %slice3A_514, %slice3A_515 : vector<512x128xf32>
    %add3A_517 = arith.addf %add3A_479, %div3A_516 : vector<512x128xf32>
    %get3A_518 = arith.constant 1 : index
    %get3A_519 = arith.constant 4 : index
    %get3A_520 = arith.constant 0 : index
    %get3A_521 = arith.constant 0 : index
    %get3A_522 = vector.load %arg17[%get3A_518, %get3A_519, %get3A_520, %get3A_521] : memref<4x8x128x384xbf16, #tpu.memory_space<vmem>>, vector<1x1x128x384xbf16>
    %get3A_523 = vector.shape_cast %get3A_522 : vector<1x1x128x384xbf16> to vector<128x384xbf16>
    %dot_general3A_524 = arith.constant dense<0.000000e+00> : vector<512x384xf32>
    %dot_general3A_525 = tpu.matmul %convert_element_type3A_363, %get3A_523, %dot_general3A_524 {dimension_numbers = #tpu.dot_dimension_numbers<[1], [0], [0], [1], [0, 0, 1, 1], [], []>, transpose_lhs_hint = false} : vector<512x128xbf16>, vector<128x384xbf16>, vector<512x384xf32> -> vector<512x384xf32>
    %slice3A_526 = vector.extract_strided_slice %dot_general3A_525 {offsets = [0, 0], sizes = [512, 128], strides = [1, 1]} : vector<512x384xf32> to vector<512x128xf32>
    %convert_element_type3A_527 = arith.truncf %slice3A_526 : vector<512x128xf32> to vector<512x128xbf16>
    %dot_general3A_528 = arith.constant dense<0.000000e+00> : vector<512x512xf32>
    %dot_general3A_529 = tpu.matmul %convert_element_type3A_527, %convert_element_type3A_363, %dot_general3A_528 {dimension_numbers = #tpu.dot_dimension_numbers<[1], [1], [0], [0], [0, 0, 1, 0], [], []>, transpose_lhs_hint = false} : vector<512x128xbf16>, vector<512x128xbf16>, vector<512x512xf32> -> vector<512x512xf32>
    %slice3A_530 = vector.extract_strided_slice %dot_general3A_525 {offsets = [0, 256], sizes = [512, 128], strides = [1, 1]} : vector<512x384xf32> to vector<512x128xf32>
    %add3A_531 = arith.addf %slice3A_530, %concatenate3A : vector<512x128xf32>
    %lt3A_532 = arith.constant 0 : i32
    %lt3A_533 = vector.broadcast %lt3A_532 : i32 to vector<512x512xi32>
    %lt3A_534 = arith.cmpi slt, %select_n3A, %lt3A_533 : vector<512x512xi32>
    %add3A_535 = arith.constant 128 : i32
    %add3A_536 = vector.broadcast %add3A_535 : i32 to vector<512x512xi32>
    %add3A_537 = arith.addi %select_n3A, %add3A_536 : vector<512x512xi32>
    %select_n3A_538 = arith.select %lt3A_534, %add3A_537, %select_n3A : vector<512x512xi1>, vector<512x512xi32>
    %reshape3A_539 = vector.shape_cast %select_n3A_538 : vector<512x512xi32> to vector<512x512x1xi32>
    %gather3A_540 = vector.shape_cast %reshape3A_539 : vector<512x512x1xi32> to vector<512x512xi32>
    %gather3A_541 = tpu.dynamic_gather %add3A_531[%gather3A_540] in [1] : vector<512x128xf32>, vector<512x512xi32> -> vector<512x512xf32>
    %add3A_542 = arith.addf %dot_general3A_529, %gather3A_541 : vector<512x512xf32>
    %convert_element_type3A_543 = arith.truncf %add3A_542 : vector<512x512xf32> to vector<512x512xbf16>
    %exp3A_544 = math.exp %convert_element_type3A_543 : vector<512x512xbf16>
    %slice3A_545 = vector.extract_strided_slice %dot_general3A_525 {offsets = [0, 128], sizes = [512, 128], strides = [1, 1]} : vector<512x384xf32> to vector<512x128xf32>
    %convert_element_type3A_546 = arith.truncf %slice3A_545 : vector<512x128xf32> to vector<512x128xbf16>
    %broadcast_in_dim3A_547 = arith.constant 1.000000e+00 : bf16
    %broadcast_in_dim3A_548 = vector.broadcast %broadcast_in_dim3A_547 : bf16 to vector<512x128xbf16>
    %concatenate3A_549 = tpu.concatenate %convert_element_type3A_546, %broadcast_in_dim3A_548 in 1 : vector<512x128xbf16>, vector<512x128xbf16> -> vector<512x256xbf16>
    %dot_general3A_550 = arith.constant dense<0.000000e+00> : vector<512x256xf32>
    %dot_general3A_551 = tpu.matmul %exp3A_544, %concatenate3A_549, %dot_general3A_550 {dimension_numbers = #tpu.dot_dimension_numbers<[1], [0], [0], [1], [0, 0, 1, 1], [], []>, transpose_lhs_hint = false} : vector<512x512xbf16>, vector<512x256xbf16>, vector<512x256xf32> -> vector<512x256xf32>
    %slice3A_552 = vector.extract_strided_slice %dot_general3A_551 {offsets = [0, 0], sizes = [512, 128], strides = [1, 1]} : vector<512x256xf32> to vector<512x128xf32>
    %slice3A_553 = vector.extract_strided_slice %dot_general3A_551 {offsets = [0, 128], sizes = [512, 128], strides = [1, 1]} : vector<512x256xf32> to vector<512x128xf32>
    %div3A_554 = arith.divf %slice3A_552, %slice3A_553 : vector<512x128xf32>
    %add3A_555 = arith.addf %add3A_517, %div3A_554 : vector<512x128xf32>
    %get3A_556 = arith.constant 1 : index
    %get3A_557 = arith.constant 5 : index
    %get3A_558 = arith.constant 0 : index
    %get3A_559 = arith.constant 0 : index
    %get3A_560 = vector.load %arg17[%get3A_556, %get3A_557, %get3A_558, %get3A_559] : memref<4x8x128x384xbf16, #tpu.memory_space<vmem>>, vector<1x1x128x384xbf16>
    %get3A_561 = vector.shape_cast %get3A_560 : vector<1x1x128x384xbf16> to vector<128x384xbf16>
    %dot_general3A_562 = arith.constant dense<0.000000e+00> : vector<512x384xf32>
    %dot_general3A_563 = tpu.matmul %convert_element_type3A_363, %get3A_561, %dot_general3A_562 {dimension_numbers = #tpu.dot_dimension_numbers<[1], [0], [0], [1], [0, 0, 1, 1], [], []>, transpose_lhs_hint = false} : vector<512x128xbf16>, vector<128x384xbf16>, vector<512x384xf32> -> vector<512x384xf32>
    %slice3A_564 = vector.extract_strided_slice %dot_general3A_563 {offsets = [0, 0], sizes = [512, 128], strides = [1, 1]} : vector<512x384xf32> to vector<512x128xf32>
    %convert_element_type3A_565 = arith.truncf %slice3A_564 : vector<512x128xf32> to vector<512x128xbf16>
    %dot_general3A_566 = arith.constant dense<0.000000e+00> : vector<512x512xf32>
    %dot_general3A_567 = tpu.matmul %convert_element_type3A_565, %convert_element_type3A_363, %dot_general3A_566 {dimension_numbers = #tpu.dot_dimension_numbers<[1], [1], [0], [0], [0, 0, 1, 0], [], []>, transpose_lhs_hint = false} : vector<512x128xbf16>, vector<512x128xbf16>, vector<512x512xf32> -> vector<512x512xf32>
    %slice3A_568 = vector.extract_strided_slice %dot_general3A_563 {offsets = [0, 256], sizes = [512, 128], strides = [1, 1]} : vector<512x384xf32> to vector<512x128xf32>
    %add3A_569 = arith.addf %slice3A_568, %concatenate3A : vector<512x128xf32>
    %lt3A_570 = arith.constant 0 : i32
    %lt3A_571 = vector.broadcast %lt3A_570 : i32 to vector<512x512xi32>
    %lt3A_572 = arith.cmpi slt, %select_n3A, %lt3A_571 : vector<512x512xi32>
    %add3A_573 = arith.constant 128 : i32
    %add3A_574 = vector.broadcast %add3A_573 : i32 to vector<512x512xi32>
    %add3A_575 = arith.addi %select_n3A, %add3A_574 : vector<512x512xi32>
    %select_n3A_576 = arith.select %lt3A_572, %add3A_575, %select_n3A : vector<512x512xi1>, vector<512x512xi32>
    %reshape3A_577 = vector.shape_cast %select_n3A_576 : vector<512x512xi32> to vector<512x512x1xi32>
    %gather3A_578 = vector.shape_cast %reshape3A_577 : vector<512x512x1xi32> to vector<512x512xi32>
    %gather3A_579 = tpu.dynamic_gather %add3A_569[%gather3A_578] in [1] : vector<512x128xf32>, vector<512x512xi32> -> vector<512x512xf32>
    %add3A_580 = arith.addf %dot_general3A_567, %gather3A_579 : vector<512x512xf32>
    %convert_element_type3A_581 = arith.truncf %add3A_580 : vector<512x512xf32> to vector<512x512xbf16>
    %exp3A_582 = math.exp %convert_element_type3A_581 : vector<512x512xbf16>
    %slice3A_583 = vector.extract_strided_slice %dot_general3A_563 {offsets = [0, 128], sizes = [512, 128], strides = [1, 1]} : vector<512x384xf32> to vector<512x128xf32>
    %convert_element_type3A_584 = arith.truncf %slice3A_583 : vector<512x128xf32> to vector<512x128xbf16>
    %broadcast_in_dim3A_585 = arith.constant 1.000000e+00 : bf16
    %broadcast_in_dim3A_586 = vector.broadcast %broadcast_in_dim3A_585 : bf16 to vector<512x128xbf16>
    %concatenate3A_587 = tpu.concatenate %convert_element_type3A_584, %broadcast_in_dim3A_586 in 1 : vector<512x128xbf16>, vector<512x128xbf16> -> vector<512x256xbf16>
    %dot_general3A_588 = arith.constant dense<0.000000e+00> : vector<512x256xf32>
    %dot_general3A_589 = tpu.matmul %exp3A_582, %concatenate3A_587, %dot_general3A_588 {dimension_numbers = #tpu.dot_dimension_numbers<[1], [0], [0], [1], [0, 0, 1, 1], [], []>, transpose_lhs_hint = false} : vector<512x512xbf16>, vector<512x256xbf16>, vector<512x256xf32> -> vector<512x256xf32>
    %slice3A_590 = vector.extract_strided_slice %dot_general3A_589 {offsets = [0, 0], sizes = [512, 128], strides = [1, 1]} : vector<512x256xf32> to vector<512x128xf32>
    %slice3A_591 = vector.extract_strided_slice %dot_general3A_589 {offsets = [0, 128], sizes = [512, 128], strides = [1, 1]} : vector<512x256xf32> to vector<512x128xf32>
    %div3A_592 = arith.divf %slice3A_590, %slice3A_591 : vector<512x128xf32>
    %add3A_593 = arith.addf %add3A_555, %div3A_592 : vector<512x128xf32>
    %get3A_594 = arith.constant 1 : index
    %get3A_595 = arith.constant 6 : index
    %get3A_596 = arith.constant 0 : index
    %get3A_597 = arith.constant 0 : index
    %get3A_598 = vector.load %arg17[%get3A_594, %get3A_595, %get3A_596, %get3A_597] : memref<4x8x128x384xbf16, #tpu.memory_space<vmem>>, vector<1x1x128x384xbf16>
    %get3A_599 = vector.shape_cast %get3A_598 : vector<1x1x128x384xbf16> to vector<128x384xbf16>
    %dot_general3A_600 = arith.constant dense<0.000000e+00> : vector<512x384xf32>
    %dot_general3A_601 = tpu.matmul %convert_element_type3A_363, %get3A_599, %dot_general3A_600 {dimension_numbers = #tpu.dot_dimension_numbers<[1], [0], [0], [1], [0, 0, 1, 1], [], []>, transpose_lhs_hint = false} : vector<512x128xbf16>, vector<128x384xbf16>, vector<512x384xf32> -> vector<512x384xf32>
    %slice3A_602 = vector.extract_strided_slice %dot_general3A_601 {offsets = [0, 0], sizes = [512, 128], strides = [1, 1]} : vector<512x384xf32> to vector<512x128xf32>
    %convert_element_type3A_603 = arith.truncf %slice3A_602 : vector<512x128xf32> to vector<512x128xbf16>
    %dot_general3A_604 = arith.constant dense<0.000000e+00> : vector<512x512xf32>
    %dot_general3A_605 = tpu.matmul %convert_element_type3A_603, %convert_element_type3A_363, %dot_general3A_604 {dimension_numbers = #tpu.dot_dimension_numbers<[1], [1], [0], [0], [0, 0, 1, 0], [], []>, transpose_lhs_hint = false} : vector<512x128xbf16>, vector<512x128xbf16>, vector<512x512xf32> -> vector<512x512xf32>
    %slice3A_606 = vector.extract_strided_slice %dot_general3A_601 {offsets = [0, 256], sizes = [512, 128], strides = [1, 1]} : vector<512x384xf32> to vector<512x128xf32>
    %add3A_607 = arith.addf %slice3A_606, %concatenate3A : vector<512x128xf32>
    %lt3A_608 = arith.constant 0 : i32
    %lt3A_609 = vector.broadcast %lt3A_608 : i32 to vector<512x512xi32>
    %lt3A_610 = arith.cmpi slt, %select_n3A, %lt3A_609 : vector<512x512xi32>
    %add3A_611 = arith.constant 128 : i32
    %add3A_612 = vector.broadcast %add3A_611 : i32 to vector<512x512xi32>
    %add3A_613 = arith.addi %select_n3A, %add3A_612 : vector<512x512xi32>
    %select_n3A_614 = arith.select %lt3A_610, %add3A_613, %select_n3A : vector<512x512xi1>, vector<512x512xi32>
    %reshape3A_615 = vector.shape_cast %select_n3A_614 : vector<512x512xi32> to vector<512x512x1xi32>
    %gather3A_616 = vector.shape_cast %reshape3A_615 : vector<512x512x1xi32> to vector<512x512xi32>
    %gather3A_617 = tpu.dynamic_gather %add3A_607[%gather3A_616] in [1] : vector<512x128xf32>, vector<512x512xi32> -> vector<512x512xf32>
    %add3A_618 = arith.addf %dot_general3A_605, %gather3A_617 : vector<512x512xf32>
    %convert_element_type3A_619 = arith.truncf %add3A_618 : vector<512x512xf32> to vector<512x512xbf16>
    %exp3A_620 = math.exp %convert_element_type3A_619 : vector<512x512xbf16>
    %slice3A_621 = vector.extract_strided_slice %dot_general3A_601 {offsets = [0, 128], sizes = [512, 128], strides = [1, 1]} : vector<512x384xf32> to vector<512x128xf32>
    %convert_element_type3A_622 = arith.truncf %slice3A_621 : vector<512x128xf32> to vector<512x128xbf16>
    %broadcast_in_dim3A_623 = arith.constant 1.000000e+00 : bf16
    %broadcast_in_dim3A_624 = vector.broadcast %broadcast_in_dim3A_623 : bf16 to vector<512x128xbf16>
    %concatenate3A_625 = tpu.concatenate %convert_element_type3A_622, %broadcast_in_dim3A_624 in 1 : vector<512x128xbf16>, vector<512x128xbf16> -> vector<512x256xbf16>
    %dot_general3A_626 = arith.constant dense<0.000000e+00> : vector<512x256xf32>
    %dot_general3A_627 = tpu.matmul %exp3A_620, %concatenate3A_625, %dot_general3A_626 {dimension_numbers = #tpu.dot_dimension_numbers<[1], [0], [0], [1], [0, 0, 1, 1], [], []>, transpose_lhs_hint = false} : vector<512x512xbf16>, vector<512x256xbf16>, vector<512x256xf32> -> vector<512x256xf32>
    %slice3A_628 = vector.extract_strided_slice %dot_general3A_627 {offsets = [0, 0], sizes = [512, 128], strides = [1, 1]} : vector<512x256xf32> to vector<512x128xf32>
    %slice3A_629 = vector.extract_strided_slice %dot_general3A_627 {offsets = [0, 128], sizes = [512, 128], strides = [1, 1]} : vector<512x256xf32> to vector<512x128xf32>
    %div3A_630 = arith.divf %slice3A_628, %slice3A_629 : vector<512x128xf32>
    %add3A_631 = arith.addf %add3A_593, %div3A_630 : vector<512x128xf32>
    %get3A_632 = arith.constant 1 : index
    %get3A_633 = arith.constant 7 : index
    %get3A_634 = arith.constant 0 : index
    %get3A_635 = arith.constant 0 : index
    %get3A_636 = vector.load %arg17[%get3A_632, %get3A_633, %get3A_634, %get3A_635] : memref<4x8x128x384xbf16, #tpu.memory_space<vmem>>, vector<1x1x128x384xbf16>
    %get3A_637 = vector.shape_cast %get3A_636 : vector<1x1x128x384xbf16> to vector<128x384xbf16>
    %dot_general3A_638 = arith.constant dense<0.000000e+00> : vector<512x384xf32>
    %dot_general3A_639 = tpu.matmul %convert_element_type3A_363, %get3A_637, %dot_general3A_638 {dimension_numbers = #tpu.dot_dimension_numbers<[1], [0], [0], [1], [0, 0, 1, 1], [], []>, transpose_lhs_hint = false} : vector<512x128xbf16>, vector<128x384xbf16>, vector<512x384xf32> -> vector<512x384xf32>
    %slice3A_640 = vector.extract_strided_slice %dot_general3A_639 {offsets = [0, 0], sizes = [512, 128], strides = [1, 1]} : vector<512x384xf32> to vector<512x128xf32>
    %convert_element_type3A_641 = arith.truncf %slice3A_640 : vector<512x128xf32> to vector<512x128xbf16>
    %dot_general3A_642 = arith.constant dense<0.000000e+00> : vector<512x512xf32>
    %dot_general3A_643 = tpu.matmul %convert_element_type3A_641, %convert_element_type3A_363, %dot_general3A_642 {dimension_numbers = #tpu.dot_dimension_numbers<[1], [1], [0], [0], [0, 0, 1, 0], [], []>, transpose_lhs_hint = false} : vector<512x128xbf16>, vector<512x128xbf16>, vector<512x512xf32> -> vector<512x512xf32>
    %slice3A_644 = vector.extract_strided_slice %dot_general3A_639 {offsets = [0, 256], sizes = [512, 128], strides = [1, 1]} : vector<512x384xf32> to vector<512x128xf32>
    %add3A_645 = arith.addf %slice3A_644, %concatenate3A : vector<512x128xf32>
    %lt3A_646 = arith.constant 0 : i32
    %lt3A_647 = vector.broadcast %lt3A_646 : i32 to vector<512x512xi32>
    %lt3A_648 = arith.cmpi slt, %select_n3A, %lt3A_647 : vector<512x512xi32>
    %add3A_649 = arith.constant 128 : i32
    %add3A_650 = vector.broadcast %add3A_649 : i32 to vector<512x512xi32>
    %add3A_651 = arith.addi %select_n3A, %add3A_650 : vector<512x512xi32>
    %select_n3A_652 = arith.select %lt3A_648, %add3A_651, %select_n3A : vector<512x512xi1>, vector<512x512xi32>
    %reshape3A_653 = vector.shape_cast %select_n3A_652 : vector<512x512xi32> to vector<512x512x1xi32>
    %gather3A_654 = vector.shape_cast %reshape3A_653 : vector<512x512x1xi32> to vector<512x512xi32>
    %gather3A_655 = tpu.dynamic_gather %add3A_645[%gather3A_654] in [1] : vector<512x128xf32>, vector<512x512xi32> -> vector<512x512xf32>
    %add3A_656 = arith.addf %dot_general3A_643, %gather3A_655 : vector<512x512xf32>
    %convert_element_type3A_657 = arith.truncf %add3A_656 : vector<512x512xf32> to vector<512x512xbf16>
    %exp3A_658 = math.exp %convert_element_type3A_657 : vector<512x512xbf16>
    %slice3A_659 = vector.extract_strided_slice %dot_general3A_639 {offsets = [0, 128], sizes = [512, 128], strides = [1, 1]} : vector<512x384xf32> to vector<512x128xf32>
    %convert_element_type3A_660 = arith.truncf %slice3A_659 : vector<512x128xf32> to vector<512x128xbf16>
    %broadcast_in_dim3A_661 = arith.constant 1.000000e+00 : bf16
    %broadcast_in_dim3A_662 = vector.broadcast %broadcast_in_dim3A_661 : bf16 to vector<512x128xbf16>
    %concatenate3A_663 = tpu.concatenate %convert_element_type3A_660, %broadcast_in_dim3A_662 in 1 : vector<512x128xbf16>, vector<512x128xbf16> -> vector<512x256xbf16>
    %dot_general3A_664 = arith.constant dense<0.000000e+00> : vector<512x256xf32>
    %dot_general3A_665 = tpu.matmul %exp3A_658, %concatenate3A_663, %dot_general3A_664 {dimension_numbers = #tpu.dot_dimension_numbers<[1], [0], [0], [1], [0, 0, 1, 1], [], []>, transpose_lhs_hint = false} : vector<512x512xbf16>, vector<512x256xbf16>, vector<512x256xf32> -> vector<512x256xf32>
    %slice3A_666 = vector.extract_strided_slice %dot_general3A_665 {offsets = [0, 0], sizes = [512, 128], strides = [1, 1]} : vector<512x256xf32> to vector<512x128xf32>
    %slice3A_667 = vector.extract_strided_slice %dot_general3A_665 {offsets = [0, 128], sizes = [512, 128], strides = [1, 1]} : vector<512x256xf32> to vector<512x128xf32>
    %div3A_668 = arith.divf %slice3A_666, %slice3A_667 : vector<512x128xf32>
    %add3A_669 = arith.addf %add3A_631, %div3A_668 : vector<512x128xf32>
    %add3A_670 = arith.addf %add3A_362, %add3A_669 : vector<512x128xf32>
    %convert_element_type3A_671 = arith.truncf %add3A_670 : vector<512x128xf32> to vector<512x128xbf16>
    %get3A_672 = arith.constant 1 : index
    %get3A_673 = arith.constant 0 : index
    %get3A_674 = arith.constant 0 : index
    %get3A_675 = vector.load %arg10[%get3A_672, %get3A_673, %get3A_674] : memref<4x128x512xf32, #tpu.memory_space<vmem>>, vector<1x128x512xf32>
    %get3A_676 = vector.shape_cast %get3A_675 : vector<1x128x512xf32> to vector<128x512xf32>
    %convert_element_type3A_677 = arith.truncf %get3A_676 : vector<128x512xf32> to vector<128x512xbf16>
    %dot_general3A_678 = arith.constant dense<0.000000e+00> : vector<512x512xf32>
    %dot_general3A_679 = tpu.matmul %convert_element_type3A_671, %convert_element_type3A_677, %dot_general3A_678 {dimension_numbers = #tpu.dot_dimension_numbers<[1], [0], [0], [1], [0, 0, 1, 1], [], []>, transpose_lhs_hint = false} : vector<512x128xbf16>, vector<128x512xbf16>, vector<512x512xf32> -> vector<512x512xf32>
    %get3A_680 = arith.constant 1 : index
    %get3A_681 = arith.constant 0 : index
    %get3A_682 = arith.constant 0 : index
    %get3A_683 = vector.load %arg12[%get3A_680, %get3A_681, %get3A_682] : memref<4x1x512xf32, #tpu.memory_space<vmem>>, vector<1x1x512xf32>
    %get3A_684 = vector.shape_cast %get3A_683 : vector<1x1x512xf32> to vector<1x512xf32>
    %add3A_685 = vector.broadcast %get3A_684 : vector<1x512xf32> to vector<512x512xf32>
    %add3A_686 = arith.addf %dot_general3A_679, %add3A_685 : vector<512x512xf32>
    %max3A_687 = arith.constant 0.000000e+00 : f32
    %max3A_688 = vector.broadcast %max3A_687 : f32 to vector<512x512xf32>
    %max3A_689 = arith.maximumf %add3A_686, %max3A_688 : vector<512x512xf32>
    %get3A_690 = arith.constant 1 : index
    %get3A_691 = arith.constant 0 : index
    %get3A_692 = arith.constant 0 : index
    %get3A_693 = vector.load %arg11[%get3A_690, %get3A_691, %get3A_692] : memref<4x512x128xf32, #tpu.memory_space<vmem>>, vector<1x512x128xf32>
    %get3A_694 = vector.shape_cast %get3A_693 : vector<1x512x128xf32> to vector<512x128xf32>
    %dot_general3A_695 = arith.constant dense<0.000000e+00> : vector<512x128xf32>
    %dot_general3A_696 = tpu.matmul %max3A_689, %get3A_694, %dot_general3A_695 {dimension_numbers = #tpu.dot_dimension_numbers<[1], [0], [0], [1], [0, 0, 1, 1], [], []>, transpose_lhs_hint = false} : vector<512x512xf32>, vector<512x128xf32>, vector<512x128xf32> -> vector<512x128xf32>
    %add3A_697 = arith.addf %add3A_670, %dot_general3A_696 : vector<512x128xf32>
    %get3A_698 = arith.constant 1 : index
    %get3A_699 = arith.constant 0 : index
    %get3A_700 = arith.constant 0 : index
    %get3A_701 = vector.load %arg13[%get3A_698, %get3A_699, %get3A_700] : memref<4x1x128xf32, #tpu.memory_space<vmem>>, vector<1x1x128xf32>
    %get3A_702 = vector.shape_cast %get3A_701 : vector<1x1x128xf32> to vector<1x128xf32>
    %add3A_703 = vector.broadcast %get3A_702 : vector<1x128xf32> to vector<512x128xf32>
    %add3A_704 = arith.addf %add3A_697, %add3A_703 : vector<512x128xf32>
    %convert_element_type3A_705 = arith.truncf %add3A_704 : vector<512x128xf32> to vector<512x128xbf16>
    %broadcast_in_dim3A_706 = arith.constant 0.000000e+00 : f32
    %broadcast_in_dim3A_707 = vector.broadcast %broadcast_in_dim3A_706 : f32 to vector<512x128xf32>
    %get3A_708 = arith.constant 2 : index
    %get3A_709 = arith.constant 0 : index
    %get3A_710 = arith.constant 0 : index
    %get3A_711 = arith.constant 0 : index
    %get3A_712 = vector.load %arg17[%get3A_708, %get3A_709, %get3A_710, %get3A_711] : memref<4x8x128x384xbf16, #tpu.memory_space<vmem>>, vector<1x1x128x384xbf16>
    %get3A_713 = vector.shape_cast %get3A_712 : vector<1x1x128x384xbf16> to vector<128x384xbf16>
    %dot_general3A_714 = arith.constant dense<0.000000e+00> : vector<512x384xf32>
    %dot_general3A_715 = tpu.matmul %convert_element_type3A_705, %get3A_713, %dot_general3A_714 {dimension_numbers = #tpu.dot_dimension_numbers<[1], [0], [0], [1], [0, 0, 1, 1], [], []>, transpose_lhs_hint = false} : vector<512x128xbf16>, vector<128x384xbf16>, vector<512x384xf32> -> vector<512x384xf32>
    %slice3A_716 = vector.extract_strided_slice %dot_general3A_715 {offsets = [0, 0], sizes = [512, 128], strides = [1, 1]} : vector<512x384xf32> to vector<512x128xf32>
    %convert_element_type3A_717 = arith.truncf %slice3A_716 : vector<512x128xf32> to vector<512x128xbf16>
    %dot_general3A_718 = arith.constant dense<0.000000e+00> : vector<512x512xf32>
    %dot_general3A_719 = tpu.matmul %convert_element_type3A_717, %convert_element_type3A_705, %dot_general3A_718 {dimension_numbers = #tpu.dot_dimension_numbers<[1], [1], [0], [0], [0, 0, 1, 0], [], []>, transpose_lhs_hint = false} : vector<512x128xbf16>, vector<512x128xbf16>, vector<512x512xf32> -> vector<512x512xf32>
    %slice3A_720 = vector.extract_strided_slice %dot_general3A_715 {offsets = [0, 256], sizes = [512, 128], strides = [1, 1]} : vector<512x384xf32> to vector<512x128xf32>
    %add3A_721 = arith.addf %slice3A_720, %concatenate3A : vector<512x128xf32>
    %lt3A_722 = arith.constant 0 : i32
    %lt3A_723 = vector.broadcast %lt3A_722 : i32 to vector<512x512xi32>
    %lt3A_724 = arith.cmpi slt, %select_n3A, %lt3A_723 : vector<512x512xi32>
    %add3A_725 = arith.constant 128 : i32
    %add3A_726 = vector.broadcast %add3A_725 : i32 to vector<512x512xi32>
    %add3A_727 = arith.addi %select_n3A, %add3A_726 : vector<512x512xi32>
    %select_n3A_728 = arith.select %lt3A_724, %add3A_727, %select_n3A : vector<512x512xi1>, vector<512x512xi32>
    %reshape3A_729 = vector.shape_cast %select_n3A_728 : vector<512x512xi32> to vector<512x512x1xi32>
    %gather3A_730 = vector.shape_cast %reshape3A_729 : vector<512x512x1xi32> to vector<512x512xi32>
    %gather3A_731 = tpu.dynamic_gather %add3A_721[%gather3A_730] in [1] : vector<512x128xf32>, vector<512x512xi32> -> vector<512x512xf32>
    %add3A_732 = arith.addf %dot_general3A_719, %gather3A_731 : vector<512x512xf32>
    %convert_element_type3A_733 = arith.truncf %add3A_732 : vector<512x512xf32> to vector<512x512xbf16>
    %exp3A_734 = math.exp %convert_element_type3A_733 : vector<512x512xbf16>
    %slice3A_735 = vector.extract_strided_slice %dot_general3A_715 {offsets = [0, 128], sizes = [512, 128], strides = [1, 1]} : vector<512x384xf32> to vector<512x128xf32>
    %convert_element_type3A_736 = arith.truncf %slice3A_735 : vector<512x128xf32> to vector<512x128xbf16>
    %broadcast_in_dim3A_737 = arith.constant 1.000000e+00 : bf16
    %broadcast_in_dim3A_738 = vector.broadcast %broadcast_in_dim3A_737 : bf16 to vector<512x128xbf16>
    %concatenate3A_739 = tpu.concatenate %convert_element_type3A_736, %broadcast_in_dim3A_738 in 1 : vector<512x128xbf16>, vector<512x128xbf16> -> vector<512x256xbf16>
    %dot_general3A_740 = arith.constant dense<0.000000e+00> : vector<512x256xf32>
    %dot_general3A_741 = tpu.matmul %exp3A_734, %concatenate3A_739, %dot_general3A_740 {dimension_numbers = #tpu.dot_dimension_numbers<[1], [0], [0], [1], [0, 0, 1, 1], [], []>, transpose_lhs_hint = false} : vector<512x512xbf16>, vector<512x256xbf16>, vector<512x256xf32> -> vector<512x256xf32>
    %slice3A_742 = vector.extract_strided_slice %dot_general3A_741 {offsets = [0, 0], sizes = [512, 128], strides = [1, 1]} : vector<512x256xf32> to vector<512x128xf32>
    %slice3A_743 = vector.extract_strided_slice %dot_general3A_741 {offsets = [0, 128], sizes = [512, 128], strides = [1, 1]} : vector<512x256xf32> to vector<512x128xf32>
    %div3A_744 = arith.divf %slice3A_742, %slice3A_743 : vector<512x128xf32>
    %add3A_745 = arith.addf %broadcast_in_dim3A_707, %div3A_744 : vector<512x128xf32>
    %get3A_746 = arith.constant 2 : index
    %get3A_747 = arith.constant 1 : index
    %get3A_748 = arith.constant 0 : index
    %get3A_749 = arith.constant 0 : index
    %get3A_750 = vector.load %arg17[%get3A_746, %get3A_747, %get3A_748, %get3A_749] : memref<4x8x128x384xbf16, #tpu.memory_space<vmem>>, vector<1x1x128x384xbf16>
    %get3A_751 = vector.shape_cast %get3A_750 : vector<1x1x128x384xbf16> to vector<128x384xbf16>
    %dot_general3A_752 = arith.constant dense<0.000000e+00> : vector<512x384xf32>
    %dot_general3A_753 = tpu.matmul %convert_element_type3A_705, %get3A_751, %dot_general3A_752 {dimension_numbers = #tpu.dot_dimension_numbers<[1], [0], [0], [1], [0, 0, 1, 1], [], []>, transpose_lhs_hint = false} : vector<512x128xbf16>, vector<128x384xbf16>, vector<512x384xf32> -> vector<512x384xf32>
    %slice3A_754 = vector.extract_strided_slice %dot_general3A_753 {offsets = [0, 0], sizes = [512, 128], strides = [1, 1]} : vector<512x384xf32> to vector<512x128xf32>
    %convert_element_type3A_755 = arith.truncf %slice3A_754 : vector<512x128xf32> to vector<512x128xbf16>
    %dot_general3A_756 = arith.constant dense<0.000000e+00> : vector<512x512xf32>
    %dot_general3A_757 = tpu.matmul %convert_element_type3A_755, %convert_element_type3A_705, %dot_general3A_756 {dimension_numbers = #tpu.dot_dimension_numbers<[1], [1], [0], [0], [0, 0, 1, 0], [], []>, transpose_lhs_hint = false} : vector<512x128xbf16>, vector<512x128xbf16>, vector<512x512xf32> -> vector<512x512xf32>
    %slice3A_758 = vector.extract_strided_slice %dot_general3A_753 {offsets = [0, 256], sizes = [512, 128], strides = [1, 1]} : vector<512x384xf32> to vector<512x128xf32>
    %add3A_759 = arith.addf %slice3A_758, %concatenate3A : vector<512x128xf32>
    %lt3A_760 = arith.constant 0 : i32
    %lt3A_761 = vector.broadcast %lt3A_760 : i32 to vector<512x512xi32>
    %lt3A_762 = arith.cmpi slt, %select_n3A, %lt3A_761 : vector<512x512xi32>
    %add3A_763 = arith.constant 128 : i32
    %add3A_764 = vector.broadcast %add3A_763 : i32 to vector<512x512xi32>
    %add3A_765 = arith.addi %select_n3A, %add3A_764 : vector<512x512xi32>
    %select_n3A_766 = arith.select %lt3A_762, %add3A_765, %select_n3A : vector<512x512xi1>, vector<512x512xi32>
    %reshape3A_767 = vector.shape_cast %select_n3A_766 : vector<512x512xi32> to vector<512x512x1xi32>
    %gather3A_768 = vector.shape_cast %reshape3A_767 : vector<512x512x1xi32> to vector<512x512xi32>
    %gather3A_769 = tpu.dynamic_gather %add3A_759[%gather3A_768] in [1] : vector<512x128xf32>, vector<512x512xi32> -> vector<512x512xf32>
    %add3A_770 = arith.addf %dot_general3A_757, %gather3A_769 : vector<512x512xf32>
    %convert_element_type3A_771 = arith.truncf %add3A_770 : vector<512x512xf32> to vector<512x512xbf16>
    %exp3A_772 = math.exp %convert_element_type3A_771 : vector<512x512xbf16>
    %slice3A_773 = vector.extract_strided_slice %dot_general3A_753 {offsets = [0, 128], sizes = [512, 128], strides = [1, 1]} : vector<512x384xf32> to vector<512x128xf32>
    %convert_element_type3A_774 = arith.truncf %slice3A_773 : vector<512x128xf32> to vector<512x128xbf16>
    %broadcast_in_dim3A_775 = arith.constant 1.000000e+00 : bf16
    %broadcast_in_dim3A_776 = vector.broadcast %broadcast_in_dim3A_775 : bf16 to vector<512x128xbf16>
    %concatenate3A_777 = tpu.concatenate %convert_element_type3A_774, %broadcast_in_dim3A_776 in 1 : vector<512x128xbf16>, vector<512x128xbf16> -> vector<512x256xbf16>
    %dot_general3A_778 = arith.constant dense<0.000000e+00> : vector<512x256xf32>
    %dot_general3A_779 = tpu.matmul %exp3A_772, %concatenate3A_777, %dot_general3A_778 {dimension_numbers = #tpu.dot_dimension_numbers<[1], [0], [0], [1], [0, 0, 1, 1], [], []>, transpose_lhs_hint = false} : vector<512x512xbf16>, vector<512x256xbf16>, vector<512x256xf32> -> vector<512x256xf32>
    %slice3A_780 = vector.extract_strided_slice %dot_general3A_779 {offsets = [0, 0], sizes = [512, 128], strides = [1, 1]} : vector<512x256xf32> to vector<512x128xf32>
    %slice3A_781 = vector.extract_strided_slice %dot_general3A_779 {offsets = [0, 128], sizes = [512, 128], strides = [1, 1]} : vector<512x256xf32> to vector<512x128xf32>
    %div3A_782 = arith.divf %slice3A_780, %slice3A_781 : vector<512x128xf32>
    %add3A_783 = arith.addf %add3A_745, %div3A_782 : vector<512x128xf32>
    %get3A_784 = arith.constant 2 : index
    %get3A_785 = arith.constant 2 : index
    %get3A_786 = arith.constant 0 : index
    %get3A_787 = arith.constant 0 : index
    %get3A_788 = vector.load %arg17[%get3A_784, %get3A_785, %get3A_786, %get3A_787] : memref<4x8x128x384xbf16, #tpu.memory_space<vmem>>, vector<1x1x128x384xbf16>
    %get3A_789 = vector.shape_cast %get3A_788 : vector<1x1x128x384xbf16> to vector<128x384xbf16>
    %dot_general3A_790 = arith.constant dense<0.000000e+00> : vector<512x384xf32>
    %dot_general3A_791 = tpu.matmul %convert_element_type3A_705, %get3A_789, %dot_general3A_790 {dimension_numbers = #tpu.dot_dimension_numbers<[1], [0], [0], [1], [0, 0, 1, 1], [], []>, transpose_lhs_hint = false} : vector<512x128xbf16>, vector<128x384xbf16>, vector<512x384xf32> -> vector<512x384xf32>
    %slice3A_792 = vector.extract_strided_slice %dot_general3A_791 {offsets = [0, 0], sizes = [512, 128], strides = [1, 1]} : vector<512x384xf32> to vector<512x128xf32>
    %convert_element_type3A_793 = arith.truncf %slice3A_792 : vector<512x128xf32> to vector<512x128xbf16>
    %dot_general3A_794 = arith.constant dense<0.000000e+00> : vector<512x512xf32>
    %dot_general3A_795 = tpu.matmul %convert_element_type3A_793, %convert_element_type3A_705, %dot_general3A_794 {dimension_numbers = #tpu.dot_dimension_numbers<[1], [1], [0], [0], [0, 0, 1, 0], [], []>, transpose_lhs_hint = false} : vector<512x128xbf16>, vector<512x128xbf16>, vector<512x512xf32> -> vector<512x512xf32>
    %slice3A_796 = vector.extract_strided_slice %dot_general3A_791 {offsets = [0, 256], sizes = [512, 128], strides = [1, 1]} : vector<512x384xf32> to vector<512x128xf32>
    %add3A_797 = arith.addf %slice3A_796, %concatenate3A : vector<512x128xf32>
    %lt3A_798 = arith.constant 0 : i32
    %lt3A_799 = vector.broadcast %lt3A_798 : i32 to vector<512x512xi32>
    %lt3A_800 = arith.cmpi slt, %select_n3A, %lt3A_799 : vector<512x512xi32>
    %add3A_801 = arith.constant 128 : i32
    %add3A_802 = vector.broadcast %add3A_801 : i32 to vector<512x512xi32>
    %add3A_803 = arith.addi %select_n3A, %add3A_802 : vector<512x512xi32>
    %select_n3A_804 = arith.select %lt3A_800, %add3A_803, %select_n3A : vector<512x512xi1>, vector<512x512xi32>
    %reshape3A_805 = vector.shape_cast %select_n3A_804 : vector<512x512xi32> to vector<512x512x1xi32>
    %gather3A_806 = vector.shape_cast %reshape3A_805 : vector<512x512x1xi32> to vector<512x512xi32>
    %gather3A_807 = tpu.dynamic_gather %add3A_797[%gather3A_806] in [1] : vector<512x128xf32>, vector<512x512xi32> -> vector<512x512xf32>
    %add3A_808 = arith.addf %dot_general3A_795, %gather3A_807 : vector<512x512xf32>
    %convert_element_type3A_809 = arith.truncf %add3A_808 : vector<512x512xf32> to vector<512x512xbf16>
    %exp3A_810 = math.exp %convert_element_type3A_809 : vector<512x512xbf16>
    %slice3A_811 = vector.extract_strided_slice %dot_general3A_791 {offsets = [0, 128], sizes = [512, 128], strides = [1, 1]} : vector<512x384xf32> to vector<512x128xf32>
    %convert_element_type3A_812 = arith.truncf %slice3A_811 : vector<512x128xf32> to vector<512x128xbf16>
    %broadcast_in_dim3A_813 = arith.constant 1.000000e+00 : bf16
    %broadcast_in_dim3A_814 = vector.broadcast %broadcast_in_dim3A_813 : bf16 to vector<512x128xbf16>
    %concatenate3A_815 = tpu.concatenate %convert_element_type3A_812, %broadcast_in_dim3A_814 in 1 : vector<512x128xbf16>, vector<512x128xbf16> -> vector<512x256xbf16>
    %dot_general3A_816 = arith.constant dense<0.000000e+00> : vector<512x256xf32>
    %dot_general3A_817 = tpu.matmul %exp3A_810, %concatenate3A_815, %dot_general3A_816 {dimension_numbers = #tpu.dot_dimension_numbers<[1], [0], [0], [1], [0, 0, 1, 1], [], []>, transpose_lhs_hint = false} : vector<512x512xbf16>, vector<512x256xbf16>, vector<512x256xf32> -> vector<512x256xf32>
    %slice3A_818 = vector.extract_strided_slice %dot_general3A_817 {offsets = [0, 0], sizes = [512, 128], strides = [1, 1]} : vector<512x256xf32> to vector<512x128xf32>
    %slice3A_819 = vector.extract_strided_slice %dot_general3A_817 {offsets = [0, 128], sizes = [512, 128], strides = [1, 1]} : vector<512x256xf32> to vector<512x128xf32>
    %div3A_820 = arith.divf %slice3A_818, %slice3A_819 : vector<512x128xf32>
    %add3A_821 = arith.addf %add3A_783, %div3A_820 : vector<512x128xf32>
    %get3A_822 = arith.constant 2 : index
    %get3A_823 = arith.constant 3 : index
    %get3A_824 = arith.constant 0 : index
    %get3A_825 = arith.constant 0 : index
    %get3A_826 = vector.load %arg17[%get3A_822, %get3A_823, %get3A_824, %get3A_825] : memref<4x8x128x384xbf16, #tpu.memory_space<vmem>>, vector<1x1x128x384xbf16>
    %get3A_827 = vector.shape_cast %get3A_826 : vector<1x1x128x384xbf16> to vector<128x384xbf16>
    %dot_general3A_828 = arith.constant dense<0.000000e+00> : vector<512x384xf32>
    %dot_general3A_829 = tpu.matmul %convert_element_type3A_705, %get3A_827, %dot_general3A_828 {dimension_numbers = #tpu.dot_dimension_numbers<[1], [0], [0], [1], [0, 0, 1, 1], [], []>, transpose_lhs_hint = false} : vector<512x128xbf16>, vector<128x384xbf16>, vector<512x384xf32> -> vector<512x384xf32>
    %slice3A_830 = vector.extract_strided_slice %dot_general3A_829 {offsets = [0, 0], sizes = [512, 128], strides = [1, 1]} : vector<512x384xf32> to vector<512x128xf32>
    %convert_element_type3A_831 = arith.truncf %slice3A_830 : vector<512x128xf32> to vector<512x128xbf16>
    %dot_general3A_832 = arith.constant dense<0.000000e+00> : vector<512x512xf32>
    %dot_general3A_833 = tpu.matmul %convert_element_type3A_831, %convert_element_type3A_705, %dot_general3A_832 {dimension_numbers = #tpu.dot_dimension_numbers<[1], [1], [0], [0], [0, 0, 1, 0], [], []>, transpose_lhs_hint = false} : vector<512x128xbf16>, vector<512x128xbf16>, vector<512x512xf32> -> vector<512x512xf32>
    %slice3A_834 = vector.extract_strided_slice %dot_general3A_829 {offsets = [0, 256], sizes = [512, 128], strides = [1, 1]} : vector<512x384xf32> to vector<512x128xf32>
    %add3A_835 = arith.addf %slice3A_834, %concatenate3A : vector<512x128xf32>
    %lt3A_836 = arith.constant 0 : i32
    %lt3A_837 = vector.broadcast %lt3A_836 : i32 to vector<512x512xi32>
    %lt3A_838 = arith.cmpi slt, %select_n3A, %lt3A_837 : vector<512x512xi32>
    %add3A_839 = arith.constant 128 : i32
    %add3A_840 = vector.broadcast %add3A_839 : i32 to vector<512x512xi32>
    %add3A_841 = arith.addi %select_n3A, %add3A_840 : vector<512x512xi32>
    %select_n3A_842 = arith.select %lt3A_838, %add3A_841, %select_n3A : vector<512x512xi1>, vector<512x512xi32>
    %reshape3A_843 = vector.shape_cast %select_n3A_842 : vector<512x512xi32> to vector<512x512x1xi32>
    %gather3A_844 = vector.shape_cast %reshape3A_843 : vector<512x512x1xi32> to vector<512x512xi32>
    %gather3A_845 = tpu.dynamic_gather %add3A_835[%gather3A_844] in [1] : vector<512x128xf32>, vector<512x512xi32> -> vector<512x512xf32>
    %add3A_846 = arith.addf %dot_general3A_833, %gather3A_845 : vector<512x512xf32>
    %convert_element_type3A_847 = arith.truncf %add3A_846 : vector<512x512xf32> to vector<512x512xbf16>
    %exp3A_848 = math.exp %convert_element_type3A_847 : vector<512x512xbf16>
    %slice3A_849 = vector.extract_strided_slice %dot_general3A_829 {offsets = [0, 128], sizes = [512, 128], strides = [1, 1]} : vector<512x384xf32> to vector<512x128xf32>
    %convert_element_type3A_850 = arith.truncf %slice3A_849 : vector<512x128xf32> to vector<512x128xbf16>
    %broadcast_in_dim3A_851 = arith.constant 1.000000e+00 : bf16
    %broadcast_in_dim3A_852 = vector.broadcast %broadcast_in_dim3A_851 : bf16 to vector<512x128xbf16>
    %concatenate3A_853 = tpu.concatenate %convert_element_type3A_850, %broadcast_in_dim3A_852 in 1 : vector<512x128xbf16>, vector<512x128xbf16> -> vector<512x256xbf16>
    %dot_general3A_854 = arith.constant dense<0.000000e+00> : vector<512x256xf32>
    %dot_general3A_855 = tpu.matmul %exp3A_848, %concatenate3A_853, %dot_general3A_854 {dimension_numbers = #tpu.dot_dimension_numbers<[1], [0], [0], [1], [0, 0, 1, 1], [], []>, transpose_lhs_hint = false} : vector<512x512xbf16>, vector<512x256xbf16>, vector<512x256xf32> -> vector<512x256xf32>
    %slice3A_856 = vector.extract_strided_slice %dot_general3A_855 {offsets = [0, 0], sizes = [512, 128], strides = [1, 1]} : vector<512x256xf32> to vector<512x128xf32>
    %slice3A_857 = vector.extract_strided_slice %dot_general3A_855 {offsets = [0, 128], sizes = [512, 128], strides = [1, 1]} : vector<512x256xf32> to vector<512x128xf32>
    %div3A_858 = arith.divf %slice3A_856, %slice3A_857 : vector<512x128xf32>
    %add3A_859 = arith.addf %add3A_821, %div3A_858 : vector<512x128xf32>
    %get3A_860 = arith.constant 2 : index
    %get3A_861 = arith.constant 4 : index
    %get3A_862 = arith.constant 0 : index
    %get3A_863 = arith.constant 0 : index
    %get3A_864 = vector.load %arg17[%get3A_860, %get3A_861, %get3A_862, %get3A_863] : memref<4x8x128x384xbf16, #tpu.memory_space<vmem>>, vector<1x1x128x384xbf16>
    %get3A_865 = vector.shape_cast %get3A_864 : vector<1x1x128x384xbf16> to vector<128x384xbf16>
    %dot_general3A_866 = arith.constant dense<0.000000e+00> : vector<512x384xf32>
    %dot_general3A_867 = tpu.matmul %convert_element_type3A_705, %get3A_865, %dot_general3A_866 {dimension_numbers = #tpu.dot_dimension_numbers<[1], [0], [0], [1], [0, 0, 1, 1], [], []>, transpose_lhs_hint = false} : vector<512x128xbf16>, vector<128x384xbf16>, vector<512x384xf32> -> vector<512x384xf32>
    %slice3A_868 = vector.extract_strided_slice %dot_general3A_867 {offsets = [0, 0], sizes = [512, 128], strides = [1, 1]} : vector<512x384xf32> to vector<512x128xf32>
    %convert_element_type3A_869 = arith.truncf %slice3A_868 : vector<512x128xf32> to vector<512x128xbf16>
    %dot_general3A_870 = arith.constant dense<0.000000e+00> : vector<512x512xf32>
    %dot_general3A_871 = tpu.matmul %convert_element_type3A_869, %convert_element_type3A_705, %dot_general3A_870 {dimension_numbers = #tpu.dot_dimension_numbers<[1], [1], [0], [0], [0, 0, 1, 0], [], []>, transpose_lhs_hint = false} : vector<512x128xbf16>, vector<512x128xbf16>, vector<512x512xf32> -> vector<512x512xf32>
    %slice3A_872 = vector.extract_strided_slice %dot_general3A_867 {offsets = [0, 256], sizes = [512, 128], strides = [1, 1]} : vector<512x384xf32> to vector<512x128xf32>
    %add3A_873 = arith.addf %slice3A_872, %concatenate3A : vector<512x128xf32>
    %lt3A_874 = arith.constant 0 : i32
    %lt3A_875 = vector.broadcast %lt3A_874 : i32 to vector<512x512xi32>
    %lt3A_876 = arith.cmpi slt, %select_n3A, %lt3A_875 : vector<512x512xi32>
    %add3A_877 = arith.constant 128 : i32
    %add3A_878 = vector.broadcast %add3A_877 : i32 to vector<512x512xi32>
    %add3A_879 = arith.addi %select_n3A, %add3A_878 : vector<512x512xi32>
    %select_n3A_880 = arith.select %lt3A_876, %add3A_879, %select_n3A : vector<512x512xi1>, vector<512x512xi32>
    %reshape3A_881 = vector.shape_cast %select_n3A_880 : vector<512x512xi32> to vector<512x512x1xi32>
    %gather3A_882 = vector.shape_cast %reshape3A_881 : vector<512x512x1xi32> to vector<512x512xi32>
    %gather3A_883 = tpu.dynamic_gather %add3A_873[%gather3A_882] in [1] : vector<512x128xf32>, vector<512x512xi32> -> vector<512x512xf32>
    %add3A_884 = arith.addf %dot_general3A_871, %gather3A_883 : vector<512x512xf32>
    %convert_element_type3A_885 = arith.truncf %add3A_884 : vector<512x512xf32> to vector<512x512xbf16>
    %exp3A_886 = math.exp %convert_element_type3A_885 : vector<512x512xbf16>
    %slice3A_887 = vector.extract_strided_slice %dot_general3A_867 {offsets = [0, 128], sizes = [512, 128], strides = [1, 1]} : vector<512x384xf32> to vector<512x128xf32>
    %convert_element_type3A_888 = arith.truncf %slice3A_887 : vector<512x128xf32> to vector<512x128xbf16>
    %broadcast_in_dim3A_889 = arith.constant 1.000000e+00 : bf16
    %broadcast_in_dim3A_890 = vector.broadcast %broadcast_in_dim3A_889 : bf16 to vector<512x128xbf16>
    %concatenate3A_891 = tpu.concatenate %convert_element_type3A_888, %broadcast_in_dim3A_890 in 1 : vector<512x128xbf16>, vector<512x128xbf16> -> vector<512x256xbf16>
    %dot_general3A_892 = arith.constant dense<0.000000e+00> : vector<512x256xf32>
    %dot_general3A_893 = tpu.matmul %exp3A_886, %concatenate3A_891, %dot_general3A_892 {dimension_numbers = #tpu.dot_dimension_numbers<[1], [0], [0], [1], [0, 0, 1, 1], [], []>, transpose_lhs_hint = false} : vector<512x512xbf16>, vector<512x256xbf16>, vector<512x256xf32> -> vector<512x256xf32>
    %slice3A_894 = vector.extract_strided_slice %dot_general3A_893 {offsets = [0, 0], sizes = [512, 128], strides = [1, 1]} : vector<512x256xf32> to vector<512x128xf32>
    %slice3A_895 = vector.extract_strided_slice %dot_general3A_893 {offsets = [0, 128], sizes = [512, 128], strides = [1, 1]} : vector<512x256xf32> to vector<512x128xf32>
    %div3A_896 = arith.divf %slice3A_894, %slice3A_895 : vector<512x128xf32>
    %add3A_897 = arith.addf %add3A_859, %div3A_896 : vector<512x128xf32>
    %get3A_898 = arith.constant 2 : index
    %get3A_899 = arith.constant 5 : index
    %get3A_900 = arith.constant 0 : index
    %get3A_901 = arith.constant 0 : index
    %get3A_902 = vector.load %arg17[%get3A_898, %get3A_899, %get3A_900, %get3A_901] : memref<4x8x128x384xbf16, #tpu.memory_space<vmem>>, vector<1x1x128x384xbf16>
    %get3A_903 = vector.shape_cast %get3A_902 : vector<1x1x128x384xbf16> to vector<128x384xbf16>
    %dot_general3A_904 = arith.constant dense<0.000000e+00> : vector<512x384xf32>
    %dot_general3A_905 = tpu.matmul %convert_element_type3A_705, %get3A_903, %dot_general3A_904 {dimension_numbers = #tpu.dot_dimension_numbers<[1], [0], [0], [1], [0, 0, 1, 1], [], []>, transpose_lhs_hint = false} : vector<512x128xbf16>, vector<128x384xbf16>, vector<512x384xf32> -> vector<512x384xf32>
    %slice3A_906 = vector.extract_strided_slice %dot_general3A_905 {offsets = [0, 0], sizes = [512, 128], strides = [1, 1]} : vector<512x384xf32> to vector<512x128xf32>
    %convert_element_type3A_907 = arith.truncf %slice3A_906 : vector<512x128xf32> to vector<512x128xbf16>
    %dot_general3A_908 = arith.constant dense<0.000000e+00> : vector<512x512xf32>
    %dot_general3A_909 = tpu.matmul %convert_element_type3A_907, %convert_element_type3A_705, %dot_general3A_908 {dimension_numbers = #tpu.dot_dimension_numbers<[1], [1], [0], [0], [0, 0, 1, 0], [], []>, transpose_lhs_hint = false} : vector<512x128xbf16>, vector<512x128xbf16>, vector<512x512xf32> -> vector<512x512xf32>
    %slice3A_910 = vector.extract_strided_slice %dot_general3A_905 {offsets = [0, 256], sizes = [512, 128], strides = [1, 1]} : vector<512x384xf32> to vector<512x128xf32>
    %add3A_911 = arith.addf %slice3A_910, %concatenate3A : vector<512x128xf32>
    %lt3A_912 = arith.constant 0 : i32
    %lt3A_913 = vector.broadcast %lt3A_912 : i32 to vector<512x512xi32>
    %lt3A_914 = arith.cmpi slt, %select_n3A, %lt3A_913 : vector<512x512xi32>
    %add3A_915 = arith.constant 128 : i32
    %add3A_916 = vector.broadcast %add3A_915 : i32 to vector<512x512xi32>
    %add3A_917 = arith.addi %select_n3A, %add3A_916 : vector<512x512xi32>
    %select_n3A_918 = arith.select %lt3A_914, %add3A_917, %select_n3A : vector<512x512xi1>, vector<512x512xi32>
    %reshape3A_919 = vector.shape_cast %select_n3A_918 : vector<512x512xi32> to vector<512x512x1xi32>
    %gather3A_920 = vector.shape_cast %reshape3A_919 : vector<512x512x1xi32> to vector<512x512xi32>
    %gather3A_921 = tpu.dynamic_gather %add3A_911[%gather3A_920] in [1] : vector<512x128xf32>, vector<512x512xi32> -> vector<512x512xf32>
    %add3A_922 = arith.addf %dot_general3A_909, %gather3A_921 : vector<512x512xf32>
    %convert_element_type3A_923 = arith.truncf %add3A_922 : vector<512x512xf32> to vector<512x512xbf16>
    %exp3A_924 = math.exp %convert_element_type3A_923 : vector<512x512xbf16>
    %slice3A_925 = vector.extract_strided_slice %dot_general3A_905 {offsets = [0, 128], sizes = [512, 128], strides = [1, 1]} : vector<512x384xf32> to vector<512x128xf32>
    %convert_element_type3A_926 = arith.truncf %slice3A_925 : vector<512x128xf32> to vector<512x128xbf16>
    %broadcast_in_dim3A_927 = arith.constant 1.000000e+00 : bf16
    %broadcast_in_dim3A_928 = vector.broadcast %broadcast_in_dim3A_927 : bf16 to vector<512x128xbf16>
    %concatenate3A_929 = tpu.concatenate %convert_element_type3A_926, %broadcast_in_dim3A_928 in 1 : vector<512x128xbf16>, vector<512x128xbf16> -> vector<512x256xbf16>
    %dot_general3A_930 = arith.constant dense<0.000000e+00> : vector<512x256xf32>
    %dot_general3A_931 = tpu.matmul %exp3A_924, %concatenate3A_929, %dot_general3A_930 {dimension_numbers = #tpu.dot_dimension_numbers<[1], [0], [0], [1], [0, 0, 1, 1], [], []>, transpose_lhs_hint = false} : vector<512x512xbf16>, vector<512x256xbf16>, vector<512x256xf32> -> vector<512x256xf32>
    %slice3A_932 = vector.extract_strided_slice %dot_general3A_931 {offsets = [0, 0], sizes = [512, 128], strides = [1, 1]} : vector<512x256xf32> to vector<512x128xf32>
    %slice3A_933 = vector.extract_strided_slice %dot_general3A_931 {offsets = [0, 128], sizes = [512, 128], strides = [1, 1]} : vector<512x256xf32> to vector<512x128xf32>
    %div3A_934 = arith.divf %slice3A_932, %slice3A_933 : vector<512x128xf32>
    %add3A_935 = arith.addf %add3A_897, %div3A_934 : vector<512x128xf32>
    %get3A_936 = arith.constant 2 : index
    %get3A_937 = arith.constant 6 : index
    %get3A_938 = arith.constant 0 : index
    %get3A_939 = arith.constant 0 : index
    %get3A_940 = vector.load %arg17[%get3A_936, %get3A_937, %get3A_938, %get3A_939] : memref<4x8x128x384xbf16, #tpu.memory_space<vmem>>, vector<1x1x128x384xbf16>
    %get3A_941 = vector.shape_cast %get3A_940 : vector<1x1x128x384xbf16> to vector<128x384xbf16>
    %dot_general3A_942 = arith.constant dense<0.000000e+00> : vector<512x384xf32>
    %dot_general3A_943 = tpu.matmul %convert_element_type3A_705, %get3A_941, %dot_general3A_942 {dimension_numbers = #tpu.dot_dimension_numbers<[1], [0], [0], [1], [0, 0, 1, 1], [], []>, transpose_lhs_hint = false} : vector<512x128xbf16>, vector<128x384xbf16>, vector<512x384xf32> -> vector<512x384xf32>
    %slice3A_944 = vector.extract_strided_slice %dot_general3A_943 {offsets = [0, 0], sizes = [512, 128], strides = [1, 1]} : vector<512x384xf32> to vector<512x128xf32>
    %convert_element_type3A_945 = arith.truncf %slice3A_944 : vector<512x128xf32> to vector<512x128xbf16>
    %dot_general3A_946 = arith.constant dense<0.000000e+00> : vector<512x512xf32>
    %dot_general3A_947 = tpu.matmul %convert_element_type3A_945, %convert_element_type3A_705, %dot_general3A_946 {dimension_numbers = #tpu.dot_dimension_numbers<[1], [1], [0], [0], [0, 0, 1, 0], [], []>, transpose_lhs_hint = false} : vector<512x128xbf16>, vector<512x128xbf16>, vector<512x512xf32> -> vector<512x512xf32>
    %slice3A_948 = vector.extract_strided_slice %dot_general3A_943 {offsets = [0, 256], sizes = [512, 128], strides = [1, 1]} : vector<512x384xf32> to vector<512x128xf32>
    %add3A_949 = arith.addf %slice3A_948, %concatenate3A : vector<512x128xf32>
    %lt3A_950 = arith.constant 0 : i32
    %lt3A_951 = vector.broadcast %lt3A_950 : i32 to vector<512x512xi32>
    %lt3A_952 = arith.cmpi slt, %select_n3A, %lt3A_951 : vector<512x512xi32>
    %add3A_953 = arith.constant 128 : i32
    %add3A_954 = vector.broadcast %add3A_953 : i32 to vector<512x512xi32>
    %add3A_955 = arith.addi %select_n3A, %add3A_954 : vector<512x512xi32>
    %select_n3A_956 = arith.select %lt3A_952, %add3A_955, %select_n3A : vector<512x512xi1>, vector<512x512xi32>
    %reshape3A_957 = vector.shape_cast %select_n3A_956 : vector<512x512xi32> to vector<512x512x1xi32>
    %gather3A_958 = vector.shape_cast %reshape3A_957 : vector<512x512x1xi32> to vector<512x512xi32>
    %gather3A_959 = tpu.dynamic_gather %add3A_949[%gather3A_958] in [1] : vector<512x128xf32>, vector<512x512xi32> -> vector<512x512xf32>
    %add3A_960 = arith.addf %dot_general3A_947, %gather3A_959 : vector<512x512xf32>
    %convert_element_type3A_961 = arith.truncf %add3A_960 : vector<512x512xf32> to vector<512x512xbf16>
    %exp3A_962 = math.exp %convert_element_type3A_961 : vector<512x512xbf16>
    %slice3A_963 = vector.extract_strided_slice %dot_general3A_943 {offsets = [0, 128], sizes = [512, 128], strides = [1, 1]} : vector<512x384xf32> to vector<512x128xf32>
    %convert_element_type3A_964 = arith.truncf %slice3A_963 : vector<512x128xf32> to vector<512x128xbf16>
    %broadcast_in_dim3A_965 = arith.constant 1.000000e+00 : bf16
    %broadcast_in_dim3A_966 = vector.broadcast %broadcast_in_dim3A_965 : bf16 to vector<512x128xbf16>
    %concatenate3A_967 = tpu.concatenate %convert_element_type3A_964, %broadcast_in_dim3A_966 in 1 : vector<512x128xbf16>, vector<512x128xbf16> -> vector<512x256xbf16>
    %dot_general3A_968 = arith.constant dense<0.000000e+00> : vector<512x256xf32>
    %dot_general3A_969 = tpu.matmul %exp3A_962, %concatenate3A_967, %dot_general3A_968 {dimension_numbers = #tpu.dot_dimension_numbers<[1], [0], [0], [1], [0, 0, 1, 1], [], []>, transpose_lhs_hint = false} : vector<512x512xbf16>, vector<512x256xbf16>, vector<512x256xf32> -> vector<512x256xf32>
    %slice3A_970 = vector.extract_strided_slice %dot_general3A_969 {offsets = [0, 0], sizes = [512, 128], strides = [1, 1]} : vector<512x256xf32> to vector<512x128xf32>
    %slice3A_971 = vector.extract_strided_slice %dot_general3A_969 {offsets = [0, 128], sizes = [512, 128], strides = [1, 1]} : vector<512x256xf32> to vector<512x128xf32>
    %div3A_972 = arith.divf %slice3A_970, %slice3A_971 : vector<512x128xf32>
    %add3A_973 = arith.addf %add3A_935, %div3A_972 : vector<512x128xf32>
    %get3A_974 = arith.constant 2 : index
    %get3A_975 = arith.constant 7 : index
    %get3A_976 = arith.constant 0 : index
    %get3A_977 = arith.constant 0 : index
    %get3A_978 = vector.load %arg17[%get3A_974, %get3A_975, %get3A_976, %get3A_977] : memref<4x8x128x384xbf16, #tpu.memory_space<vmem>>, vector<1x1x128x384xbf16>
    %get3A_979 = vector.shape_cast %get3A_978 : vector<1x1x128x384xbf16> to vector<128x384xbf16>
    %dot_general3A_980 = arith.constant dense<0.000000e+00> : vector<512x384xf32>
    %dot_general3A_981 = tpu.matmul %convert_element_type3A_705, %get3A_979, %dot_general3A_980 {dimension_numbers = #tpu.dot_dimension_numbers<[1], [0], [0], [1], [0, 0, 1, 1], [], []>, transpose_lhs_hint = false} : vector<512x128xbf16>, vector<128x384xbf16>, vector<512x384xf32> -> vector<512x384xf32>
    %slice3A_982 = vector.extract_strided_slice %dot_general3A_981 {offsets = [0, 0], sizes = [512, 128], strides = [1, 1]} : vector<512x384xf32> to vector<512x128xf32>
    %convert_element_type3A_983 = arith.truncf %slice3A_982 : vector<512x128xf32> to vector<512x128xbf16>
    %dot_general3A_984 = arith.constant dense<0.000000e+00> : vector<512x512xf32>
    %dot_general3A_985 = tpu.matmul %convert_element_type3A_983, %convert_element_type3A_705, %dot_general3A_984 {dimension_numbers = #tpu.dot_dimension_numbers<[1], [1], [0], [0], [0, 0, 1, 0], [], []>, transpose_lhs_hint = false} : vector<512x128xbf16>, vector<512x128xbf16>, vector<512x512xf32> -> vector<512x512xf32>
    %slice3A_986 = vector.extract_strided_slice %dot_general3A_981 {offsets = [0, 256], sizes = [512, 128], strides = [1, 1]} : vector<512x384xf32> to vector<512x128xf32>
    %add3A_987 = arith.addf %slice3A_986, %concatenate3A : vector<512x128xf32>
    %lt3A_988 = arith.constant 0 : i32
    %lt3A_989 = vector.broadcast %lt3A_988 : i32 to vector<512x512xi32>
    %lt3A_990 = arith.cmpi slt, %select_n3A, %lt3A_989 : vector<512x512xi32>
    %add3A_991 = arith.constant 128 : i32
    %add3A_992 = vector.broadcast %add3A_991 : i32 to vector<512x512xi32>
    %add3A_993 = arith.addi %select_n3A, %add3A_992 : vector<512x512xi32>
    %select_n3A_994 = arith.select %lt3A_990, %add3A_993, %select_n3A : vector<512x512xi1>, vector<512x512xi32>
    %reshape3A_995 = vector.shape_cast %select_n3A_994 : vector<512x512xi32> to vector<512x512x1xi32>
    %gather3A_996 = vector.shape_cast %reshape3A_995 : vector<512x512x1xi32> to vector<512x512xi32>
    %gather3A_997 = tpu.dynamic_gather %add3A_987[%gather3A_996] in [1] : vector<512x128xf32>, vector<512x512xi32> -> vector<512x512xf32>
    %add3A_998 = arith.addf %dot_general3A_985, %gather3A_997 : vector<512x512xf32>
    %convert_element_type3A_999 = arith.truncf %add3A_998 : vector<512x512xf32> to vector<512x512xbf16>
    %exp3A_1000 = math.exp %convert_element_type3A_999 : vector<512x512xbf16>
    %slice3A_1001 = vector.extract_strided_slice %dot_general3A_981 {offsets = [0, 128], sizes = [512, 128], strides = [1, 1]} : vector<512x384xf32> to vector<512x128xf32>
    %convert_element_type3A_1002 = arith.truncf %slice3A_1001 : vector<512x128xf32> to vector<512x128xbf16>
    %broadcast_in_dim3A_1003 = arith.constant 1.000000e+00 : bf16
    %broadcast_in_dim3A_1004 = vector.broadcast %broadcast_in_dim3A_1003 : bf16 to vector<512x128xbf16>
    %concatenate3A_1005 = tpu.concatenate %convert_element_type3A_1002, %broadcast_in_dim3A_1004 in 1 : vector<512x128xbf16>, vector<512x128xbf16> -> vector<512x256xbf16>
    %dot_general3A_1006 = arith.constant dense<0.000000e+00> : vector<512x256xf32>
    %dot_general3A_1007 = tpu.matmul %exp3A_1000, %concatenate3A_1005, %dot_general3A_1006 {dimension_numbers = #tpu.dot_dimension_numbers<[1], [0], [0], [1], [0, 0, 1, 1], [], []>, transpose_lhs_hint = false} : vector<512x512xbf16>, vector<512x256xbf16>, vector<512x256xf32> -> vector<512x256xf32>
    %slice3A_1008 = vector.extract_strided_slice %dot_general3A_1007 {offsets = [0, 0], sizes = [512, 128], strides = [1, 1]} : vector<512x256xf32> to vector<512x128xf32>
    %slice3A_1009 = vector.extract_strided_slice %dot_general3A_1007 {offsets = [0, 128], sizes = [512, 128], strides = [1, 1]} : vector<512x256xf32> to vector<512x128xf32>
    %div3A_1010 = arith.divf %slice3A_1008, %slice3A_1009 : vector<512x128xf32>
    %add3A_1011 = arith.addf %add3A_973, %div3A_1010 : vector<512x128xf32>
    %add3A_1012 = arith.addf %add3A_704, %add3A_1011 : vector<512x128xf32>
    %convert_element_type3A_1013 = arith.truncf %add3A_1012 : vector<512x128xf32> to vector<512x128xbf16>
    %get3A_1014 = arith.constant 2 : index
    %get3A_1015 = arith.constant 0 : index
    %get3A_1016 = arith.constant 0 : index
    %get3A_1017 = vector.load %arg10[%get3A_1014, %get3A_1015, %get3A_1016] : memref<4x128x512xf32, #tpu.memory_space<vmem>>, vector<1x128x512xf32>
    %get3A_1018 = vector.shape_cast %get3A_1017 : vector<1x128x512xf32> to vector<128x512xf32>
    %convert_element_type3A_1019 = arith.truncf %get3A_1018 : vector<128x512xf32> to vector<128x512xbf16>
    %dot_general3A_1020 = arith.constant dense<0.000000e+00> : vector<512x512xf32>
    %dot_general3A_1021 = tpu.matmul %convert_element_type3A_1013, %convert_element_type3A_1019, %dot_general3A_1020 {dimension_numbers = #tpu.dot_dimension_numbers<[1], [0], [0], [1], [0, 0, 1, 1], [], []>, transpose_lhs_hint = false} : vector<512x128xbf16>, vector<128x512xbf16>, vector<512x512xf32> -> vector<512x512xf32>
    %get3A_1022 = arith.constant 2 : index
    %get3A_1023 = arith.constant 0 : index
    %get3A_1024 = arith.constant 0 : index
    %get3A_1025 = vector.load %arg12[%get3A_1022, %get3A_1023, %get3A_1024] : memref<4x1x512xf32, #tpu.memory_space<vmem>>, vector<1x1x512xf32>
    %get3A_1026 = vector.shape_cast %get3A_1025 : vector<1x1x512xf32> to vector<1x512xf32>
    %add3A_1027 = vector.broadcast %get3A_1026 : vector<1x512xf32> to vector<512x512xf32>
    %add3A_1028 = arith.addf %dot_general3A_1021, %add3A_1027 : vector<512x512xf32>
    %max3A_1029 = arith.constant 0.000000e+00 : f32
    %max3A_1030 = vector.broadcast %max3A_1029 : f32 to vector<512x512xf32>
    %max3A_1031 = arith.maximumf %add3A_1028, %max3A_1030 : vector<512x512xf32>
    %get3A_1032 = arith.constant 2 : index
    %get3A_1033 = arith.constant 0 : index
    %get3A_1034 = arith.constant 0 : index
    %get3A_1035 = vector.load %arg11[%get3A_1032, %get3A_1033, %get3A_1034] : memref<4x512x128xf32, #tpu.memory_space<vmem>>, vector<1x512x128xf32>
    %get3A_1036 = vector.shape_cast %get3A_1035 : vector<1x512x128xf32> to vector<512x128xf32>
    %dot_general3A_1037 = arith.constant dense<0.000000e+00> : vector<512x128xf32>
    %dot_general3A_1038 = tpu.matmul %max3A_1031, %get3A_1036, %dot_general3A_1037 {dimension_numbers = #tpu.dot_dimension_numbers<[1], [0], [0], [1], [0, 0, 1, 1], [], []>, transpose_lhs_hint = false} : vector<512x512xf32>, vector<512x128xf32>, vector<512x128xf32> -> vector<512x128xf32>
    %add3A_1039 = arith.addf %add3A_1012, %dot_general3A_1038 : vector<512x128xf32>
    %get3A_1040 = arith.constant 2 : index
    %get3A_1041 = arith.constant 0 : index
    %get3A_1042 = arith.constant 0 : index
    %get3A_1043 = vector.load %arg13[%get3A_1040, %get3A_1041, %get3A_1042] : memref<4x1x128xf32, #tpu.memory_space<vmem>>, vector<1x1x128xf32>
    %get3A_1044 = vector.shape_cast %get3A_1043 : vector<1x1x128xf32> to vector<1x128xf32>
    %add3A_1045 = vector.broadcast %get3A_1044 : vector<1x128xf32> to vector<512x128xf32>
    %add3A_1046 = arith.addf %add3A_1039, %add3A_1045 : vector<512x128xf32>
    %convert_element_type3A_1047 = arith.truncf %add3A_1046 : vector<512x128xf32> to vector<512x128xbf16>
    %broadcast_in_dim3A_1048 = arith.constant 0.000000e+00 : f32
    %broadcast_in_dim3A_1049 = vector.broadcast %broadcast_in_dim3A_1048 : f32 to vector<512x128xf32>
    %get3A_1050 = arith.constant 3 : index
    %get3A_1051 = arith.constant 0 : index
    %get3A_1052 = arith.constant 0 : index
    %get3A_1053 = arith.constant 0 : index
    %get3A_1054 = vector.load %arg17[%get3A_1050, %get3A_1051, %get3A_1052, %get3A_1053] : memref<4x8x128x384xbf16, #tpu.memory_space<vmem>>, vector<1x1x128x384xbf16>
    %get3A_1055 = vector.shape_cast %get3A_1054 : vector<1x1x128x384xbf16> to vector<128x384xbf16>
    %dot_general3A_1056 = arith.constant dense<0.000000e+00> : vector<512x384xf32>
    %dot_general3A_1057 = tpu.matmul %convert_element_type3A_1047, %get3A_1055, %dot_general3A_1056 {dimension_numbers = #tpu.dot_dimension_numbers<[1], [0], [0], [1], [0, 0, 1, 1], [], []>, transpose_lhs_hint = false} : vector<512x128xbf16>, vector<128x384xbf16>, vector<512x384xf32> -> vector<512x384xf32>
    %slice3A_1058 = vector.extract_strided_slice %dot_general3A_1057 {offsets = [0, 0], sizes = [512, 128], strides = [1, 1]} : vector<512x384xf32> to vector<512x128xf32>
    %convert_element_type3A_1059 = arith.truncf %slice3A_1058 : vector<512x128xf32> to vector<512x128xbf16>
    %dot_general3A_1060 = arith.constant dense<0.000000e+00> : vector<512x512xf32>
    %dot_general3A_1061 = tpu.matmul %convert_element_type3A_1059, %convert_element_type3A_1047, %dot_general3A_1060 {dimension_numbers = #tpu.dot_dimension_numbers<[1], [1], [0], [0], [0, 0, 1, 0], [], []>, transpose_lhs_hint = false} : vector<512x128xbf16>, vector<512x128xbf16>, vector<512x512xf32> -> vector<512x512xf32>
    %slice3A_1062 = vector.extract_strided_slice %dot_general3A_1057 {offsets = [0, 256], sizes = [512, 128], strides = [1, 1]} : vector<512x384xf32> to vector<512x128xf32>
    %add3A_1063 = arith.addf %slice3A_1062, %concatenate3A : vector<512x128xf32>
    %lt3A_1064 = arith.constant 0 : i32
    %lt3A_1065 = vector.broadcast %lt3A_1064 : i32 to vector<512x512xi32>
    %lt3A_1066 = arith.cmpi slt, %select_n3A, %lt3A_1065 : vector<512x512xi32>
    %add3A_1067 = arith.constant 128 : i32
    %add3A_1068 = vector.broadcast %add3A_1067 : i32 to vector<512x512xi32>
    %add3A_1069 = arith.addi %select_n3A, %add3A_1068 : vector<512x512xi32>
    %select_n3A_1070 = arith.select %lt3A_1066, %add3A_1069, %select_n3A : vector<512x512xi1>, vector<512x512xi32>
    %reshape3A_1071 = vector.shape_cast %select_n3A_1070 : vector<512x512xi32> to vector<512x512x1xi32>
    %gather3A_1072 = vector.shape_cast %reshape3A_1071 : vector<512x512x1xi32> to vector<512x512xi32>
    %gather3A_1073 = tpu.dynamic_gather %add3A_1063[%gather3A_1072] in [1] : vector<512x128xf32>, vector<512x512xi32> -> vector<512x512xf32>
    %add3A_1074 = arith.addf %dot_general3A_1061, %gather3A_1073 : vector<512x512xf32>
    %convert_element_type3A_1075 = arith.truncf %add3A_1074 : vector<512x512xf32> to vector<512x512xbf16>
    %exp3A_1076 = math.exp %convert_element_type3A_1075 : vector<512x512xbf16>
    %slice3A_1077 = vector.extract_strided_slice %dot_general3A_1057 {offsets = [0, 128], sizes = [512, 128], strides = [1, 1]} : vector<512x384xf32> to vector<512x128xf32>
    %convert_element_type3A_1078 = arith.truncf %slice3A_1077 : vector<512x128xf32> to vector<512x128xbf16>
    %broadcast_in_dim3A_1079 = arith.constant 1.000000e+00 : bf16
    %broadcast_in_dim3A_1080 = vector.broadcast %broadcast_in_dim3A_1079 : bf16 to vector<512x128xbf16>
    %concatenate3A_1081 = tpu.concatenate %convert_element_type3A_1078, %broadcast_in_dim3A_1080 in 1 : vector<512x128xbf16>, vector<512x128xbf16> -> vector<512x256xbf16>
    %dot_general3A_1082 = arith.constant dense<0.000000e+00> : vector<512x256xf32>
    %dot_general3A_1083 = tpu.matmul %exp3A_1076, %concatenate3A_1081, %dot_general3A_1082 {dimension_numbers = #tpu.dot_dimension_numbers<[1], [0], [0], [1], [0, 0, 1, 1], [], []>, transpose_lhs_hint = false} : vector<512x512xbf16>, vector<512x256xbf16>, vector<512x256xf32> -> vector<512x256xf32>
    %slice3A_1084 = vector.extract_strided_slice %dot_general3A_1083 {offsets = [0, 0], sizes = [512, 128], strides = [1, 1]} : vector<512x256xf32> to vector<512x128xf32>
    %slice3A_1085 = vector.extract_strided_slice %dot_general3A_1083 {offsets = [0, 128], sizes = [512, 128], strides = [1, 1]} : vector<512x256xf32> to vector<512x128xf32>
    %div3A_1086 = arith.divf %slice3A_1084, %slice3A_1085 : vector<512x128xf32>
    %add3A_1087 = arith.addf %broadcast_in_dim3A_1049, %div3A_1086 : vector<512x128xf32>
    %get3A_1088 = arith.constant 3 : index
    %get3A_1089 = arith.constant 1 : index
    %get3A_1090 = arith.constant 0 : index
    %get3A_1091 = arith.constant 0 : index
    %get3A_1092 = vector.load %arg17[%get3A_1088, %get3A_1089, %get3A_1090, %get3A_1091] : memref<4x8x128x384xbf16, #tpu.memory_space<vmem>>, vector<1x1x128x384xbf16>
    %get3A_1093 = vector.shape_cast %get3A_1092 : vector<1x1x128x384xbf16> to vector<128x384xbf16>
    %dot_general3A_1094 = arith.constant dense<0.000000e+00> : vector<512x384xf32>
    %dot_general3A_1095 = tpu.matmul %convert_element_type3A_1047, %get3A_1093, %dot_general3A_1094 {dimension_numbers = #tpu.dot_dimension_numbers<[1], [0], [0], [1], [0, 0, 1, 1], [], []>, transpose_lhs_hint = false} : vector<512x128xbf16>, vector<128x384xbf16>, vector<512x384xf32> -> vector<512x384xf32>
    %slice3A_1096 = vector.extract_strided_slice %dot_general3A_1095 {offsets = [0, 0], sizes = [512, 128], strides = [1, 1]} : vector<512x384xf32> to vector<512x128xf32>
    %convert_element_type3A_1097 = arith.truncf %slice3A_1096 : vector<512x128xf32> to vector<512x128xbf16>
    %dot_general3A_1098 = arith.constant dense<0.000000e+00> : vector<512x512xf32>
    %dot_general3A_1099 = tpu.matmul %convert_element_type3A_1097, %convert_element_type3A_1047, %dot_general3A_1098 {dimension_numbers = #tpu.dot_dimension_numbers<[1], [1], [0], [0], [0, 0, 1, 0], [], []>, transpose_lhs_hint = false} : vector<512x128xbf16>, vector<512x128xbf16>, vector<512x512xf32> -> vector<512x512xf32>
    %slice3A_1100 = vector.extract_strided_slice %dot_general3A_1095 {offsets = [0, 256], sizes = [512, 128], strides = [1, 1]} : vector<512x384xf32> to vector<512x128xf32>
    %add3A_1101 = arith.addf %slice3A_1100, %concatenate3A : vector<512x128xf32>
    %lt3A_1102 = arith.constant 0 : i32
    %lt3A_1103 = vector.broadcast %lt3A_1102 : i32 to vector<512x512xi32>
    %lt3A_1104 = arith.cmpi slt, %select_n3A, %lt3A_1103 : vector<512x512xi32>
    %add3A_1105 = arith.constant 128 : i32
    %add3A_1106 = vector.broadcast %add3A_1105 : i32 to vector<512x512xi32>
    %add3A_1107 = arith.addi %select_n3A, %add3A_1106 : vector<512x512xi32>
    %select_n3A_1108 = arith.select %lt3A_1104, %add3A_1107, %select_n3A : vector<512x512xi1>, vector<512x512xi32>
    %reshape3A_1109 = vector.shape_cast %select_n3A_1108 : vector<512x512xi32> to vector<512x512x1xi32>
    %gather3A_1110 = vector.shape_cast %reshape3A_1109 : vector<512x512x1xi32> to vector<512x512xi32>
    %gather3A_1111 = tpu.dynamic_gather %add3A_1101[%gather3A_1110] in [1] : vector<512x128xf32>, vector<512x512xi32> -> vector<512x512xf32>
    %add3A_1112 = arith.addf %dot_general3A_1099, %gather3A_1111 : vector<512x512xf32>
    %convert_element_type3A_1113 = arith.truncf %add3A_1112 : vector<512x512xf32> to vector<512x512xbf16>
    %exp3A_1114 = math.exp %convert_element_type3A_1113 : vector<512x512xbf16>
    %slice3A_1115 = vector.extract_strided_slice %dot_general3A_1095 {offsets = [0, 128], sizes = [512, 128], strides = [1, 1]} : vector<512x384xf32> to vector<512x128xf32>
    %convert_element_type3A_1116 = arith.truncf %slice3A_1115 : vector<512x128xf32> to vector<512x128xbf16>
    %broadcast_in_dim3A_1117 = arith.constant 1.000000e+00 : bf16
    %broadcast_in_dim3A_1118 = vector.broadcast %broadcast_in_dim3A_1117 : bf16 to vector<512x128xbf16>
    %concatenate3A_1119 = tpu.concatenate %convert_element_type3A_1116, %broadcast_in_dim3A_1118 in 1 : vector<512x128xbf16>, vector<512x128xbf16> -> vector<512x256xbf16>
    %dot_general3A_1120 = arith.constant dense<0.000000e+00> : vector<512x256xf32>
    %dot_general3A_1121 = tpu.matmul %exp3A_1114, %concatenate3A_1119, %dot_general3A_1120 {dimension_numbers = #tpu.dot_dimension_numbers<[1], [0], [0], [1], [0, 0, 1, 1], [], []>, transpose_lhs_hint = false} : vector<512x512xbf16>, vector<512x256xbf16>, vector<512x256xf32> -> vector<512x256xf32>
    %slice3A_1122 = vector.extract_strided_slice %dot_general3A_1121 {offsets = [0, 0], sizes = [512, 128], strides = [1, 1]} : vector<512x256xf32> to vector<512x128xf32>
    %slice3A_1123 = vector.extract_strided_slice %dot_general3A_1121 {offsets = [0, 128], sizes = [512, 128], strides = [1, 1]} : vector<512x256xf32> to vector<512x128xf32>
    %div3A_1124 = arith.divf %slice3A_1122, %slice3A_1123 : vector<512x128xf32>
    %add3A_1125 = arith.addf %add3A_1087, %div3A_1124 : vector<512x128xf32>
    %get3A_1126 = arith.constant 3 : index
    %get3A_1127 = arith.constant 2 : index
    %get3A_1128 = arith.constant 0 : index
    %get3A_1129 = arith.constant 0 : index
    %get3A_1130 = vector.load %arg17[%get3A_1126, %get3A_1127, %get3A_1128, %get3A_1129] : memref<4x8x128x384xbf16, #tpu.memory_space<vmem>>, vector<1x1x128x384xbf16>
    %get3A_1131 = vector.shape_cast %get3A_1130 : vector<1x1x128x384xbf16> to vector<128x384xbf16>
    %dot_general3A_1132 = arith.constant dense<0.000000e+00> : vector<512x384xf32>
    %dot_general3A_1133 = tpu.matmul %convert_element_type3A_1047, %get3A_1131, %dot_general3A_1132 {dimension_numbers = #tpu.dot_dimension_numbers<[1], [0], [0], [1], [0, 0, 1, 1], [], []>, transpose_lhs_hint = false} : vector<512x128xbf16>, vector<128x384xbf16>, vector<512x384xf32> -> vector<512x384xf32>
    %slice3A_1134 = vector.extract_strided_slice %dot_general3A_1133 {offsets = [0, 0], sizes = [512, 128], strides = [1, 1]} : vector<512x384xf32> to vector<512x128xf32>
    %convert_element_type3A_1135 = arith.truncf %slice3A_1134 : vector<512x128xf32> to vector<512x128xbf16>
    %dot_general3A_1136 = arith.constant dense<0.000000e+00> : vector<512x512xf32>
    %dot_general3A_1137 = tpu.matmul %convert_element_type3A_1135, %convert_element_type3A_1047, %dot_general3A_1136 {dimension_numbers = #tpu.dot_dimension_numbers<[1], [1], [0], [0], [0, 0, 1, 0], [], []>, transpose_lhs_hint = false} : vector<512x128xbf16>, vector<512x128xbf16>, vector<512x512xf32> -> vector<512x512xf32>
    %slice3A_1138 = vector.extract_strided_slice %dot_general3A_1133 {offsets = [0, 256], sizes = [512, 128], strides = [1, 1]} : vector<512x384xf32> to vector<512x128xf32>
    %add3A_1139 = arith.addf %slice3A_1138, %concatenate3A : vector<512x128xf32>
    %lt3A_1140 = arith.constant 0 : i32
    %lt3A_1141 = vector.broadcast %lt3A_1140 : i32 to vector<512x512xi32>
    %lt3A_1142 = arith.cmpi slt, %select_n3A, %lt3A_1141 : vector<512x512xi32>
    %add3A_1143 = arith.constant 128 : i32
    %add3A_1144 = vector.broadcast %add3A_1143 : i32 to vector<512x512xi32>
    %add3A_1145 = arith.addi %select_n3A, %add3A_1144 : vector<512x512xi32>
    %select_n3A_1146 = arith.select %lt3A_1142, %add3A_1145, %select_n3A : vector<512x512xi1>, vector<512x512xi32>
    %reshape3A_1147 = vector.shape_cast %select_n3A_1146 : vector<512x512xi32> to vector<512x512x1xi32>
    %gather3A_1148 = vector.shape_cast %reshape3A_1147 : vector<512x512x1xi32> to vector<512x512xi32>
    %gather3A_1149 = tpu.dynamic_gather %add3A_1139[%gather3A_1148] in [1] : vector<512x128xf32>, vector<512x512xi32> -> vector<512x512xf32>
    %add3A_1150 = arith.addf %dot_general3A_1137, %gather3A_1149 : vector<512x512xf32>
    %convert_element_type3A_1151 = arith.truncf %add3A_1150 : vector<512x512xf32> to vector<512x512xbf16>
    %exp3A_1152 = math.exp %convert_element_type3A_1151 : vector<512x512xbf16>
    %slice3A_1153 = vector.extract_strided_slice %dot_general3A_1133 {offsets = [0, 128], sizes = [512, 128], strides = [1, 1]} : vector<512x384xf32> to vector<512x128xf32>
    %convert_element_type3A_1154 = arith.truncf %slice3A_1153 : vector<512x128xf32> to vector<512x128xbf16>
    %broadcast_in_dim3A_1155 = arith.constant 1.000000e+00 : bf16
    %broadcast_in_dim3A_1156 = vector.broadcast %broadcast_in_dim3A_1155 : bf16 to vector<512x128xbf16>
    %concatenate3A_1157 = tpu.concatenate %convert_element_type3A_1154, %broadcast_in_dim3A_1156 in 1 : vector<512x128xbf16>, vector<512x128xbf16> -> vector<512x256xbf16>
    %dot_general3A_1158 = arith.constant dense<0.000000e+00> : vector<512x256xf32>
    %dot_general3A_1159 = tpu.matmul %exp3A_1152, %concatenate3A_1157, %dot_general3A_1158 {dimension_numbers = #tpu.dot_dimension_numbers<[1], [0], [0], [1], [0, 0, 1, 1], [], []>, transpose_lhs_hint = false} : vector<512x512xbf16>, vector<512x256xbf16>, vector<512x256xf32> -> vector<512x256xf32>
    %slice3A_1160 = vector.extract_strided_slice %dot_general3A_1159 {offsets = [0, 0], sizes = [512, 128], strides = [1, 1]} : vector<512x256xf32> to vector<512x128xf32>
    %slice3A_1161 = vector.extract_strided_slice %dot_general3A_1159 {offsets = [0, 128], sizes = [512, 128], strides = [1, 1]} : vector<512x256xf32> to vector<512x128xf32>
    %div3A_1162 = arith.divf %slice3A_1160, %slice3A_1161 : vector<512x128xf32>
    %add3A_1163 = arith.addf %add3A_1125, %div3A_1162 : vector<512x128xf32>
    %get3A_1164 = arith.constant 3 : index
    %get3A_1165 = arith.constant 3 : index
    %get3A_1166 = arith.constant 0 : index
    %get3A_1167 = arith.constant 0 : index
    %get3A_1168 = vector.load %arg17[%get3A_1164, %get3A_1165, %get3A_1166, %get3A_1167] : memref<4x8x128x384xbf16, #tpu.memory_space<vmem>>, vector<1x1x128x384xbf16>
    %get3A_1169 = vector.shape_cast %get3A_1168 : vector<1x1x128x384xbf16> to vector<128x384xbf16>
    %dot_general3A_1170 = arith.constant dense<0.000000e+00> : vector<512x384xf32>
    %dot_general3A_1171 = tpu.matmul %convert_element_type3A_1047, %get3A_1169, %dot_general3A_1170 {dimension_numbers = #tpu.dot_dimension_numbers<[1], [0], [0], [1], [0, 0, 1, 1], [], []>, transpose_lhs_hint = false} : vector<512x128xbf16>, vector<128x384xbf16>, vector<512x384xf32> -> vector<512x384xf32>
    %slice3A_1172 = vector.extract_strided_slice %dot_general3A_1171 {offsets = [0, 0], sizes = [512, 128], strides = [1, 1]} : vector<512x384xf32> to vector<512x128xf32>
    %convert_element_type3A_1173 = arith.truncf %slice3A_1172 : vector<512x128xf32> to vector<512x128xbf16>
    %dot_general3A_1174 = arith.constant dense<0.000000e+00> : vector<512x512xf32>
    %dot_general3A_1175 = tpu.matmul %convert_element_type3A_1173, %convert_element_type3A_1047, %dot_general3A_1174 {dimension_numbers = #tpu.dot_dimension_numbers<[1], [1], [0], [0], [0, 0, 1, 0], [], []>, transpose_lhs_hint = false} : vector<512x128xbf16>, vector<512x128xbf16>, vector<512x512xf32> -> vector<512x512xf32>
    %slice3A_1176 = vector.extract_strided_slice %dot_general3A_1171 {offsets = [0, 256], sizes = [512, 128], strides = [1, 1]} : vector<512x384xf32> to vector<512x128xf32>
    %add3A_1177 = arith.addf %slice3A_1176, %concatenate3A : vector<512x128xf32>
    %lt3A_1178 = arith.constant 0 : i32
    %lt3A_1179 = vector.broadcast %lt3A_1178 : i32 to vector<512x512xi32>
    %lt3A_1180 = arith.cmpi slt, %select_n3A, %lt3A_1179 : vector<512x512xi32>
    %add3A_1181 = arith.constant 128 : i32
    %add3A_1182 = vector.broadcast %add3A_1181 : i32 to vector<512x512xi32>
    %add3A_1183 = arith.addi %select_n3A, %add3A_1182 : vector<512x512xi32>
    %select_n3A_1184 = arith.select %lt3A_1180, %add3A_1183, %select_n3A : vector<512x512xi1>, vector<512x512xi32>
    %reshape3A_1185 = vector.shape_cast %select_n3A_1184 : vector<512x512xi32> to vector<512x512x1xi32>
    %gather3A_1186 = vector.shape_cast %reshape3A_1185 : vector<512x512x1xi32> to vector<512x512xi32>
    %gather3A_1187 = tpu.dynamic_gather %add3A_1177[%gather3A_1186] in [1] : vector<512x128xf32>, vector<512x512xi32> -> vector<512x512xf32>
    %add3A_1188 = arith.addf %dot_general3A_1175, %gather3A_1187 : vector<512x512xf32>
    %convert_element_type3A_1189 = arith.truncf %add3A_1188 : vector<512x512xf32> to vector<512x512xbf16>
    %exp3A_1190 = math.exp %convert_element_type3A_1189 : vector<512x512xbf16>
    %slice3A_1191 = vector.extract_strided_slice %dot_general3A_1171 {offsets = [0, 128], sizes = [512, 128], strides = [1, 1]} : vector<512x384xf32> to vector<512x128xf32>
    %convert_element_type3A_1192 = arith.truncf %slice3A_1191 : vector<512x128xf32> to vector<512x128xbf16>
    %broadcast_in_dim3A_1193 = arith.constant 1.000000e+00 : bf16
    %broadcast_in_dim3A_1194 = vector.broadcast %broadcast_in_dim3A_1193 : bf16 to vector<512x128xbf16>
    %concatenate3A_1195 = tpu.concatenate %convert_element_type3A_1192, %broadcast_in_dim3A_1194 in 1 : vector<512x128xbf16>, vector<512x128xbf16> -> vector<512x256xbf16>
    %dot_general3A_1196 = arith.constant dense<0.000000e+00> : vector<512x256xf32>
    %dot_general3A_1197 = tpu.matmul %exp3A_1190, %concatenate3A_1195, %dot_general3A_1196 {dimension_numbers = #tpu.dot_dimension_numbers<[1], [0], [0], [1], [0, 0, 1, 1], [], []>, transpose_lhs_hint = false} : vector<512x512xbf16>, vector<512x256xbf16>, vector<512x256xf32> -> vector<512x256xf32>
    %slice3A_1198 = vector.extract_strided_slice %dot_general3A_1197 {offsets = [0, 0], sizes = [512, 128], strides = [1, 1]} : vector<512x256xf32> to vector<512x128xf32>
    %slice3A_1199 = vector.extract_strided_slice %dot_general3A_1197 {offsets = [0, 128], sizes = [512, 128], strides = [1, 1]} : vector<512x256xf32> to vector<512x128xf32>
    %div3A_1200 = arith.divf %slice3A_1198, %slice3A_1199 : vector<512x128xf32>
    %add3A_1201 = arith.addf %add3A_1163, %div3A_1200 : vector<512x128xf32>
    %get3A_1202 = arith.constant 3 : index
    %get3A_1203 = arith.constant 4 : index
    %get3A_1204 = arith.constant 0 : index
    %get3A_1205 = arith.constant 0 : index
    %get3A_1206 = vector.load %arg17[%get3A_1202, %get3A_1203, %get3A_1204, %get3A_1205] : memref<4x8x128x384xbf16, #tpu.memory_space<vmem>>, vector<1x1x128x384xbf16>
    %get3A_1207 = vector.shape_cast %get3A_1206 : vector<1x1x128x384xbf16> to vector<128x384xbf16>
    %dot_general3A_1208 = arith.constant dense<0.000000e+00> : vector<512x384xf32>
    %dot_general3A_1209 = tpu.matmul %convert_element_type3A_1047, %get3A_1207, %dot_general3A_1208 {dimension_numbers = #tpu.dot_dimension_numbers<[1], [0], [0], [1], [0, 0, 1, 1], [], []>, transpose_lhs_hint = false} : vector<512x128xbf16>, vector<128x384xbf16>, vector<512x384xf32> -> vector<512x384xf32>
    %slice3A_1210 = vector.extract_strided_slice %dot_general3A_1209 {offsets = [0, 0], sizes = [512, 128], strides = [1, 1]} : vector<512x384xf32> to vector<512x128xf32>
    %convert_element_type3A_1211 = arith.truncf %slice3A_1210 : vector<512x128xf32> to vector<512x128xbf16>
    %dot_general3A_1212 = arith.constant dense<0.000000e+00> : vector<512x512xf32>
    %dot_general3A_1213 = tpu.matmul %convert_element_type3A_1211, %convert_element_type3A_1047, %dot_general3A_1212 {dimension_numbers = #tpu.dot_dimension_numbers<[1], [1], [0], [0], [0, 0, 1, 0], [], []>, transpose_lhs_hint = false} : vector<512x128xbf16>, vector<512x128xbf16>, vector<512x512xf32> -> vector<512x512xf32>
    %slice3A_1214 = vector.extract_strided_slice %dot_general3A_1209 {offsets = [0, 256], sizes = [512, 128], strides = [1, 1]} : vector<512x384xf32> to vector<512x128xf32>
    %add3A_1215 = arith.addf %slice3A_1214, %concatenate3A : vector<512x128xf32>
    %lt3A_1216 = arith.constant 0 : i32
    %lt3A_1217 = vector.broadcast %lt3A_1216 : i32 to vector<512x512xi32>
    %lt3A_1218 = arith.cmpi slt, %select_n3A, %lt3A_1217 : vector<512x512xi32>
    %add3A_1219 = arith.constant 128 : i32
    %add3A_1220 = vector.broadcast %add3A_1219 : i32 to vector<512x512xi32>
    %add3A_1221 = arith.addi %select_n3A, %add3A_1220 : vector<512x512xi32>
    %select_n3A_1222 = arith.select %lt3A_1218, %add3A_1221, %select_n3A : vector<512x512xi1>, vector<512x512xi32>
    %reshape3A_1223 = vector.shape_cast %select_n3A_1222 : vector<512x512xi32> to vector<512x512x1xi32>
    %gather3A_1224 = vector.shape_cast %reshape3A_1223 : vector<512x512x1xi32> to vector<512x512xi32>
    %gather3A_1225 = tpu.dynamic_gather %add3A_1215[%gather3A_1224] in [1] : vector<512x128xf32>, vector<512x512xi32> -> vector<512x512xf32>
    %add3A_1226 = arith.addf %dot_general3A_1213, %gather3A_1225 : vector<512x512xf32>
    %convert_element_type3A_1227 = arith.truncf %add3A_1226 : vector<512x512xf32> to vector<512x512xbf16>
    %exp3A_1228 = math.exp %convert_element_type3A_1227 : vector<512x512xbf16>
    %slice3A_1229 = vector.extract_strided_slice %dot_general3A_1209 {offsets = [0, 128], sizes = [512, 128], strides = [1, 1]} : vector<512x384xf32> to vector<512x128xf32>
    %convert_element_type3A_1230 = arith.truncf %slice3A_1229 : vector<512x128xf32> to vector<512x128xbf16>
    %broadcast_in_dim3A_1231 = arith.constant 1.000000e+00 : bf16
    %broadcast_in_dim3A_1232 = vector.broadcast %broadcast_in_dim3A_1231 : bf16 to vector<512x128xbf16>
    %concatenate3A_1233 = tpu.concatenate %convert_element_type3A_1230, %broadcast_in_dim3A_1232 in 1 : vector<512x128xbf16>, vector<512x128xbf16> -> vector<512x256xbf16>
    %dot_general3A_1234 = arith.constant dense<0.000000e+00> : vector<512x256xf32>
    %dot_general3A_1235 = tpu.matmul %exp3A_1228, %concatenate3A_1233, %dot_general3A_1234 {dimension_numbers = #tpu.dot_dimension_numbers<[1], [0], [0], [1], [0, 0, 1, 1], [], []>, transpose_lhs_hint = false} : vector<512x512xbf16>, vector<512x256xbf16>, vector<512x256xf32> -> vector<512x256xf32>
    %slice3A_1236 = vector.extract_strided_slice %dot_general3A_1235 {offsets = [0, 0], sizes = [512, 128], strides = [1, 1]} : vector<512x256xf32> to vector<512x128xf32>
    %slice3A_1237 = vector.extract_strided_slice %dot_general3A_1235 {offsets = [0, 128], sizes = [512, 128], strides = [1, 1]} : vector<512x256xf32> to vector<512x128xf32>
    %div3A_1238 = arith.divf %slice3A_1236, %slice3A_1237 : vector<512x128xf32>
    %add3A_1239 = arith.addf %add3A_1201, %div3A_1238 : vector<512x128xf32>
    %get3A_1240 = arith.constant 3 : index
    %get3A_1241 = arith.constant 5 : index
    %get3A_1242 = arith.constant 0 : index
    %get3A_1243 = arith.constant 0 : index
    %get3A_1244 = vector.load %arg17[%get3A_1240, %get3A_1241, %get3A_1242, %get3A_1243] : memref<4x8x128x384xbf16, #tpu.memory_space<vmem>>, vector<1x1x128x384xbf16>
    %get3A_1245 = vector.shape_cast %get3A_1244 : vector<1x1x128x384xbf16> to vector<128x384xbf16>
    %dot_general3A_1246 = arith.constant dense<0.000000e+00> : vector<512x384xf32>
    %dot_general3A_1247 = tpu.matmul %convert_element_type3A_1047, %get3A_1245, %dot_general3A_1246 {dimension_numbers = #tpu.dot_dimension_numbers<[1], [0], [0], [1], [0, 0, 1, 1], [], []>, transpose_lhs_hint = false} : vector<512x128xbf16>, vector<128x384xbf16>, vector<512x384xf32> -> vector<512x384xf32>
    %slice3A_1248 = vector.extract_strided_slice %dot_general3A_1247 {offsets = [0, 0], sizes = [512, 128], strides = [1, 1]} : vector<512x384xf32> to vector<512x128xf32>
    %convert_element_type3A_1249 = arith.truncf %slice3A_1248 : vector<512x128xf32> to vector<512x128xbf16>
    %dot_general3A_1250 = arith.constant dense<0.000000e+00> : vector<512x512xf32>
    %dot_general3A_1251 = tpu.matmul %convert_element_type3A_1249, %convert_element_type3A_1047, %dot_general3A_1250 {dimension_numbers = #tpu.dot_dimension_numbers<[1], [1], [0], [0], [0, 0, 1, 0], [], []>, transpose_lhs_hint = false} : vector<512x128xbf16>, vector<512x128xbf16>, vector<512x512xf32> -> vector<512x512xf32>
    %slice3A_1252 = vector.extract_strided_slice %dot_general3A_1247 {offsets = [0, 256], sizes = [512, 128], strides = [1, 1]} : vector<512x384xf32> to vector<512x128xf32>
    %add3A_1253 = arith.addf %slice3A_1252, %concatenate3A : vector<512x128xf32>
    %lt3A_1254 = arith.constant 0 : i32
    %lt3A_1255 = vector.broadcast %lt3A_1254 : i32 to vector<512x512xi32>
    %lt3A_1256 = arith.cmpi slt, %select_n3A, %lt3A_1255 : vector<512x512xi32>
    %add3A_1257 = arith.constant 128 : i32
    %add3A_1258 = vector.broadcast %add3A_1257 : i32 to vector<512x512xi32>
    %add3A_1259 = arith.addi %select_n3A, %add3A_1258 : vector<512x512xi32>
    %select_n3A_1260 = arith.select %lt3A_1256, %add3A_1259, %select_n3A : vector<512x512xi1>, vector<512x512xi32>
    %reshape3A_1261 = vector.shape_cast %select_n3A_1260 : vector<512x512xi32> to vector<512x512x1xi32>
    %gather3A_1262 = vector.shape_cast %reshape3A_1261 : vector<512x512x1xi32> to vector<512x512xi32>
    %gather3A_1263 = tpu.dynamic_gather %add3A_1253[%gather3A_1262] in [1] : vector<512x128xf32>, vector<512x512xi32> -> vector<512x512xf32>
    %add3A_1264 = arith.addf %dot_general3A_1251, %gather3A_1263 : vector<512x512xf32>
    %convert_element_type3A_1265 = arith.truncf %add3A_1264 : vector<512x512xf32> to vector<512x512xbf16>
    %exp3A_1266 = math.exp %convert_element_type3A_1265 : vector<512x512xbf16>
    %slice3A_1267 = vector.extract_strided_slice %dot_general3A_1247 {offsets = [0, 128], sizes = [512, 128], strides = [1, 1]} : vector<512x384xf32> to vector<512x128xf32>
    %convert_element_type3A_1268 = arith.truncf %slice3A_1267 : vector<512x128xf32> to vector<512x128xbf16>
    %broadcast_in_dim3A_1269 = arith.constant 1.000000e+00 : bf16
    %broadcast_in_dim3A_1270 = vector.broadcast %broadcast_in_dim3A_1269 : bf16 to vector<512x128xbf16>
    %concatenate3A_1271 = tpu.concatenate %convert_element_type3A_1268, %broadcast_in_dim3A_1270 in 1 : vector<512x128xbf16>, vector<512x128xbf16> -> vector<512x256xbf16>
    %dot_general3A_1272 = arith.constant dense<0.000000e+00> : vector<512x256xf32>
    %dot_general3A_1273 = tpu.matmul %exp3A_1266, %concatenate3A_1271, %dot_general3A_1272 {dimension_numbers = #tpu.dot_dimension_numbers<[1], [0], [0], [1], [0, 0, 1, 1], [], []>, transpose_lhs_hint = false} : vector<512x512xbf16>, vector<512x256xbf16>, vector<512x256xf32> -> vector<512x256xf32>
    %slice3A_1274 = vector.extract_strided_slice %dot_general3A_1273 {offsets = [0, 0], sizes = [512, 128], strides = [1, 1]} : vector<512x256xf32> to vector<512x128xf32>
    %slice3A_1275 = vector.extract_strided_slice %dot_general3A_1273 {offsets = [0, 128], sizes = [512, 128], strides = [1, 1]} : vector<512x256xf32> to vector<512x128xf32>
    %div3A_1276 = arith.divf %slice3A_1274, %slice3A_1275 : vector<512x128xf32>
    %add3A_1277 = arith.addf %add3A_1239, %div3A_1276 : vector<512x128xf32>
    %get3A_1278 = arith.constant 3 : index
    %get3A_1279 = arith.constant 6 : index
    %get3A_1280 = arith.constant 0 : index
    %get3A_1281 = arith.constant 0 : index
    %get3A_1282 = vector.load %arg17[%get3A_1278, %get3A_1279, %get3A_1280, %get3A_1281] : memref<4x8x128x384xbf16, #tpu.memory_space<vmem>>, vector<1x1x128x384xbf16>
    %get3A_1283 = vector.shape_cast %get3A_1282 : vector<1x1x128x384xbf16> to vector<128x384xbf16>
    %dot_general3A_1284 = arith.constant dense<0.000000e+00> : vector<512x384xf32>
    %dot_general3A_1285 = tpu.matmul %convert_element_type3A_1047, %get3A_1283, %dot_general3A_1284 {dimension_numbers = #tpu.dot_dimension_numbers<[1], [0], [0], [1], [0, 0, 1, 1], [], []>, transpose_lhs_hint = false} : vector<512x128xbf16>, vector<128x384xbf16>, vector<512x384xf32> -> vector<512x384xf32>
    %slice3A_1286 = vector.extract_strided_slice %dot_general3A_1285 {offsets = [0, 0], sizes = [512, 128], strides = [1, 1]} : vector<512x384xf32> to vector<512x128xf32>
    %convert_element_type3A_1287 = arith.truncf %slice3A_1286 : vector<512x128xf32> to vector<512x128xbf16>
    %dot_general3A_1288 = arith.constant dense<0.000000e+00> : vector<512x512xf32>
    %dot_general3A_1289 = tpu.matmul %convert_element_type3A_1287, %convert_element_type3A_1047, %dot_general3A_1288 {dimension_numbers = #tpu.dot_dimension_numbers<[1], [1], [0], [0], [0, 0, 1, 0], [], []>, transpose_lhs_hint = false} : vector<512x128xbf16>, vector<512x128xbf16>, vector<512x512xf32> -> vector<512x512xf32>
    %slice3A_1290 = vector.extract_strided_slice %dot_general3A_1285 {offsets = [0, 256], sizes = [512, 128], strides = [1, 1]} : vector<512x384xf32> to vector<512x128xf32>
    %add3A_1291 = arith.addf %slice3A_1290, %concatenate3A : vector<512x128xf32>
    %lt3A_1292 = arith.constant 0 : i32
    %lt3A_1293 = vector.broadcast %lt3A_1292 : i32 to vector<512x512xi32>
    %lt3A_1294 = arith.cmpi slt, %select_n3A, %lt3A_1293 : vector<512x512xi32>
    %add3A_1295 = arith.constant 128 : i32
    %add3A_1296 = vector.broadcast %add3A_1295 : i32 to vector<512x512xi32>
    %add3A_1297 = arith.addi %select_n3A, %add3A_1296 : vector<512x512xi32>
    %select_n3A_1298 = arith.select %lt3A_1294, %add3A_1297, %select_n3A : vector<512x512xi1>, vector<512x512xi32>
    %reshape3A_1299 = vector.shape_cast %select_n3A_1298 : vector<512x512xi32> to vector<512x512x1xi32>
    %gather3A_1300 = vector.shape_cast %reshape3A_1299 : vector<512x512x1xi32> to vector<512x512xi32>
    %gather3A_1301 = tpu.dynamic_gather %add3A_1291[%gather3A_1300] in [1] : vector<512x128xf32>, vector<512x512xi32> -> vector<512x512xf32>
    %add3A_1302 = arith.addf %dot_general3A_1289, %gather3A_1301 : vector<512x512xf32>
    %convert_element_type3A_1303 = arith.truncf %add3A_1302 : vector<512x512xf32> to vector<512x512xbf16>
    %exp3A_1304 = math.exp %convert_element_type3A_1303 : vector<512x512xbf16>
    %slice3A_1305 = vector.extract_strided_slice %dot_general3A_1285 {offsets = [0, 128], sizes = [512, 128], strides = [1, 1]} : vector<512x384xf32> to vector<512x128xf32>
    %convert_element_type3A_1306 = arith.truncf %slice3A_1305 : vector<512x128xf32> to vector<512x128xbf16>
    %broadcast_in_dim3A_1307 = arith.constant 1.000000e+00 : bf16
    %broadcast_in_dim3A_1308 = vector.broadcast %broadcast_in_dim3A_1307 : bf16 to vector<512x128xbf16>
    %concatenate3A_1309 = tpu.concatenate %convert_element_type3A_1306, %broadcast_in_dim3A_1308 in 1 : vector<512x128xbf16>, vector<512x128xbf16> -> vector<512x256xbf16>
    %dot_general3A_1310 = arith.constant dense<0.000000e+00> : vector<512x256xf32>
    %dot_general3A_1311 = tpu.matmul %exp3A_1304, %concatenate3A_1309, %dot_general3A_1310 {dimension_numbers = #tpu.dot_dimension_numbers<[1], [0], [0], [1], [0, 0, 1, 1], [], []>, transpose_lhs_hint = false} : vector<512x512xbf16>, vector<512x256xbf16>, vector<512x256xf32> -> vector<512x256xf32>
    %slice3A_1312 = vector.extract_strided_slice %dot_general3A_1311 {offsets = [0, 0], sizes = [512, 128], strides = [1, 1]} : vector<512x256xf32> to vector<512x128xf32>
    %slice3A_1313 = vector.extract_strided_slice %dot_general3A_1311 {offsets = [0, 128], sizes = [512, 128], strides = [1, 1]} : vector<512x256xf32> to vector<512x128xf32>
    %div3A_1314 = arith.divf %slice3A_1312, %slice3A_1313 : vector<512x128xf32>
    %add3A_1315 = arith.addf %add3A_1277, %div3A_1314 : vector<512x128xf32>
    %get3A_1316 = arith.constant 3 : index
    %get3A_1317 = arith.constant 7 : index
    %get3A_1318 = arith.constant 0 : index
    %get3A_1319 = arith.constant 0 : index
    %get3A_1320 = vector.load %arg17[%get3A_1316, %get3A_1317, %get3A_1318, %get3A_1319] : memref<4x8x128x384xbf16, #tpu.memory_space<vmem>>, vector<1x1x128x384xbf16>
    %get3A_1321 = vector.shape_cast %get3A_1320 : vector<1x1x128x384xbf16> to vector<128x384xbf16>
    %dot_general3A_1322 = arith.constant dense<0.000000e+00> : vector<512x384xf32>
    %dot_general3A_1323 = tpu.matmul %convert_element_type3A_1047, %get3A_1321, %dot_general3A_1322 {dimension_numbers = #tpu.dot_dimension_numbers<[1], [0], [0], [1], [0, 0, 1, 1], [], []>, transpose_lhs_hint = false} : vector<512x128xbf16>, vector<128x384xbf16>, vector<512x384xf32> -> vector<512x384xf32>
    %slice3A_1324 = vector.extract_strided_slice %dot_general3A_1323 {offsets = [0, 0], sizes = [512, 128], strides = [1, 1]} : vector<512x384xf32> to vector<512x128xf32>
    %convert_element_type3A_1325 = arith.truncf %slice3A_1324 : vector<512x128xf32> to vector<512x128xbf16>
    %dot_general3A_1326 = arith.constant dense<0.000000e+00> : vector<512x512xf32>
    %dot_general3A_1327 = tpu.matmul %convert_element_type3A_1325, %convert_element_type3A_1047, %dot_general3A_1326 {dimension_numbers = #tpu.dot_dimension_numbers<[1], [1], [0], [0], [0, 0, 1, 0], [], []>, transpose_lhs_hint = false} : vector<512x128xbf16>, vector<512x128xbf16>, vector<512x512xf32> -> vector<512x512xf32>
    %slice3A_1328 = vector.extract_strided_slice %dot_general3A_1323 {offsets = [0, 256], sizes = [512, 128], strides = [1, 1]} : vector<512x384xf32> to vector<512x128xf32>
    %add3A_1329 = arith.addf %slice3A_1328, %concatenate3A : vector<512x128xf32>
    %lt3A_1330 = arith.constant 0 : i32
    %lt3A_1331 = vector.broadcast %lt3A_1330 : i32 to vector<512x512xi32>
    %lt3A_1332 = arith.cmpi slt, %select_n3A, %lt3A_1331 : vector<512x512xi32>
    %add3A_1333 = arith.constant 128 : i32
    %add3A_1334 = vector.broadcast %add3A_1333 : i32 to vector<512x512xi32>
    %add3A_1335 = arith.addi %select_n3A, %add3A_1334 : vector<512x512xi32>
    %select_n3A_1336 = arith.select %lt3A_1332, %add3A_1335, %select_n3A : vector<512x512xi1>, vector<512x512xi32>
    %reshape3A_1337 = vector.shape_cast %select_n3A_1336 : vector<512x512xi32> to vector<512x512x1xi32>
    %gather3A_1338 = vector.shape_cast %reshape3A_1337 : vector<512x512x1xi32> to vector<512x512xi32>
    %gather3A_1339 = tpu.dynamic_gather %add3A_1329[%gather3A_1338] in [1] : vector<512x128xf32>, vector<512x512xi32> -> vector<512x512xf32>
    %add3A_1340 = arith.addf %dot_general3A_1327, %gather3A_1339 : vector<512x512xf32>
    %convert_element_type3A_1341 = arith.truncf %add3A_1340 : vector<512x512xf32> to vector<512x512xbf16>
    %exp3A_1342 = math.exp %convert_element_type3A_1341 : vector<512x512xbf16>
    %slice3A_1343 = vector.extract_strided_slice %dot_general3A_1323 {offsets = [0, 128], sizes = [512, 128], strides = [1, 1]} : vector<512x384xf32> to vector<512x128xf32>
    %convert_element_type3A_1344 = arith.truncf %slice3A_1343 : vector<512x128xf32> to vector<512x128xbf16>
    %broadcast_in_dim3A_1345 = arith.constant 1.000000e+00 : bf16
    %broadcast_in_dim3A_1346 = vector.broadcast %broadcast_in_dim3A_1345 : bf16 to vector<512x128xbf16>
    %concatenate3A_1347 = tpu.concatenate %convert_element_type3A_1344, %broadcast_in_dim3A_1346 in 1 : vector<512x128xbf16>, vector<512x128xbf16> -> vector<512x256xbf16>
    %dot_general3A_1348 = arith.constant dense<0.000000e+00> : vector<512x256xf32>
    %dot_general3A_1349 = tpu.matmul %exp3A_1342, %concatenate3A_1347, %dot_general3A_1348 {dimension_numbers = #tpu.dot_dimension_numbers<[1], [0], [0], [1], [0, 0, 1, 1], [], []>, transpose_lhs_hint = false} : vector<512x512xbf16>, vector<512x256xbf16>, vector<512x256xf32> -> vector<512x256xf32>
    %slice3A_1350 = vector.extract_strided_slice %dot_general3A_1349 {offsets = [0, 0], sizes = [512, 128], strides = [1, 1]} : vector<512x256xf32> to vector<512x128xf32>
    %slice3A_1351 = vector.extract_strided_slice %dot_general3A_1349 {offsets = [0, 128], sizes = [512, 128], strides = [1, 1]} : vector<512x256xf32> to vector<512x128xf32>
    %div3A_1352 = arith.divf %slice3A_1350, %slice3A_1351 : vector<512x128xf32>
    %add3A_1353 = arith.addf %add3A_1315, %div3A_1352 : vector<512x128xf32>
    %add3A_1354 = arith.addf %add3A_1046, %add3A_1353 : vector<512x128xf32>
    %convert_element_type3A_1355 = arith.truncf %add3A_1354 : vector<512x128xf32> to vector<512x128xbf16>
    %get3A_1356 = arith.constant 3 : index
    %get3A_1357 = arith.constant 0 : index
    %get3A_1358 = arith.constant 0 : index
    %get3A_1359 = vector.load %arg10[%get3A_1356, %get3A_1357, %get3A_1358] : memref<4x128x512xf32, #tpu.memory_space<vmem>>, vector<1x128x512xf32>
    %get3A_1360 = vector.shape_cast %get3A_1359 : vector<1x128x512xf32> to vector<128x512xf32>
    %convert_element_type3A_1361 = arith.truncf %get3A_1360 : vector<128x512xf32> to vector<128x512xbf16>
    %dot_general3A_1362 = arith.constant dense<0.000000e+00> : vector<512x512xf32>
    %dot_general3A_1363 = tpu.matmul %convert_element_type3A_1355, %convert_element_type3A_1361, %dot_general3A_1362 {dimension_numbers = #tpu.dot_dimension_numbers<[1], [0], [0], [1], [0, 0, 1, 1], [], []>, transpose_lhs_hint = false} : vector<512x128xbf16>, vector<128x512xbf16>, vector<512x512xf32> -> vector<512x512xf32>
    %get3A_1364 = arith.constant 3 : index
    %get3A_1365 = arith.constant 0 : index
    %get3A_1366 = arith.constant 0 : index
    %get3A_1367 = vector.load %arg12[%get3A_1364, %get3A_1365, %get3A_1366] : memref<4x1x512xf32, #tpu.memory_space<vmem>>, vector<1x1x512xf32>
    %get3A_1368 = vector.shape_cast %get3A_1367 : vector<1x1x512xf32> to vector<1x512xf32>
    %add3A_1369 = vector.broadcast %get3A_1368 : vector<1x512xf32> to vector<512x512xf32>
    %add3A_1370 = arith.addf %dot_general3A_1363, %add3A_1369 : vector<512x512xf32>
    %max3A_1371 = arith.constant 0.000000e+00 : f32
    %max3A_1372 = vector.broadcast %max3A_1371 : f32 to vector<512x512xf32>
    %max3A_1373 = arith.maximumf %add3A_1370, %max3A_1372 : vector<512x512xf32>
    %get3A_1374 = arith.constant 3 : index
    %get3A_1375 = arith.constant 0 : index
    %get3A_1376 = arith.constant 0 : index
    %get3A_1377 = vector.load %arg11[%get3A_1374, %get3A_1375, %get3A_1376] : memref<4x512x128xf32, #tpu.memory_space<vmem>>, vector<1x512x128xf32>
    %get3A_1378 = vector.shape_cast %get3A_1377 : vector<1x512x128xf32> to vector<512x128xf32>
    %dot_general3A_1379 = arith.constant dense<0.000000e+00> : vector<512x128xf32>
    %dot_general3A_1380 = tpu.matmul %max3A_1373, %get3A_1378, %dot_general3A_1379 {dimension_numbers = #tpu.dot_dimension_numbers<[1], [0], [0], [1], [0, 0, 1, 1], [], []>, transpose_lhs_hint = false} : vector<512x512xf32>, vector<512x128xf32>, vector<512x128xf32> -> vector<512x128xf32>
    %add3A_1381 = arith.addf %add3A_1354, %dot_general3A_1380 : vector<512x128xf32>
    %get3A_1382 = arith.constant 3 : index
    %get3A_1383 = arith.constant 0 : index
    %get3A_1384 = arith.constant 0 : index
    %get3A_1385 = vector.load %arg13[%get3A_1382, %get3A_1383, %get3A_1384] : memref<4x1x128xf32, #tpu.memory_space<vmem>>, vector<1x1x128xf32>
    %get3A_1386 = vector.shape_cast %get3A_1385 : vector<1x1x128xf32> to vector<1x128xf32>
    %add3A_1387 = vector.broadcast %get3A_1386 : vector<1x128xf32> to vector<512x128xf32>
    %add3A_1388 = arith.addf %add3A_1381, %add3A_1387 : vector<512x128xf32>
    %slice3A_1389 = vector.extract_strided_slice %add3A_1388 {offsets = [0, 0], sizes = [1, 128], strides = [1, 1]} : vector<512x128xf32> to vector<1x128xf32>
    %get3A_1390 = arith.constant 0 : index
    %get3A_1391 = arith.constant 0 : index
    %get3A_1392 = vector.load %arg14[%get3A_1390, %get3A_1391] : memref<128x2xf32, #tpu.memory_space<vmem>>, vector<128x2xf32>
    %dot_general3A_1393 = arith.constant dense<0.000000e+00> : vector<1x2xf32>
    %dot_general3A_1394 = tpu.matmul %slice3A_1389, %get3A_1392, %dot_general3A_1393 {dimension_numbers = #tpu.dot_dimension_numbers<[1], [0], [0], [1], [0, 0, 1, 1], [], []>, transpose_lhs_hint = false} : vector<1x128xf32>, vector<128x2xf32>, vector<1x2xf32> -> vector<1x2xf32>
    %get3A_1395 = arith.constant 0 : index
    %get3A_1396 = arith.constant 0 : index
    %get3A_1397 = vector.load %arg15[%get3A_1395, %get3A_1396] : memref<1x2xf32, #tpu.memory_space<vmem>>, vector<1x2xf32>
    %add3A_1398 = arith.addf %dot_general3A_1394, %get3A_1397 : vector<1x2xf32>
    %swap3A = arith.index_cast %arg0 : i32 to index
    %swap3A_1399 = arith.constant 0 : index
    %swap3A_1400 = vector.load %arg16[%swap3A, %swap3A_1399] : memref<8x2xf32, #tpu.memory_space<vmem>>, vector<1x2xf32>
    tpu.vector_store %arg16[%swap3A, %swap3A_1399], %add3A_1398 {strides = array<i32>} : memref<8x2xf32, #tpu.memory_space<vmem>>, vector<1x2xf32>,
    return
  }
  func.func @transform_0(%arg0: i32) -> (i32, i32, i32) {
    %c0_i32 = arith.constant 0 : i32
    %c0_i32_0 = arith.constant 0 : i32
    %c0_i32_1 = arith.constant 0 : i32
    return %arg0, %c0_i32, %c0_i32_0 : i32, i32, i32
  }
  func.func @transform_1(%arg0: i32) -> (i32, i32) {
    %c0_i32 = arith.constant 0 : i32
    %c0_i32_0 = arith.constant 0 : i32
    %c0_i32_1 = arith.constant 0 : i32
    return %c0_i32, %c0_i32_0 : i32, i32
  }
  func.func @transform_2(%arg0: i32) -> (i32, i32, i32) {
    %c0_i32 = arith.constant 0 : i32
    %c0_i32_0 = arith.constant 0 : i32
    %c0_i32_1 = arith.constant 0 : i32
    return %arg0, %c0_i32, %c0_i32_0 : i32, i32, i32
  }
  func.func @transform_3(%arg0: i32) -> (i32, i32, i32) {
    %c0_i32 = arith.constant 0 : i32
    %c0_i32_0 = arith.constant 0 : i32
    %c0_i32_1 = arith.constant 0 : i32
    return %arg0, %c0_i32, %c0_i32_0 : i32, i32, i32
  }
  func.func @transform_4(%arg0: i32) -> (i32, i32) {
    %c0_i32 = arith.constant 0 : i32
    %c0_i32_0 = arith.constant 0 : i32
    %c0_i32_1 = arith.constant 0 : i32
    return %c0_i32, %c0_i32_0 : i32, i32
  }
  func.func @transform_5(%arg0: i32) -> (i32, i32, i32) {
    %c0_i32 = arith.constant 0 : i32
    %c0_i32_0 = arith.constant 0 : i32
    %c0_i32_1 = arith.constant 0 : i32
    %c0_i32_2 = arith.constant 0 : i32
    return %c0_i32, %c0_i32_0, %c0_i32_1 : i32, i32, i32
  }
  func.func @transform_6(%arg0: i32) -> (i32, i32, i32) {
    %c0_i32 = arith.constant 0 : i32
    %c0_i32_0 = arith.constant 0 : i32
    %c0_i32_1 = arith.constant 0 : i32
    %c0_i32_2 = arith.constant 0 : i32
    return %c0_i32, %c0_i32_0, %c0_i32_1 : i32, i32, i32
  }
  func.func @transform_7(%arg0: i32) -> (i32, i32, i32) {
    %c0_i32 = arith.constant 0 : i32
    %c0_i32_0 = arith.constant 0 : i32
    %c0_i32_1 = arith.constant 0 : i32
    %c0_i32_2 = arith.constant 0 : i32
    return %c0_i32, %c0_i32_0, %c0_i32_1 : i32, i32, i32
  }
  func.func @transform_8(%arg0: i32) -> (i32, i32, i32) {
    %c0_i32 = arith.constant 0 : i32
    %c0_i32_0 = arith.constant 0 : i32
    %c0_i32_1 = arith.constant 0 : i32
    %c0_i32_2 = arith.constant 0 : i32
    return %c0_i32, %c0_i32_0, %c0_i32_1 : i32, i32, i32
  }
  func.func @transform_9(%arg0: i32) -> (i32, i32, i32) {
    %c0_i32 = arith.constant 0 : i32
    %c0_i32_0 = arith.constant 0 : i32
    %c0_i32_1 = arith.constant 0 : i32
    %c0_i32_2 = arith.constant 0 : i32
    return %c0_i32, %c0_i32_0, %c0_i32_1 : i32, i32, i32
  }
  func.func @transform_10(%arg0: i32) -> (i32, i32, i32) {
    %c0_i32 = arith.constant 0 : i32
    %c0_i32_0 = arith.constant 0 : i32
    %c0_i32_1 = arith.constant 0 : i32
    %c0_i32_2 = arith.constant 0 : i32
    return %c0_i32, %c0_i32_0, %c0_i32_1 : i32, i32, i32
  }
  func.func @transform_11(%arg0: i32) -> (i32, i32, i32) {
    %c0_i32 = arith.constant 0 : i32
    %c0_i32_0 = arith.constant 0 : i32
    %c0_i32_1 = arith.constant 0 : i32
    %c0_i32_2 = arith.constant 0 : i32
    return %c0_i32, %c0_i32_0, %c0_i32_1 : i32, i32, i32
  }
  func.func @transform_12(%arg0: i32) -> (i32, i32, i32) {
    %c0_i32 = arith.constant 0 : i32
    %c0_i32_0 = arith.constant 0 : i32
    %c0_i32_1 = arith.constant 0 : i32
    %c0_i32_2 = arith.constant 0 : i32
    return %c0_i32, %c0_i32_0, %c0_i32_1 : i32, i32, i32
  }
  func.func @transform_13(%arg0: i32) -> (i32, i32) {
    %c0_i32 = arith.constant 0 : i32
    %c0_i32_0 = arith.constant 0 : i32
    %c0_i32_1 = arith.constant 0 : i32
    return %c0_i32, %c0_i32_0 : i32, i32
  }
  func.func @transform_14(%arg0: i32) -> (i32, i32) {
    %c0_i32 = arith.constant 0 : i32
    %c0_i32_0 = arith.constant 0 : i32
    %c0_i32_1 = arith.constant 0 : i32
    return %c0_i32, %c0_i32_0 : i32, i32
  }
  func.func @transform_15(%arg0: i32) -> (i32, i32) {
    %c0_i32 = arith.constant 0 : i32
    %c0_i32_0 = arith.constant 0 : i32
    %c0_i32_1 = arith.constant 0 : i32
    return %c0_i32, %c0_i32_0 : i32, i32
  }
}

</mosaic_0001>

<sc_bundles>
// kernel: kernel.4.cloned.1.call-start
scs
__scs_entry_jumppad:
0x0: {  	(pc) =	sbr.rel $0x88, $3  }
0x1: {  	(tag) =	ssettag $0x0;
	lr =	simm.s32 $0x1  }
0x2: {  	[smem:$0x3F92] =	sst lr;
	_ =	strace $0xD0000000  }
0x3: {  	_ = 	snop  }
0x4: {  	_ = 	snop  }
0x5: {  	_ = 	snop  }
0x6: {  	_ = 	snop  }
0x7: {  	_ = 	snop  }
__scs_overlays_trampoline_lowered:
0x8: {  	[smem:$0x3FA1] =	sst s0  }
0x9: {  	[smem:$0x3FA2] =	sst s1  }
0xa: {  	[smem:$0x3FA3] =	sst s2  }
0xb: {  	[smem:$0x3FA4] =	sst s3  }
0xc: {  	[smem:$0x3FA5] =	sst s4  }
0xd: {  	[smem:$0x3FA6] =	sst s5  }
0xe: {  	[smem:$0x3FA7] =	sst s6  }
0xf: {  	[smem:$0x3FA8] =	sst s7  }
0x10: {  	[smem:$0x3FA9] =	sst s8  }
0x11: {  	[smem:$0x3FAA] =	sst s9;
	s0 =	simm.s32 @!p0 $0x0  }
0x12: {  	s1 =	sld [smem:$0x3F90];
	s0 =	simm.s32 @p0 $0x1  }
0x13: {  	[smem:$0x3FAB] =	sst s0;
	s0 =	simm.s32 @!p1 $0x0  }
0x14: {  	s2 =	sld [smem:$0x3F8F];
	s0 =	simm.s32 @p1 $0x1  }
0x15: {  	[smem:$0x3FAC] =	sst s0;
	s0 =	simm.s32 @!p2 $0x0  }
0x16: {  	s3 =	sld [smem:$0x3FDB];
	s0 =	simm.s32 @p2 $0x1  }
0x17: {  	s4 =	simm.s32 $0x1BF5;
	[smem:$0x3FAE] =	sst s0  }
0x18: {  	s0 =	sld [smem:$0x3F91];
	_ =	swait.ge [sflag:s4], $0x0  }
0x19: {  	s7 =	sld [smem:$0x3F92]  }
0x1a: {  	s8 =	sadd.s32 $0xFFFFE003, lr  }
0x1b: {  	s9 =	sadd.s32 $0xFFFFFEF7, lr;
	s5 =	simm.s32 $0xFFFFFFFF;
	p2 =	slt.u32 s8, $0xFFFFF086  }
0x1c: {  	p1 =	slt.u32 s9, $0xF7A;
	s5 =	simm.s32 @!p2 $0x0  }
0x1d: {  	s5 =	simm.s32 @p1 $0x1;
	p0 =	seq.s32 s7, s2  }
0x1e: {  	s7 =	smul.u32 @!p0 $0xF7A, s2;
	p2 =	seq.s32 @!p0 s5, $0x0  }
0x1f: {  	s9 =	smul.u32 $0xF7A, s1;
	s8 =	simm.s32 @!p0 $0x1BF5;
	p2 =	por !p2, p0  }
0x20: {  	[sflag:s8] =	ssyncset.s32 @!p0 $0xFFFFF086;
	s6 =	sadd.s32 @!p0 s3, s7;
	s7 =	simm.s32 @!p0 $0x108  }
0x21: {  	s3 =	sadd.s32 s3, s9;
	s6 =	sadd.s32 @!p0 $0x88, s6;
	s7 =	simm.s32 @p2 $0x1082  }
0x22: {  	[simem:s7], [sflag:s8] =	dma.local @!p0 [hbm:s6], $0xF7A  }
0x23: {  	s9 =	sor.u32 $0xD0000000, s2;
	s6 =	simm.s32 $0x108;
	_ =	swait.ge @!p0 [sflag:s8], $0x0  }
0x24: {  	s3 =	sadd.s32 $0x88, s3;
	s6 =	simm.s32 @!p1 $0x1082;
	[sflag:s4] =	ssyncset.s32 $0xFFFFF086  }
0x25: {  	[simem:s6], [sflag:s4] =	dma.local [hbm:s3], $0xF7A  }
0x26: {  	[smem:$0x3F92] =	sst s1;
	(tag) =	ssettag s2;
	_ =	strace s9  }
0x27: {  	s1 =	sld [smem:$0x3FA2]  }
0x28: {  	s2 =	sld [smem:$0x3FA3]  }
0x29: {  	s4 =	sld [smem:$0x3FA5]  }
0x2a: {  	p0 =	seq.s32 s5, $0x0;
	s5 =	sld [smem:$0x3FA6]  }
0x2b: {  	s6 =	sld [smem:$0x3FA7]  }
0x2c: {  	s7 =	sld [smem:$0x3FA8]  }
0x2d: {  	s3 =	simm.s32 $0x108;
	s8 =	sld [smem:$0x3FA9]  }
0x2e: {  	s3 =	simm.s32 @!p0 $0x1082;
	s9 =	sld [smem:$0x3FAA]  }
0x2f: {  	lr =	sadd.s32 s0, s3;
	s0 =	sld [smem:$0x3FA1]  }
0x30: {  	s3 =	sld [smem:$0x3FA4]  }
0x31: {  	[smem:$0x3FAD] =	sst s10  }
0x32: {  	s10 =	sld [smem:$0x3FAB];
	_ =	sdelay $0x3  }
0x33: {  	p0 =	seq.s32 s10, $0x1;
	s10 =	sld [smem:$0x3FAD];
	_ =	sdelay $0x3  }
0x34: {  	[smem:$0x3FAD] =	sst s10  }
0x35: {  	s10 =	sld [smem:$0x3FAC];
	_ =	sdelay $0x3  }
0x36: {  	p1 =	seq.s32 s10, $0x1;
	s10 =	sld [smem:$0x3FAD];
	_ =	sdelay $0x3  }
0x37: {  	[smem:$0x3FAD] =	sst s10  }
0x38: {  	s10 =	sld [smem:$0x3FAE]  }
0x39: {  	_ = 	snop;
	(pc) =	sbr.ind lr, $3  }
0x3a: {  	_ = 	snop  }
0x3b: {  	_ = 	snop  }
0x3c: {  	p2 =	seq.s32 s10, $0x1;
	s10 =	sld [smem:$0x3FAD]  }
0x3d: {  	_ =	shalt  }
0x3e: {  	_ =	shalt  }
0x3f: {  	_ =	shalt  }
0x40: {  	_ =	shalt  }
0x41: {  	_ =	shalt  }
0x42: {  	_ =	shalt  }
0x43: {  	_ =	shalt  }
0x44: {  	_ =	shalt  }
0x45: {  	_ =	shalt  }
0x46: {  	_ =	shalt  }
0x47: {  	_ =	shalt  }
0x48: {  	_ =	shalt  }
0x49: {  	_ =	shalt  }
0x4a: {  	_ =	shalt  }
0x4b: {  	_ =	shalt  }
0x4c: {  	_ =	shalt  }
0x4d: {  	_ =	shalt  }
0x4e: {  	_ =	shalt  }
0x4f: {  	_ =	shalt  }
0x50: {  	_ =	shalt  }
0x51: {  	_ =	shalt  }
0x52: {  	_ =	shalt  }
0x53: {  	_ =	shalt  }
0x54: {  	_ =	shalt  }
0x55: {  	_ =	shalt  }
0x56: {  	_ =	shalt  }
0x57: {  	_ =	shalt  }
0x58: {  	_ =	shalt  }
0x59: {  	_ =	shalt  }
0x5a: {  	_ =	shalt  }
0x5b: {  	_ =	shalt  }
0x5c: {  	_ =	shalt  }
0x5d: {  	_ =	shalt  }
0x5e: {  	_ =	shalt  }
0x5f: {  	_ =	shalt  }
0x60: {  	_ =	shalt  }
0x61: {  	_ =	shalt  }
0x62: {  	_ =	shalt  }
0x63: {  	_ =	shalt  }
0x64: {  	_ =	shalt  }
0x65: {  	_ =	shalt  }
0x66: {  	_ =	shalt  }
0x67: {  	_ =	shalt  }
0x68: {  	_ =	shalt  }
0x69: {  	_ =	shalt  }
0x6a: {  	_ =	shalt  }
0x6b: {  	_ =	shalt  }
0x6c: {  	_ =	shalt  }
0x6d: {  	_ =	shalt  }
0x6e: {  	_ =	shalt  }
0x6f: {  	_ =	shalt  }
0x70: {  	_ =	shalt  }
0x71: {  	_ =	shalt  }
0x72: {  	_ =	shalt  }
0x73: {  	_ =	shalt  }
0x74: {  	_ =	shalt  }
0x75: {  	_ =	shalt  }
0x76: {  	_ =	shalt  }
0x77: {  	_ =	shalt  }
0x78: {  	_ =	shalt  }
0x79: {  	_ =	shalt  }
0x7a: {  	_ =	shalt  }
0x7b: {  	_ =	shalt  }
0x7c: {  	_ =	shalt  }
0x7d: {  	_ =	shalt  }
0x7e: {  	_ =	shalt  }
0x7f: {  	_ =	shalt  }
0x80: {  	_ =	shalt  }
0x81: {  	_ =	shalt  }
0x82: {  	_ =	shalt  }
0x83: {  	_ =	shalt  }
0x84: {  	_ =	shalt  }
0x85: {  	_ =	shalt  }
0x86: {  	_ =	shalt  }
0x87: {  	_ =	shalt  }
.Lfunc_end0:
.L_simem_size_0:
called_computation_lowered:
.L_overlay_start_0:
0x88: {  	s2 =	sld [smem:$0x3FD9]  }
0x89: {  	s3 =	sld [smem:$0x3FFE];
	_ =	sdelay $0x1  }
0x8a: {  	s1 =	srdreg.scid  }
0x8b: {  	s0 =	sand.u32 $0x1, s1  }
0x8c: {  	s17 =	sshll.u32 s0, $0xA;
	s2 =	sadd.s32 s3, s2  }
0x8d: {  	s2 =	sadd.s32 s2, s17  }
0x8e: {  	[smem:$0x3FB9] =	sst s2  }
0x8f: {  	_ = 	snop  }
0x90: {  	s2 =	sld [smem:$0x3FC6];
	(tm) =	ssettm $0x1  }
0x91: {  	s18 =	sld [smem:$0x3FFB];
	_ =	sdelay $0x3  }
0x92: {  	_ =	strace s18  }
0x93: {  	s3 =	sld [smem:$0x3FFC];
	_ =	sdelay $0x3  }
0x94: {  	_ =	strace s3  }
0x95: {  	s3 =	sld [smem:$0x3FFD];
	_ =	sdelay $0x3  }
0x96: {  	_ =	strace s3  }
0x97: {  	_ =	strace $0x8FFFFFFF  }
0x98: {  	s19 =	sld [smem:$0x3FDB];
	_ =	sdelay $0x1  }
0x99: {  	s4 =	simm.s32 $_scs_section_size  }
0x9a: {  	s5 =	simm.s32 $_size__tile_overlayer_lowered;
	s6 =	simm.s32 $_tile_overlayer_lowered  }
0x9b: {  	s22 =	simm.s32 $0x1BFF;
	s21 =	sshll.u32 s6, $0x1;
	s3 =	sadd.s32 s4, s19  }
0x9c: {  	s7 =	simm.s32 $0x0;
	s20 =	sshll.u32 s5, $0x1;
	s5 =	sadd.s32 s21, s3  }
0x9d: {  	[timem:s7], [sflag:s22] =	dma.local [hbm:s5], s20  }
0x9e: {  	_ =	swait.ge [sflag:s22], s20  }
0x9f: {  	s4 =	ssub.s32 $0x0, s20;
	[sflag:s22] =	ssyncset.done $0x0  }
0xa0: {  	[sflag:s22] =	ssyncadd.s32 s4;
	_ =	sdelay $0x1  }
0xa1: {  	s23 =	simm.s32 $0x1B8B  }
0xa2: {  	_ =	swait.ge [sflag:s23], $0x1  }
0xa3: {  	[sflag:s23] =	ssyncset.done $0x0  }
0xa4: {  	s25 =	simm.s32 $0x1B8E;
	s24 =	sld [smem:$0x3FFE];
	[sflag:s23] =	ssyncadd.s32 $0xFFFFFFFF  }
0xa5: {  	s26 =	simm.s32 $execute0_lowered;
	[smem:$0x3FD2] =	sst s25  }
0xa6: {  	s5 =	sshll.u32 s26, $0x1;
	_ =	strace $0x80000046;
	[dreg:$0x1] =	wrdreg $0xFFFFFFFF  }
0xa7: {  	s28 =	simm.s32 $_size_execute0_lowered;
	s3 =	sadd.s32 s3, s5;
	[dreg:$0x0] =	wrdreg $0x0  }
0xa8: {  	s5 =	sshll.u32 s28, $0x1;
	[dreg:$0x2] =	wrdreg s3  }
0xa9: {  	[dreg:$0x3] =	wrdreg s5  }
0xaa: {  	[dreg:$0x4] =	wrdreg $0xC0  }
0xab: {  	_ =	task [dreg:s7], $0x5FFFF  }
0xac: {  	[dreg:$0x1] =	wrdreg $0xFFFFFFFF  }
0xad: {  	[dreg:$0x0] =	wrdreg $0x60  }
0xae: {  	[dreg:$0x2] =	wrdreg s2  }
0xaf: {  	[dreg:$0x3] =	wrdreg s24  }
0xb0: {  	[dreg:$0x4] =	wrdreg $0x9  }
0xb1: {  	_ =	task.clear_ibuf [dreg:s7], $0x5FFFF;
	_ =	strace $0x90000046  }
0xb2: {  	s29 =	simm.s32 $0x9;
	_ =	strace $0x8000004D  }
0xb3: {  	_ =	swait.ge [sflag:s29], $0x1  }
0xb4: {  	[sflag:s29] =	ssyncadd.s32 $0xFFFFFFFF  }
0xb5: {  	_ =	strace $0x9000004D  }
0xb6: {  	_ =	sfence  }
0xb7: {  	s30 =	sld [smem:$0x0];
	_ =	sdelay $0x2  }
0xb8: {  	s31 =	sshll.u32 s1, $0xD;
	s1 =	sshrl.u32 s1, $0x2  }
0xb9: {  	s3 =	sand.u32 $0x4000, s31;
	s1 =	sadd.s32 s1, s30  }
0xba: {  	s0 =	sor.u32 s3, s0;
	s1 =	sshll.u32 s1, $0x11  }
0xbb: {  	s0 =	sor.u32 s1, s0  }
0xbc: {  	s0 =	sadd.s32 $0x8F2B, s0  }
0xbd: {  	[sflag:s0] =	ssyncadd.remote.s32 $0x1  }
0xbe: {  	_ =	sfence.sel $0xFFFF  }
0xbf: {  	[dreg:$0x0] =	wrdreg $0xFFFFFFFF;
	(pc) =	sbr.abs _section_cstart, $3  }
0xc0: {  	[dreg:$0x1] =	wrdreg $0xFFFFFFFF  }
0xc1: {  	_ =	task.clear_ibuf [dreg:s7], $0x2FFFF;
	_ =	strace $0x9FFFFFFF  }
0xc2: {  	(tm) =	ssettm $0x7FFFFFFF  }
0xc3: {  	_ =	shalt  }
tec
execute0_lowered:
.L_overlay_start_1:
0x0: {  	(tag) =	ssettag $0x1  }
0x1: {  	s1 =	srdreg.scid  }
0x2: {  	s0 =	stileid.u32;
	s9 =	sand.u32 $0x1, s1  }
0x3: {  	s2 =	rddreg [dreg:$0x0];
	s5 =	sshll.u32 s0, $0x7;
	s4 =	sshll.u32 s9, $0xB  }
0x4: {  	s10 =	rddreg [dreg:$0x1];
	s3 =	simm.s32 $0x0;
	s11 =	sor.u32 s5, s4  }
0x5: {  	[smem:$0x7FF] =	sst s3;
	s4 =	sshrl.u32 s11, $0x3  }
0x6: {  	s1 =	rddreg [dreg:$0x2];
	_ =	strace $0x80000047;
	s4 =	sadd.s32 s4, s10  }
0x7: {  	_ =	strace $0x80000048;
	s4 =	sadd.s32 $0x2200, s4  }
0x8: {  	[tilespmem:s3], [sflag:$0x1] =	stream.linear.gather [hbm4b:s4+s3], $0x80, $0x200038;
	[tilespmem:$0x8100] =	vst v63  }
0x9: {  	_ =	strace $0x90000048  }
0xa: {  	s5 =	simm.s32 $0x1;
	_ =	strace $0x80000049  }
0xb: {  	_ =	swait.ge [sflag:s5], $0x80  }
0xc: {  	[sflag:s5] =	ssyncset.done $0x0  }
0xd: {  	[sflag:s5] =	ssyncadd.s32 $0xFFFFFF80  }
0xe: {  	s6 =	simm.s32 $0x80;
	_ =	strace $0x90000049  }
0xf: {  	s7 =	simm.s32 $0x100;
	s8 =	simm.s32 $0x5;
	_ =	strace $0x8000004A  }
0x10: {  	[tilespmem:s7], [sflag:$0x5] =	stream.indirect.gather [hbm4b:s2+s6], $0x80, s3, s6, $0x2000b8;
	[tilespmem:$0x8100] =	vst v63  }
0x11: {  	s30 =	ssub.s32 $0x2, s9;
	_ =	swait.ge [sflag:s8], $0x4000  }
0x12: {  	s31 =	sshrl.u32 s30, $0x1;
	s11 =	sshll.u32 s11, $0x4;
	[sflag:s8] =	ssyncset.done $0x0  }
0x13: {  	s10 =	sadd.s32 s11, s10;
	s11 =	ssub.s32 s30, s31;
	[sflag:s8] =	ssyncadd.s32 $0xFFFFC000  }
0x14: {  	s11 =	smax.u32 s11, $0x1;
	_ =	strace $0x9000004A  }
0x15: {  	s9 =	sadd.s32 $0x2400, s10;
	p0 =	sne.s32 s11, $0x1;
	_ =	strace $0x8000004B  }
0x16: {  	[hbm4b:s9+s3] =	stream.linear.scatter [tilespmem:s7], [sflag:$0x3], $0x4000, $0x200038;
	[tilespmem:$0x8100] =	vst v63  }
.Ltmp0:
0x17: {  	_ =	strace $0x9000004B;
	(pc) =	sbr.rel @!p0 .LBB2_2-.Ltmp0, $4  }
0x18: {  	s10 =	simm.s32 $0x3;
	_ =	strace $0x8000004C  }
0x19: {  	_ =	swait.ge [sflag:s10], $0x4000  }
0x1a: {  	[sflag:s10] =	ssyncset.done $0x0  }
0x1b: {  	s11 =	sadd.s32 $0xFFFFFFFF, s11;
	[sflag:s10] =	ssyncadd.s32 $0xFFFFC000  }
.LBB2_1:
0x1c: {  	p0 =	sne.s32 s11, $0x1;
	s11 =	sadd.s32 $0xFFFFFFFF, s11;
	_ =	strace $0x9000004C  }
0x1d: {  	_ =	strace $0x80000048  }
0x1e: {  	[tilespmem:s3], [sflag:$0x1] =	stream.linear.gather [hbm4b:s4+s3], $0x80, $0x200038;
	[tilespmem:$0x8100] =	vst v63  }
0x1f: {  	_ =	strace $0x90000048  }
0x20: {  	_ =	strace $0x80000049  }
0x21: {  	_ =	swait.ge [sflag:s5], $0x80  }
0x22: {  	[sflag:s5] =	ssyncset.done $0x0  }
0x23: {  	[sflag:s5] =	ssyncadd.s32 $0xFFFFFF80  }
0x24: {  	_ =	strace $0x90000049  }
0x25: {  	_ =	strace $0x8000004A  }
0x26: {  	[tilespmem:s7], [sflag:$0x5] =	stream.indirect.gather [hbm4b:s2+s6], $0x80, s3, s6, $0x2000b8;
	[tilespmem:$0x8100] =	vst v63  }
0x27: {  	_ =	swait.ge [sflag:s8], $0x4000  }
0x28: {  	[sflag:s8] =	ssyncset.done $0x0  }
0x29: {  	[sflag:s8] =	ssyncadd.s32 $0xFFFFC000  }
0x2a: {  	_ =	strace $0x9000004A  }
0x2b: {  	_ =	strace $0x8000004B  }
0x2c: {  	[hbm4b:s9+s3] =	stream.linear.scatter [tilespmem:s7], [sflag:$0x3], $0x4000, $0x200038;
	[tilespmem:$0x8100] =	vst v63  }
.Ltmp1:
0x2d: {  	_ =	strace $0x9000004B;
	(pc) =	sbr.rel @p0 .LBB2_1-.Ltmp1, $4  }
0x2e: {  	_ =	strace $0x8000004C  }
0x2f: {  	_ =	swait.ge [sflag:s10], $0x4000  }
0x30: {  	[sflag:s10] =	ssyncset.done $0x0  }
0x31: {  	[sflag:s10] =	ssyncadd.s32 $0xFFFFC000  }
.LBB2_2:
0x32: {  	_ =	strace $0x9000004C  }
0x33: {  	_ =	sfence.sel $0x180000  }
0x34: {  	[bflag:$0x0] =	sbarrier.arrive $0xFFFF  }
0x35: {  	p0 =	sne.s32 s0, $0x0;
	_ =	strace $0x90000047  }
0x36: {  	s0 =	sadd.s32 @!p0 $0x100000, s1;
	[bflag:$0x2] =	sbarrier.arrive $0xFFFF  }
0x37: {  	[sflag:s0] =	ssyncadd.tile.s32 @!p0 $0x1;
	_ =	shalt  }
.Lfunc_end2:
_tile_overlayer_lowered:
.L_overlay_start_2:
0x38: {  	(tag) =	ssettag $0x2  }
0x39: {  	s0 =	rddreg [dreg:$0x0];
	s2 =	stileid.u32  }
0x3a: {  	s1 =	rddreg [dreg:$0x1];
	p0 =	sne.s32 s2, $0x0  }
0x3b: {  	s3 =	rddreg [dreg:$0x2];
	[bflag:$0x3] =	sbarrier.arrive $0xFFFF;
	s2 =	simm.s32 @!p0 $0x1C01  }
0x3c: {  	[timem:s3], [sflag:s2] =	dma.local @!p0 [hbm:s0], s1  }
0x3d: {  	s0 =	simm.s32 @!p0 $0x1  }
0x3e: {  	_ =	swait.ge @!p0 [sflag:s0], s1  }
0x3f: {  	s1 =	ssub.s32 @!p0 $0x0, s1;
	[sflag:s0] =	ssyncset.done @!p0 $0x0  }
0x40: {  	[sflag:s0] =	ssyncadd.s32 @!p0 s1  }
0x41: {  	[bflag:$0x3] =	sbarrier.arrive $0xFFFF  }
0x42: {  	_ =	shalt  }

</sc_bundles>
